<compile_context>
chip_gen: v7x
topology: tpu7x:2x2x1
jax: 0.10.2.dev20260603
libtpu: 0.0.44.dev20260713+nightly
codegen_flags: <defaults>
</compile_context>

<pallas_src>
import functools

import jax
import jax.numpy as jnp
from jax import lax
from jax.experimental import pallas as pl
from jax.experimental.pallas import tpu as pltpu
from jax.experimental.pallas import tpu_sc as plsc

NC = 2
NS = 16
NW = NC * NS
L = 16
SS = 100
ZR = 800
W = 8


def _rsqrt(q):
    i = lax.bitcast_convert_type(q, jnp.int32)
    i = 0x5F3759DF - lax.shift_right_arithmetic(i, 1)
    y = lax.bitcast_convert_type(i, jnp.float32)
    for _ in range(3):
        y = y * (1.5 - 0.5 * q * y * y)
    return y


def _make_edge_kernel(E, NPAD, C):
    EPW = E // NW
    NCH = EPW // C
    G = C // L
    K100 = C // SS
    RPT = NPAD // NS
    KR = RPT // SS
    ZK = ZR // SS

    mesh = plsc.VectorSubcoreMesh(core_axis_name="c", subcore_axis_name="s",
                                  num_cores=NC, num_subcores=NS)
    ef32 = jax.ShapeDtypeStruct((E,), jnp.float32)

    @functools.partial(
        pl.kernel,
        out_type=[ef32] * 7 + [jax.ShapeDtypeStruct((NC, NPAD, W), jnp.float32)],
        mesh=mesh,
        compiler_params=pltpu.CompilerParams(
            needs_layout_passes=False, use_tc_tiling_on_sc=False),
        scratch_types=[
            pltpu.VMEM((3 * (C // SS), SS), jnp.int32),
            pltpu.VMEM((3 * (C // SS), SS), jnp.int32),
            pltpu.VMEM((3 * C, 8), jnp.float32),
            pltpu.VMEM((3 * C, 8), jnp.float32),
            pltpu.VMEM((3 * C,), jnp.float32),
            pltpu.VMEM((3 * C,), jnp.float32),
            pltpu.VMEM((3 * C,), jnp.float32),
            pltpu.VMEM((2 * C,), jnp.float32),
            pltpu.VMEM((2 * C,), jnp.float32),
            pltpu.VMEM((2 * C,), jnp.float32),
            pltpu.VMEM((2 * C,), jnp.float32),
            pltpu.VMEM((2 * C,), jnp.float32),
            pltpu.VMEM((2 * C,), jnp.float32),
            pltpu.VMEM((2 * C,), jnp.float32),
            pltpu.VMEM((2 * C, W), jnp.float32),
            pltpu.VMEM((2 * C, W), jnp.float32),
            pltpu.VMEM((96,), jnp.float32),
            pltpu.VMEM((ZR, W), jnp.float32),
            pltpu.VMEM((NPAD // NS // SS, SS), jnp.int32),
            pltpu.VMEM_SHARED((NPAD, W), jnp.float32),
            pltpu.SemaphoreType.DMA,
            pltpu.SemaphoreType.DMA,
            pltpu.SemaphoreType.DMA,
            pltpu.SemaphoreType.DMA,
            pltpu.SemaphoreType.DMA,
        ],
    )
    def edge_kernel(tab, na2d, nb2d, pE, pA, pI, consts, zeros8, ids2d,
                    l0_o, cc_o, ss_o, Ne_o, M1_o, M2_o, Ve_o, accp,
                    naidx, nbidx, rowsA, rowsB, pEv, pAv, pIv,
                    l0v, ccv, ssv, Nev, M1v, M2v, Vev, updA, updB, cvec,
                    zbuf, idbuf, acc_sh, semIn, semA, semB, semOut, semU):
        cid = lax.axis_index("c")
        sid = lax.axis_index("s")
        wid = sid * NC + cid

        pltpu.sync_copy(zeros8, zbuf)
        pltpu.sync_copy(ids2d.at[pl.ds(sid * KR, KR)], idbuf)

        def zfire(j, carry):
            pltpu.async_copy(
                zbuf.at[pl.ds(0, SS)], acc_sh.at[idbuf.at[j]], semU)
            return carry
        lax.fori_loop(0, KR, zfire, 0)

        def zdrain(j, carry):
            pltpu.make_async_copy(
                zbuf.at[pl.ds(0, SS)], acc_sh.at[idbuf.at[0]], semU).wait()
            return carry
        lax.fori_loop(0, KR, zdrain, 0)
        pltpu.sync_copy(consts, cvec)

        iot = lax.iota(jnp.int32, L)
        zf = jnp.zeros((L,), jnp.float32)

        def zpad(g, carry):
            r = g * L + iot
            for col in range(3, W):
                cvec_i = jnp.full((L,), col, jnp.int32)
                plsc.store_scatter(updA, [r, cvec_i], zf)
                plsc.store_scatter(updB, [r, cvec_i], zf)
            return carry
        lax.fori_loop(0, 2 * G, zpad, 0)

        plsc.subcore_barrier()

        s_ax = cvec[pl.ds(0, L)]
        s_bend = cvec[pl.ds(16, L)]
        s_sw = cvec[pl.ds(32, L)]
        s_mw = cvec[pl.ds(48, L)]
        Fc = cvec[pl.ds(64, L)]
        Mc = cvec[pl.ds(80, L)]

        base = wid * EPW
        base100 = wid * (EPW // SS)

        def fire_inputs(k):
            par = lax.rem(k, 3)
            off = base + k * C
            off100 = base100 + k * K100
            pltpu.async_copy(na2d.at[pl.ds(off100, K100)],
                             naidx.at[pl.ds(par * K100, K100)], semIn)
            pltpu.async_copy(nb2d.at[pl.ds(off100, K100)],
                             nbidx.at[pl.ds(par * K100, K100)], semIn)
            pltpu.async_copy(pE.at[pl.ds(off, C)],
                             pEv.at[pl.ds(par * C, C)], semIn)
            pltpu.async_copy(pA.at[pl.ds(off, C)],
                             pAv.at[pl.ds(par * C, C)], semIn)
            pltpu.async_copy(pI.at[pl.ds(off, C)],
                             pIv.at[pl.ds(par * C, C)], semIn)

        def drain_inputs():
            pltpu.make_async_copy(
                na2d.at[pl.ds(0, K100)], naidx.at[pl.ds(0, K100)],
                semIn).wait()
            pltpu.make_async_copy(
                nb2d.at[pl.ds(0, K100)], nbidx.at[pl.ds(0, K100)],
                semIn).wait()
            pltpu.make_async_copy(
                pE.at[pl.ds(0, C)], pEv.at[pl.ds(0, C)], semIn).wait()
            pltpu.make_async_copy(
                pA.at[pl.ds(0, C)], pAv.at[pl.ds(0, C)], semIn).wait()
            pltpu.make_async_copy(
                pI.at[pl.ds(0, C)], pIv.at[pl.ds(0, C)], semIn).wait()

        def fire_gathers(k):
            par = lax.rem(k, 3)

            def fire(j, carry2):
                pltpu.async_copy(
                    tab.at[naidx.at[par * K100 + j]],
                    rowsA.at[pl.ds(par * C + j * SS, SS)], semA)
                pltpu.async_copy(
                    tab.at[nbidx.at[par * K100 + j]],
                    rowsB.at[pl.ds(par * C + j * SS, SS)], semB)
                return carry2
            lax.fori_loop(0, K100, fire, 0)

        def drain_gathers():
            def drain(j, carry2):
                pltpu.make_async_copy(
                    tab.at[naidx.at[0]], rowsA.at[pl.ds(0, SS)], semA).wait()
                pltpu.make_async_copy(
                    tab.at[nbidx.at[0]], rowsB.at[pl.ds(0, SS)], semB).wait()
                return carry2
            lax.fori_loop(0, K100, drain, 0)

        def drain_outs():
            for o in (l0_o, cc_o, ss_o, Ne_o, M1_o, M2_o, Ve_o):
                pltpu.make_async_copy(
                    l0v.at[pl.ds(0, C)], o.at[pl.ds(base, C)], semOut).wait()

        def drain_scatter():
            def udrain(j, carry2):
                pltpu.make_async_copy(
                    updA.at[pl.ds(0, SS)], acc_sh.at[naidx.at[0]],
                    semU).wait()
                pltpu.make_async_copy(
                    updB.at[pl.ds(0, SS)], acc_sh.at[nbidx.at[0]],
                    semU).wait()
                return carry2
            lax.fori_loop(0, K100, udrain, 0)

        fire_inputs(0)
        drain_inputs()
        fire_gathers(0)
        fire_inputs(1)
        drain_inputs()
        fire_gathers(1)

        def chunk(k, carry):
            p3 = lax.rem(k, 3)
            p2 = lax.rem(k, 2)
            off = base + k * C

            @pl.when(k > 0)
            def _():
                drain_outs()
                drain_scatter()

            @pl.when(k + 2 < NCH)
            def _():
                fire_inputs(k + 2)

            drain_gathers()

            def grp(g, carry2):
                r = p3 * C + g * L + iot
                r2 = p2 * C + g * L + iot

                def gA(col):
                    return plsc.load_gather(
                        rowsA, [r, jnp.full((L,), col, jnp.int32)])

                def gB(col):
                    return plsc.load_gather(
                        rowsB, [r, jnp.full((L,), col, jnp.int32)])

                d0 = gA(0); d1 = gA(1); ta = -gA(2)
                d3 = gB(0); d4 = gB(1); tb = -gB(2)
                cxA = gA(3); czA = gA(4)
                cxB = gB(3); czB = gB(4)
                dx = cxB - cxA
                dz = czB - czA
                q = dx * dx + dz * dz
                y = _rsqrt(q)
                y2 = y * y
                y3 = y2 * y
                sl3 = pl.ds(p3 * C + g * L, L)
                sl = pl.ds(p2 * C + g * L, L)
                eE = pEv[sl3]; eA = pAv[sl3]; eI = pIv[sl3]
                EAv = eE * eA
                EIv = eE * eI
                k_ax = EAv * s_ax * y
                k_bend = EIv * s_bend * y
                k_sw = EIv * s_sw * y2
                k_tr = EIv * s_ax * y3
                k_mw = EIv * s_mw * y2
                cc = dx * y
                ss = dz * y
                ua = cc * d0 + ss * d1
                wa = cc * d1 - ss * d0
                ub = cc * d3 + ss * d4
                wb = cc * d4 - ss * d3
                f0 = k_ax * (ua - ub)
                wab = wa - wb
                tsum = ta + tb
                f1 = 12.0 * k_tr * wab + 6.0 * k_sw * tsum
                mwab = 6.0 * k_mw * wab
                f2 = mwab + k_bend * (4.0 * ta + 2.0 * tb)
                f5 = mwab + k_bend * (2.0 * ta + 4.0 * tb)
                gx = cc * f0 - ss * f1
                gy = ss * f0 + cc * f1
                l0v[sl] = q * y
                ccv[sl] = cc
                ssv[sl] = ss
                Nev[sl] = -f0 * Fc
                M1v[sl] = f2 * Mc
                M2v[sl] = f5 * Mc
                Vev[sl] = -f1 * Fc

                def cS(i):
                    return jnp.full((L,), i, jnp.int32)
                plsc.store_scatter(updA, [r2, cS(0)], gx)
                plsc.store_scatter(updA, [r2, cS(1)], gy)
                plsc.store_scatter(updA, [r2, cS(2)], f2)
                plsc.store_scatter(updB, [r2, cS(0)], -gx)
                plsc.store_scatter(updB, [r2, cS(1)], -gy)
                plsc.store_scatter(updB, [r2, cS(2)], f5)
                return carry2

            lax.fori_loop(0, G, grp, 0)

            ds_o = pl.ds(off, C)
            ds_p = pl.ds(p2 * C, C)
            pltpu.async_copy(l0v.at[ds_p], l0_o.at[ds_o], semOut)
            pltpu.async_copy(ccv.at[ds_p], cc_o.at[ds_o], semOut)
            pltpu.async_copy(ssv.at[ds_p], ss_o.at[ds_o], semOut)
            pltpu.async_copy(Nev.at[ds_p], Ne_o.at[ds_o], semOut)
            pltpu.async_copy(M1v.at[ds_p], M1_o.at[ds_o], semOut)
            pltpu.async_copy(M2v.at[ds_p], M2_o.at[ds_o], semOut)
            pltpu.async_copy(Vev.at[ds_p], Ve_o.at[ds_o], semOut)

            def ufire(j, carry2):
                pltpu.async_copy(
                    updA.at[pl.ds(p2 * C + j * SS, SS)],
                    acc_sh.at[naidx.at[p3 * K100 + j]], semU, add=True)
                pltpu.async_copy(
                    updB.at[pl.ds(p2 * C + j * SS, SS)],
                    acc_sh.at[nbidx.at[p3 * K100 + j]], semU, add=True)
                return carry2
            lax.fori_loop(0, K100, ufire, 0)

            @pl.when(k + 2 < NCH)
            def _():
                drain_inputs()
                fire_gathers(k + 2)
            return carry

        lax.fori_loop(0, NCH, chunk, 0)
        drain_outs()
        drain_scatter()

        plsc.subcore_barrier()
        for r in range(RPT // ZR):
            def gfire(j, carry, r=r):
                pltpu.async_copy(
                    acc_sh.at[idbuf.at[r * ZK + j]],
                    zbuf.at[pl.ds(j * SS, SS)], semU)
                return carry
            lax.fori_loop(0, ZK, gfire, 0)

            def gdrain(j, carry):
                pltpu.make_async_copy(
                    acc_sh.at[idbuf.at[0]], zbuf.at[pl.ds(0, SS)],
                    semU).wait()
                return carry
            lax.fori_loop(0, ZK, gdrain, 0)
            pltpu.sync_copy(
                zbuf, accp.at[cid, pl.ds(sid * RPT + r * ZR, ZR)])

    return edge_kernel


def _make_node_kernel(NPAD, CH2):
    FPT4 = NPAD * 4 // NW
    CH8 = CH2 * 2
    NCH2 = FPT4 // CH2
    G2 = CH2 // L
    G8 = CH8 // L

    mesh = plsc.VectorSubcoreMesh(core_axis_name="c", subcore_axis_name="s",
                                  num_cores=NC, num_subcores=NS)

    @functools.partial(
        pl.kernel,
        out_type=[jax.ShapeDtypeStruct((NPAD * 8,), jnp.float32),
                  jax.ShapeDtypeStruct((NPAD * 4,), jnp.float32),
                  jax.ShapeDtypeStruct((NPAD * 4,), jnp.float32)],
        mesh=mesh,
        compiler_params=pltpu.CompilerParams(
            needs_layout_passes=False, use_tc_tiling_on_sc=False),
        scratch_types=[
            pltpu.VMEM((CH8,), jnp.float32),
            pltpu.VMEM((CH8,), jnp.float32),
            pltpu.VMEM((CH8,), jnp.float32),
            pltpu.VMEM((CH2,), jnp.float32),
            pltpu.VMEM((CH2,), jnp.float32),
            pltpu.VMEM((CH2,), jnp.float32),
            pltpu.VMEM((CH2,), jnp.float32),
            pltpu.VMEM((32,), jnp.float32),
        ],
    )
    def node_kernel(accpf, pr4f, fx4f, scl, nf_o, pd_o, fe_o,
                    a0v, a1v, nfv, prv, fxv, pdv, fev, sclv):
        cid = lax.axis_index("c")
        sid = lax.axis_index("s")
        wid = sid * NC + cid
        pltpu.sync_copy(scl, sclv)
        sdisp = sclv[pl.ds(0, L)]
        sfext = sclv[pl.ds(16, L)]
        base4 = wid * FPT4
        base8 = wid * FPT4 * 2

        def chunk(k, carry):
            off4 = base4 + k * CH2
            off8 = base8 + k * CH8
            pltpu.sync_copy(accpf.at[pl.ds(off8, CH8)], a0v)
            pltpu.sync_copy(accpf.at[pl.ds(NPAD * 8 + off8, CH8)], a1v)
            pltpu.sync_copy(pr4f.at[pl.ds(off4, CH2)], prv)
            pltpu.sync_copy(fx4f.at[pl.ds(off4, CH2)], fxv)

            def grp8(g, carry2):
                slg = pl.ds(g * L, L)
                nfv[slg] = a0v[slg] + a1v[slg]
                return carry2
            lax.fori_loop(0, G8, grp8, 0)

            def grp4(g, carry2):
                slg = pl.ds(g * L, L)
                pdv[slg] = prv[slg] * sdisp
                fev[slg] = fxv[slg] * sfext
                return carry2
            lax.fori_loop(0, G2, grp4, 0)

            pltpu.sync_copy(nfv, nf_o.at[pl.ds(off8, CH8)])
            pltpu.sync_copy(pdv, pd_o.at[pl.ds(off4, CH2)])
            pltpu.sync_copy(fev, fe_o.at[pl.ds(off4, CH2)])
            return carry

        lax.fori_loop(0, NCH2, chunk, 0)

    return node_kernel


def kernel(pred_raw, connectivity, coords, prop_E, prop_A, prop_I22,
           F_ext, u_c, theta_c, F_c, M_c):
    E = connectivity.shape[0]
    Nn = pred_raw.shape[0]
    C = 400
    NPAD = 102400

    nA = connectivity[:, 0].reshape(E // SS, SS)
    nB = connectivity[:, 1].reshape(E // SS, SS)
    tab = jnp.concatenate(
        [pred_raw, coords[:, 0:1], coords[:, 2:3],
         jnp.zeros((Nn, 3), jnp.float32)], axis=1)
    zeros8 = jnp.zeros((ZR, W), jnp.float32)

    def sp(v):
        return jnp.full((L,), v, jnp.float32)
    consts = jnp.concatenate([
        sp(u_c / F_c), sp(theta_c / M_c), sp(theta_c / F_c),
        sp(u_c / M_c), sp(F_c), sp(M_c)])

    z = jnp.float32(0.0)
    scl = jnp.concatenate([
        jnp.tile(jnp.stack([u_c, u_c, theta_c, z]), 4),
        jnp.tile(jnp.stack([1.0 / F_c, 1.0 / F_c, 1.0 / M_c, z]), 4)])

    pr4 = jnp.pad(pred_raw, ((0, NPAD - Nn), (0, 1)))
    fx4 = jnp.pad(F_ext, ((0, NPAD - Nn), (0, 1)))
    ids2d = jnp.arange(NPAD, dtype=jnp.int32).reshape(NPAD // SS, SS)

    edge_k = _make_edge_kernel(E, NPAD, C)
    l0, cc, ss, Ne, M1, M2, Ve, accp = edge_k(
        tab, nA, nB, prop_E, prop_A, prop_I22, consts, zeros8, ids2d)

    node_k = _make_node_kernel(NPAD, 3200)
    nf8f, pd4f, fe4f = node_k(
        accp.reshape(-1), pr4.reshape(-1), fx4.reshape(-1), scl)

    nf = nf8f.reshape(NPAD, W)[:Nn, :3]
    pd = pd4f.reshape(NPAD, 4)[:Nn, :3]
    fe = fe4f.reshape(NPAD, 4)[:Nn, :3]
    return (nf, fe, Ne, M1, M2, Ve, pd, l0, cc, ss)

# --- scband reference (transcript-rebuilt; emitter-appended) ---
"""Pipeline reference for scband-corotational-beam2-d-12146167513821 (READ-ONLY COPY).

The authoritative reference and input builder live on the scoring server;
editing this copy changes nothing except your own understanding.
"""

import jax, jax.numpy as jnp
import numpy as np

N_NODES = 100000
N_EDGES = 3200000

def setup_inputs(seed: int = 0):
    key = jax.random.key(seed)
    ks = jax.random.split(key, 8)
    pred_raw = jax.random.normal(ks[0], (N_NODES, 3), dtype=jnp.float32)
    nA = jax.random.randint(ks[1], (N_EDGES,), 0, N_NODES)
    off = jax.random.randint(ks[2], (N_EDGES,), 1, N_NODES)
    nB = (nA + off) % N_NODES  # guarantee nA != nB so l0 > 0
    connectivity = jnp.stack([nA, nB], axis=1).astype(jnp.int32)
    coords = jax.random.normal(ks[3], (N_NODES, 3), dtype=jnp.float32)
    prop_E = jax.random.uniform(ks[4], (N_EDGES,), dtype=jnp.float32, minval=1.0, maxval=2.0)
    prop_A = jax.random.uniform(ks[5], (N_EDGES,), dtype=jnp.float32, minval=0.5, maxval=1.5)
    prop_I22 = jax.random.uniform(ks[6], (N_EDGES,), dtype=jnp.float32, minval=0.5, maxval=1.5)
    F_ext = jax.random.normal(ks[7], (N_NODES, 3), dtype=jnp.float32)
    return {"pred_raw": pred_raw, "connectivity": connectivity, "coords": coords,
            "prop_E": prop_E, "prop_A": prop_A, "prop_I22": prop_I22, "F_ext": F_ext,
            "u_c": jnp.float32(1.0), "theta_c": jnp.float32(1.0),
            "F_c": jnp.float32(1.0), "M_c": jnp.float32(1.0)}

def reference(pred_raw, connectivity, coords, prop_E, prop_A, prop_I22, F_ext, u_c, theta_c, F_c, M_c):
    nA = connectivity[:, 0]
    nB = connectivity[:, 1]
    N_count = pred_raw.shape[0]
    phys_disp = jnp.stack([pred_raw[:, 0] * u_c, pred_raw[:, 1] * u_c, pred_raw[:, 2] * theta_c], axis=1)
    dx0 = coords[nB, 0] - coords[nA, 0]
    dz0 = coords[nB, 2] - coords[nA, 2]
    l0 = jnp.sqrt(dx0 ** 2 + dz0 ** 2)
    c = dx0 / l0
    s = dz0 / l0
    EA = prop_E * prop_A
    EI = prop_E * prop_I22
    k_ax = EA * u_c / (F_c * l0)
    k_bend = EI * theta_c / (M_c * l0)
    k_sw = EI * theta_c / (F_c * l0 ** 2)
    k_tr = EI * u_c / (F_c * l0 ** 3)
    d0 = pred_raw[nA, 0]; d1 = pred_raw[nA, 1]; d2 = -pred_raw[nA, 2]
    d3 = pred_raw[nB, 0]; d4 = pred_raw[nB, 1]; d5 = -pred_raw[nB, 2]
    ua = c * d0 + s * d1
    wa = -s * d0 + c * d1
    ta = d2
    ub = c * d3 + s * d4
    wb = -s * d3 + c * d4
    tb = d5
    f0 = k_ax * (ua - ub)
    f3 = k_ax * (ub - ua)
    f1 = 12 * k_tr * (wa - wb) + 6 * k_sw * (ta + tb)
    f4 = 12 * k_tr * (wb - wa) - 6 * k_sw * (ta + tb)
    k_mw = EI * u_c / (M_c * l0 ** 2)
    f2 = 6 * k_mw * (wa - wb) + k_bend * (4 * ta + 2 * tb)
    f5 = 6 * k_mw * (wa - wb) + k_bend * (2 * ta + 4 * tb)
    fgA = jnp.stack([c * f0 - s * f1, s * f0 + c * f1, f2], axis=1)
    fgB = jnp.stack([c * f3 - s * f4, s * f3 + c * f4, f5], axis=1)
    nodal_forces_nd = jnp.zeros((N_count, 3), dtype=pred_raw.dtype)
    nodal_forces_nd = nodal_forces_nd.at[nA].add(fgA)
    nodal_forces_nd = nodal_forces_nd.at[nB].add(fgB)
    F_ext_nd = jnp.stack([F_ext[:, 0] / F_c, F_ext[:, 1] / F_c, F_ext[:, 2] / M_c], axis=1)
    N_e = f3 * F_c
    M1_e = f2 * M_c
    M2_e = f5 * M_c
    V_e = f4 * F_c
    return (nodal_forces_nd, F_ext_nd, N_e, M1_e, M2_e, V_e, phys_disp, l0, c, s)

if __name__ == "__main__":
    import jax
    _d = setup_inputs()
    print(jax.jit(kernel)(*tuple(_d.values())))

</pallas_src>

<mosaic_0001>
#map = affine_map<(d0, d1) -> (0)>
module attributes {stable_mosaic.version = 14 : i64} {
  func.func @node_kernel(%arg0: i32, %arg1: i32, %arg2: memref<1638400xf32, #tpu.memory_space<hbm>>, %arg3: memref<409600xf32, #tpu.memory_space<hbm>>, %arg4: memref<409600xf32, #tpu.memory_space<hbm>>, %arg5: memref<32xf32, #tpu.memory_space<hbm>>, %arg6: memref<819200xf32, #tpu.memory_space<hbm>>, %arg7: memref<409600xf32, #tpu.memory_space<hbm>>, %arg8: memref<409600xf32, #tpu.memory_space<hbm>>, %arg9: memref<6400xf32, #tpu.memory_space<vmem>>, %arg10: memref<6400xf32, #tpu.memory_space<vmem>>, %arg11: memref<6400xf32, #tpu.memory_space<vmem>>, %arg12: memref<3200xf32, #tpu.memory_space<vmem>>, %arg13: memref<3200xf32, #tpu.memory_space<vmem>>, %arg14: memref<3200xf32, #tpu.memory_space<vmem>>, %arg15: memref<3200xf32, #tpu.memory_space<vmem>>, %arg16: memref<32xf32, #tpu.memory_space<vmem>>) attributes {dimension_semantics = [#tpu.dimension_semantics<core_parallel>, #tpu.dimension_semantics<subcore_parallel>], iteration_bounds = array<i64: 2, 16>, scalar_prefetch = 0 : i64, scratch_operands = 8 : i64, tpu.core_type = #tpu.core_type<sc_vector_subcore>, window_params = [{transform_indices = #map}, {transform_indices = #map}, {transform_indices = #map}, {transform_indices = #map}, {transform_indices = #map}, {transform_indices = #map}, {transform_indices = #map}]} {
    %mul3A = arith.constant 2 : i32
    %mul3A_0 = arith.muli %arg1, %mul3A : i32
    %add3A = arith.addi %mul3A_0, %arg0 : i32
    "tpu.region"() ({
      %run_scoped3A = tpu.sem_alloc : memref<!tpu.dma_semaphore, #tpu.memory_space<semaphore_mem>>
      tpu.enqueue_dma source(%arg5 : memref<32xf32, #tpu.memory_space<hbm>>) target(%arg16 : memref<32xf32, #tpu.memory_space<vmem>>) target_semaphore(%run_scoped3A : memref<!tpu.dma_semaphore, #tpu.memory_space<semaphore_mem>>)
      tpu.wait_dma2 semaphore(%run_scoped3A : memref<!tpu.dma_semaphore, #tpu.memory_space<semaphore_mem>>) src(%arg5 : memref<32xf32, #tpu.memory_space<hbm>>) dst(%arg16 : memref<32xf32, #tpu.memory_space<vmem>>)
      tpu.yield
    }) : () -> ()
    %get3A = arith.constant 0 : index
    %get3A_1 = tpu.vector_load %arg16[%get3A] {strides = array<i32>} : memref<32xf32, #tpu.memory_space<vmem>>, vector<16xf32>,
    %get3A_2 = arith.constant 16 : index
    %get3A_3 = tpu.vector_load %arg16[%get3A_2] {strides = array<i32>} : memref<32xf32, #tpu.memory_space<vmem>>, vector<16xf32>,
    %mul3A_4 = arith.constant 12800 : i32
    %mul3A_5 = arith.muli %add3A, %mul3A_4 : i32
    %mul3A_6 = arith.constant 12800 : i32
    %mul3A_7 = arith.muli %add3A, %mul3A_6 : i32
    %mul3A_8 = arith.constant 2 : i32
    %mul3A_9 = arith.muli %mul3A_7, %mul3A_8 : i32
    %scan3A = arith.constant 0 : i32
    %scan3A_10 = arith.constant 0 : i32
    %scan3A_11 = arith.constant 4 : i32
    %scan3A_12 = arith.addi %scan3A_10, %scan3A_11 : i32
    %scan3A_13 = arith.constant 1 : i32
    scf.for %scan3A_15 = %scan3A_10 to %scan3A_12 step %scan3A_13  : i32 {
      %mul3A_16 = arith.constant 3200 : i32
      %mul3A_17 = arith.muli %scan3A_15, %mul3A_16 : i32
      %add3A_18 = arith.addi %mul3A_5, %mul3A_17 : i32
      %mul3A_19 = arith.constant 6400 : i32
      %mul3A_20 = arith.muli %scan3A_15, %mul3A_19 : i32
      %add3A_21 = arith.addi %mul3A_9, %mul3A_20 : i32
      "tpu.region"() ({
        %run_scoped3A = tpu.sem_alloc : memref<!tpu.dma_semaphore, #tpu.memory_space<semaphore_mem>>
        %dma_start3A = tpu.memref_slice %arg2[%add3A_21] : memref<1638400xf32, #tpu.memory_space<hbm>> -> memref<6400xf32, #tpu.memory_space<hbm>>
        %dma_start3A_36 = tpu.memref_slice %arg2[%add3A_21] : memref<1638400xf32, #tpu.memory_space<hbm>> -> memref<6400xf32, #tpu.memory_space<hbm>>
        tpu.enqueue_dma source(%dma_start3A_36 : memref<6400xf32, #tpu.memory_space<hbm>>) target(%arg9 : memref<6400xf32, #tpu.memory_space<vmem>>) target_semaphore(%run_scoped3A : memref<!tpu.dma_semaphore, #tpu.memory_space<semaphore_mem>>)
        %dma_wait3A = tpu.memref_slice %arg2[%add3A_21] : memref<1638400xf32, #tpu.memory_space<hbm>> -> memref<6400xf32, #tpu.memory_space<hbm>>
        %dma_wait3A_37 = tpu.memref_slice %arg2[%add3A_21] : memref<1638400xf32, #tpu.memory_space<hbm>> -> memref<6400xf32, #tpu.memory_space<hbm>>
        tpu.wait_dma2 semaphore(%run_scoped3A : memref<!tpu.dma_semaphore, #tpu.memory_space<semaphore_mem>>) src(%dma_wait3A_37 : memref<6400xf32, #tpu.memory_space<hbm>>) dst(%arg9 : memref<6400xf32, #tpu.memory_space<vmem>>)
        tpu.yield
      }) : () -> ()
      %add3A_22 = arith.constant 819200 : i32
      %add3A_23 = arith.addi %add3A_22, %add3A_21 : i32
      "tpu.region"() ({
        %run_scoped3A = tpu.sem_alloc : memref<!tpu.dma_semaphore, #tpu.memory_space<semaphore_mem>>
        %dma_start3A = tpu.memref_slice %arg2[%add3A_23] : memref<1638400xf32, #tpu.memory_space<hbm>> -> memref<6400xf32, #tpu.memory_space<hbm>>
        %dma_start3A_36 = tpu.memref_slice %arg2[%add3A_23] : memref<1638400xf32, #tpu.memory_space<hbm>> -> memref<6400xf32, #tpu.memory_space<hbm>>
        tpu.enqueue_dma source(%dma_start3A_36 : memref<6400xf32, #tpu.memory_space<hbm>>) target(%arg10 : memref<6400xf32, #tpu.memory_space<vmem>>) target_semaphore(%run_scoped3A : memref<!tpu.dma_semaphore, #tpu.memory_space<semaphore_mem>>)
        %dma_wait3A = tpu.memref_slice %arg2[%add3A_23] : memref<1638400xf32, #tpu.memory_space<hbm>> -> memref<6400xf32, #tpu.memory_space<hbm>>
        %dma_wait3A_37 = tpu.memref_slice %arg2[%add3A_23] : memref<1638400xf32, #tpu.memory_space<hbm>> -> memref<6400xf32, #tpu.memory_space<hbm>>
        tpu.wait_dma2 semaphore(%run_scoped3A : memref<!tpu.dma_semaphore, #tpu.memory_space<semaphore_mem>>) src(%dma_wait3A_37 : memref<6400xf32, #tpu.memory_space<hbm>>) dst(%arg10 : memref<6400xf32, #tpu.memory_space<vmem>>)
        tpu.yield
      }) : () -> ()
      "tpu.region"() ({
        %run_scoped3A = tpu.sem_alloc : memref<!tpu.dma_semaphore, #tpu.memory_space<semaphore_mem>>
        %dma_start3A = tpu.memref_slice %arg3[%add3A_18] : memref<409600xf32, #tpu.memory_space<hbm>> -> memref<3200xf32, #tpu.memory_space<hbm>>
        %dma_start3A_36 = tpu.memref_slice %arg3[%add3A_18] : memref<409600xf32, #tpu.memory_space<hbm>> -> memref<3200xf32, #tpu.memory_space<hbm>>
        tpu.enqueue_dma source(%dma_start3A_36 : memref<3200xf32, #tpu.memory_space<hbm>>) target(%arg12 : memref<3200xf32, #tpu.memory_space<vmem>>) target_semaphore(%run_scoped3A : memref<!tpu.dma_semaphore, #tpu.memory_space<semaphore_mem>>)
        %dma_wait3A = tpu.memref_slice %arg3[%add3A_18] : memref<409600xf32, #tpu.memory_space<hbm>> -> memref<3200xf32, #tpu.memory_space<hbm>>
        %dma_wait3A_37 = tpu.memref_slice %arg3[%add3A_18] : memref<409600xf32, #tpu.memory_space<hbm>> -> memref<3200xf32, #tpu.memory_space<hbm>>
        tpu.wait_dma2 semaphore(%run_scoped3A : memref<!tpu.dma_semaphore, #tpu.memory_space<semaphore_mem>>) src(%dma_wait3A_37 : memref<3200xf32, #tpu.memory_space<hbm>>) dst(%arg12 : memref<3200xf32, #tpu.memory_space<vmem>>)
        tpu.yield
      }) : () -> ()
      "tpu.region"() ({
        %run_scoped3A = tpu.sem_alloc : memref<!tpu.dma_semaphore, #tpu.memory_space<semaphore_mem>>
        %dma_start3A = tpu.memref_slice %arg4[%add3A_18] : memref<409600xf32, #tpu.memory_space<hbm>> -> memref<3200xf32, #tpu.memory_space<hbm>>
        %dma_start3A_36 = tpu.memref_slice %arg4[%add3A_18] : memref<409600xf32, #tpu.memory_space<hbm>> -> memref<3200xf32, #tpu.memory_space<hbm>>
        tpu.enqueue_dma source(%dma_start3A_36 : memref<3200xf32, #tpu.memory_space<hbm>>) target(%arg13 : memref<3200xf32, #tpu.memory_space<vmem>>) target_semaphore(%run_scoped3A : memref<!tpu.dma_semaphore, #tpu.memory_space<semaphore_mem>>)
        %dma_wait3A = tpu.memref_slice %arg4[%add3A_18] : memref<409600xf32, #tpu.memory_space<hbm>> -> memref<3200xf32, #tpu.memory_space<hbm>>
        %dma_wait3A_37 = tpu.memref_slice %arg4[%add3A_18] : memref<409600xf32, #tpu.memory_space<hbm>> -> memref<3200xf32, #tpu.memory_space<hbm>>
        tpu.wait_dma2 semaphore(%run_scoped3A : memref<!tpu.dma_semaphore, #tpu.memory_space<semaphore_mem>>) src(%dma_wait3A_37 : memref<3200xf32, #tpu.memory_space<hbm>>) dst(%arg13 : memref<3200xf32, #tpu.memory_space<vmem>>)
        tpu.yield
      }) : () -> ()
      %scan3A_24 = arith.constant 0 : i32
      %scan3A_25 = arith.constant 0 : i32
      %scan3A_26 = arith.constant 400 : i32
      %scan3A_27 = arith.addi %scan3A_25, %scan3A_26 : i32
      %scan3A_28 = arith.constant 1 : i32
      scf.for %scan3A_36 = %scan3A_25 to %scan3A_27 step %scan3A_28  : i32 {
        %mul3A_37 = arith.constant 16 : i32
        %mul3A_38 = arith.muli %scan3A_36, %mul3A_37 : i32
        %get3A_39 = arith.index_cast %mul3A_38 : i32 to index
        %get3A_40 = tpu.vector_load %arg9[%get3A_39] {strides = array<i32>} : memref<6400xf32, #tpu.memory_space<vmem>>, vector<16xf32>,
        %get3A_41 = arith.index_cast %mul3A_38 : i32 to index
        %get3A_42 = tpu.vector_load %arg10[%get3A_41] {strides = array<i32>} : memref<6400xf32, #tpu.memory_space<vmem>>, vector<16xf32>,
        %add3A_43 = arith.addf %get3A_40, %get3A_42 : vector<16xf32>
        %swap3A = arith.index_cast %mul3A_38 : i32 to index
        %swap3A_44 = tpu.vector_load %arg11[%swap3A] {strides = array<i32>} : memref<6400xf32, #tpu.memory_space<vmem>>, vector<16xf32>,
        tpu.vector_store %arg11[%swap3A], %add3A_43 {strides = array<i32>} : memref<6400xf32, #tpu.memory_space<vmem>>, vector<16xf32>,
      }
      %scan3A_29 = arith.constant 400 : i32
      %scan3A_30 = arith.constant 0 : i32
      %scan3A_31 = arith.constant 0 : i32
      %scan3A_32 = arith.constant 200 : i32
      %scan3A_33 = arith.addi %scan3A_31, %scan3A_32 : i32
      %scan3A_34 = arith.constant 1 : i32
      scf.for %scan3A_36 = %scan3A_31 to %scan3A_33 step %scan3A_34  : i32 {
        %mul3A_37 = arith.constant 16 : i32
        %mul3A_38 = arith.muli %scan3A_36, %mul3A_37 : i32
        %get3A_39 = arith.index_cast %mul3A_38 : i32 to index
        %get3A_40 = tpu.vector_load %arg12[%get3A_39] {strides = array<i32>} : memref<3200xf32, #tpu.memory_space<vmem>>, vector<16xf32>,
        %mul3A_41 = arith.mulf %get3A_40, %get3A_1 : vector<16xf32>
        %swap3A = arith.index_cast %mul3A_38 : i32 to index
        %swap3A_42 = tpu.vector_load %arg14[%swap3A] {strides = array<i32>} : memref<3200xf32, #tpu.memory_space<vmem>>, vector<16xf32>,
        tpu.vector_store %arg14[%swap3A], %mul3A_41 {strides = array<i32>} : memref<3200xf32, #tpu.memory_space<vmem>>, vector<16xf32>,
        %get3A_43 = arith.index_cast %mul3A_38 : i32 to index
        %get3A_44 = tpu.vector_load %arg13[%get3A_43] {strides = array<i32>} : memref<3200xf32, #tpu.memory_space<vmem>>, vector<16xf32>,
        %mul3A_45 = arith.mulf %get3A_44, %get3A_3 : vector<16xf32>
        %swap3A_46 = arith.index_cast %mul3A_38 : i32 to index
        %swap3A_47 = tpu.vector_load %arg15[%swap3A_46] {strides = array<i32>} : memref<3200xf32, #tpu.memory_space<vmem>>, vector<16xf32>,
        tpu.vector_store %arg15[%swap3A_46], %mul3A_45 {strides = array<i32>} : memref<3200xf32, #tpu.memory_space<vmem>>, vector<16xf32>,
      }
      %scan3A_35 = arith.constant 200 : i32
      "tpu.region"() ({
        %run_scoped3A = tpu.sem_alloc : memref<!tpu.dma_semaphore, #tpu.memory_space<semaphore_mem>>
        %dma_start3A = tpu.memref_slice %arg6[%add3A_21] : memref<819200xf32, #tpu.memory_space<hbm>> -> memref<6400xf32, #tpu.memory_space<hbm>>
        %dma_start3A_36 = tpu.memref_slice %arg6[%add3A_21] : memref<819200xf32, #tpu.memory_space<hbm>> -> memref<6400xf32, #tpu.memory_space<hbm>>
        tpu.enqueue_dma source(%arg11 : memref<6400xf32, #tpu.memory_space<vmem>>) target(%dma_start3A_36 : memref<6400xf32, #tpu.memory_space<hbm>>) target_semaphore(%run_scoped3A : memref<!tpu.dma_semaphore, #tpu.memory_space<semaphore_mem>>)
        %dma_wait3A = tpu.memref_slice %arg6[%add3A_21] : memref<819200xf32, #tpu.memory_space<hbm>> -> memref<6400xf32, #tpu.memory_space<hbm>>
        %dma_wait3A_37 = tpu.memref_slice %arg6[%add3A_21] : memref<819200xf32, #tpu.memory_space<hbm>> -> memref<6400xf32, #tpu.memory_space<hbm>>
        tpu.wait_dma2 semaphore(%run_scoped3A : memref<!tpu.dma_semaphore, #tpu.memory_space<semaphore_mem>>) src(%arg11 : memref<6400xf32, #tpu.memory_space<vmem>>) dst(%dma_wait3A_37 : memref<6400xf32, #tpu.memory_space<hbm>>)
        tpu.yield
      }) : () -> ()
      "tpu.region"() ({
        %run_scoped3A = tpu.sem_alloc : memref<!tpu.dma_semaphore, #tpu.memory_space<semaphore_mem>>
        %dma_start3A = tpu.memref_slice %arg7[%add3A_18] : memref<409600xf32, #tpu.memory_space<hbm>> -> memref<3200xf32, #tpu.memory_space<hbm>>
        %dma_start3A_36 = tpu.memref_slice %arg7[%add3A_18] : memref<409600xf32, #tpu.memory_space<hbm>> -> memref<3200xf32, #tpu.memory_space<hbm>>
        tpu.enqueue_dma source(%arg14 : memref<3200xf32, #tpu.memory_space<vmem>>) target(%dma_start3A_36 : memref<3200xf32, #tpu.memory_space<hbm>>) target_semaphore(%run_scoped3A : memref<!tpu.dma_semaphore, #tpu.memory_space<semaphore_mem>>)
        %dma_wait3A = tpu.memref_slice %arg7[%add3A_18] : memref<409600xf32, #tpu.memory_space<hbm>> -> memref<3200xf32, #tpu.memory_space<hbm>>
        %dma_wait3A_37 = tpu.memref_slice %arg7[%add3A_18] : memref<409600xf32, #tpu.memory_space<hbm>> -> memref<3200xf32, #tpu.memory_space<hbm>>
        tpu.wait_dma2 semaphore(%run_scoped3A : memref<!tpu.dma_semaphore, #tpu.memory_space<semaphore_mem>>) src(%arg14 : memref<3200xf32, #tpu.memory_space<vmem>>) dst(%dma_wait3A_37 : memref<3200xf32, #tpu.memory_space<hbm>>)
        tpu.yield
      }) : () -> ()
      "tpu.region"() ({
        %run_scoped3A = tpu.sem_alloc : memref<!tpu.dma_semaphore, #tpu.memory_space<semaphore_mem>>
        %dma_start3A = tpu.memref_slice %arg8[%add3A_18] : memref<409600xf32, #tpu.memory_space<hbm>> -> memref<3200xf32, #tpu.memory_space<hbm>>
        %dma_start3A_36 = tpu.memref_slice %arg8[%add3A_18] : memref<409600xf32, #tpu.memory_space<hbm>> -> memref<3200xf32, #tpu.memory_space<hbm>>
        tpu.enqueue_dma source(%arg15 : memref<3200xf32, #tpu.memory_space<vmem>>) target(%dma_start3A_36 : memref<3200xf32, #tpu.memory_space<hbm>>) target_semaphore(%run_scoped3A : memref<!tpu.dma_semaphore, #tpu.memory_space<semaphore_mem>>)
        %dma_wait3A = tpu.memref_slice %arg8[%add3A_18] : memref<409600xf32, #tpu.memory_space<hbm>> -> memref<3200xf32, #tpu.memory_space<hbm>>
        %dma_wait3A_37 = tpu.memref_slice %arg8[%add3A_18] : memref<409600xf32, #tpu.memory_space<hbm>> -> memref<3200xf32, #tpu.memory_space<hbm>>
        tpu.wait_dma2 semaphore(%run_scoped3A : memref<!tpu.dma_semaphore, #tpu.memory_space<semaphore_mem>>) src(%arg15 : memref<3200xf32, #tpu.memory_space<vmem>>) dst(%dma_wait3A_37 : memref<3200xf32, #tpu.memory_space<hbm>>)
        tpu.yield
      }) : () -> ()
    }
    %scan3A_14 = arith.constant 4 : i32
    return
  }
}

#map = affine_map<(d0, d1) -> (0, 0)>
#map1 = affine_map<(d0, d1) -> (0)>
#map2 = affine_map<(d0, d1) -> (0, 0, 0)>
module attributes {stable_mosaic.version = 14 : i64} {
  func.func @edge_kernel(%arg0: i32, %arg1: i32, %arg2: memref<100000x8xf32, #tpu.memory_space<hbm>>, %arg3: memref<32000x100xi32, #tpu.memory_space<hbm>>, %arg4: memref<32000x100xi32, #tpu.memory_space<hbm>>, %arg5: memref<3200000xf32, #tpu.memory_space<hbm>>, %arg6: memref<3200000xf32, #tpu.memory_space<hbm>>, %arg7: memref<3200000xf32, #tpu.memory_space<hbm>>, %arg8: memref<96xf32, #tpu.memory_space<hbm>>, %arg9: memref<800x8xf32, #tpu.memory_space<hbm>>, %arg10: memref<1024x100xi32, #tpu.memory_space<hbm>>, %arg11: memref<3200000xf32, #tpu.memory_space<hbm>>, %arg12: memref<3200000xf32, #tpu.memory_space<hbm>>, %arg13: memref<3200000xf32, #tpu.memory_space<hbm>>, %arg14: memref<3200000xf32, #tpu.memory_space<hbm>>, %arg15: memref<3200000xf32, #tpu.memory_space<hbm>>, %arg16: memref<3200000xf32, #tpu.memory_space<hbm>>, %arg17: memref<3200000xf32, #tpu.memory_space<hbm>>, %arg18: memref<2x102400x8xf32, #tpu.memory_space<hbm>>, %arg19: memref<12x100xi32, #tpu.memory_space<vmem>>, %arg20: memref<12x100xi32, #tpu.memory_space<vmem>>, %arg21: memref<1200x8xf32, #tpu.memory_space<vmem>>, %arg22: memref<1200x8xf32, #tpu.memory_space<vmem>>, %arg23: memref<1200xf32, #tpu.memory_space<vmem>>, %arg24: memref<1200xf32, #tpu.memory_space<vmem>>, %arg25: memref<1200xf32, #tpu.memory_space<vmem>>, %arg26: memref<800xf32, #tpu.memory_space<vmem>>, %arg27: memref<800xf32, #tpu.memory_space<vmem>>, %arg28: memref<800xf32, #tpu.memory_space<vmem>>, %arg29: memref<800xf32, #tpu.memory_space<vmem>>, %arg30: memref<800xf32, #tpu.memory_space<vmem>>, %arg31: memref<800xf32, #tpu.memory_space<vmem>>, %arg32: memref<800xf32, #tpu.memory_space<vmem>>, %arg33: memref<800x8xf32, #tpu.memory_space<vmem>>, %arg34: memref<800x8xf32, #tpu.memory_space<vmem>>, %arg35: memref<96xf32, #tpu.memory_space<vmem>>, %arg36: memref<800x8xf32, #tpu.memory_space<vmem>>, %arg37: memref<64x100xi32, #tpu.memory_space<vmem>>, %arg38: memref<102400x8xf32, #tpu.memory_space<vmem_shared>>, %arg39: memref<!tpu.dma_semaphore, #tpu.memory_space<semaphore_mem>>, %arg40: memref<!tpu.dma_semaphore, #tpu.memory_space<semaphore_mem>>, %arg41: memref<!tpu.dma_semaphore, #tpu.memory_space<semaphore_mem>>, %arg42: memref<!tpu.dma_semaphore, #tpu.memory_space<semaphore_mem>>, %arg43: memref<!tpu.dma_semaphore, #tpu.memory_space<semaphore_mem>>) attributes {dimension_semantics = [#tpu.dimension_semantics<core_parallel>, #tpu.dimension_semantics<subcore_parallel>], iteration_bounds = array<i64: 2, 16>, scalar_prefetch = 0 : i64, scratch_operands = 25 : i64, tpu.core_type = #tpu.core_type<sc_vector_subcore>, window_params = [{transform_indices = #map}, {transform_indices = #map}, {transform_indices = #map}, {transform_indices = #map1}, {transform_indices = #map1}, {transform_indices = #map1}, {transform_indices = #map1}, {transform_indices = #map}, {transform_indices = #map}, {transform_indices = #map1}, {transform_indices = #map1}, {transform_indices = #map1}, {transform_indices = #map1}, {transform_indices = #map1}, {transform_indices = #map1}, {transform_indices = #map1}, {transform_indices = #map2}]} {
    %mul3A = arith.constant 2 : i32
    %mul3A_0 = arith.muli %arg1, %mul3A : i32
    %add3A = arith.addi %mul3A_0, %arg0 : i32
    "tpu.region"() ({
      %run_scoped3A = tpu.sem_alloc : memref<!tpu.dma_semaphore, #tpu.memory_space<semaphore_mem>>
      tpu.enqueue_dma source(%arg9 : memref<800x8xf32, #tpu.memory_space<hbm>>) target(%arg36 : memref<800x8xf32, #tpu.memory_space<vmem>>) target_semaphore(%run_scoped3A : memref<!tpu.dma_semaphore, #tpu.memory_space<semaphore_mem>>)
      tpu.wait_dma2 semaphore(%run_scoped3A : memref<!tpu.dma_semaphore, #tpu.memory_space<semaphore_mem>>) src(%arg9 : memref<800x8xf32, #tpu.memory_space<hbm>>) dst(%arg36 : memref<800x8xf32, #tpu.memory_space<vmem>>)
      tpu.yield
    }) : () -> ()
    %mul3A_1 = arith.constant 64 : i32
    %mul3A_2 = arith.muli %arg1, %mul3A_1 : i32
    "tpu.region"() ({
      %run_scoped3A = tpu.sem_alloc : memref<!tpu.dma_semaphore, #tpu.memory_space<semaphore_mem>>
      %dma_start3A_420 = arith.constant 0 : i32
      %dma_start3A_421 = tpu.memref_slice %arg10[%mul3A_2, %dma_start3A_420] : memref<1024x100xi32, #tpu.memory_space<hbm>> -> memref<64x100xi32, #tpu.memory_space<hbm>>
      %dma_start3A_422 = arith.constant 0 : i32
      %dma_start3A_423 = tpu.memref_slice %arg10[%mul3A_2, %dma_start3A_422] : memref<1024x100xi32, #tpu.memory_space<hbm>> -> memref<64x100xi32, #tpu.memory_space<hbm>>
      tpu.enqueue_dma source(%dma_start3A_423 : memref<64x100xi32, #tpu.memory_space<hbm>>) target(%arg37 : memref<64x100xi32, #tpu.memory_space<vmem>>) target_semaphore(%run_scoped3A : memref<!tpu.dma_semaphore, #tpu.memory_space<semaphore_mem>>)
      %dma_wait3A_424 = arith.constant 0 : i32
      %dma_wait3A_425 = tpu.memref_slice %arg10[%mul3A_2, %dma_wait3A_424] : memref<1024x100xi32, #tpu.memory_space<hbm>> -> memref<64x100xi32, #tpu.memory_space<hbm>>
      %dma_wait3A_426 = arith.constant 0 : i32
      %dma_wait3A_427 = tpu.memref_slice %arg10[%mul3A_2, %dma_wait3A_426] : memref<1024x100xi32, #tpu.memory_space<hbm>> -> memref<64x100xi32, #tpu.memory_space<hbm>>
      tpu.wait_dma2 semaphore(%run_scoped3A : memref<!tpu.dma_semaphore, #tpu.memory_space<semaphore_mem>>) src(%dma_wait3A_427 : memref<64x100xi32, #tpu.memory_space<hbm>>) dst(%arg37 : memref<64x100xi32, #tpu.memory_space<vmem>>)
      tpu.yield
    }) : () -> ()
    %scan3A = arith.constant 0 : i32
    %scan3A_3 = arith.constant 0 : i32
    %scan3A_4 = arith.constant 64 : i32
    %scan3A_5 = arith.addi %scan3A_3, %scan3A_4 : i32
    %scan3A_6 = arith.constant 1 : i32
    scf.for %scan3A_420 = %scan3A_3 to %scan3A_5 step %scan3A_6  : i32 {
      %dma_start3A_421 = arith.constant 0 : i32
      %dma_start3A_422 = arith.constant 0 : i32
      %dma_start3A_423 = tpu.memref_slice %arg36[%dma_start3A_421, %dma_start3A_422] : memref<800x8xf32, #tpu.memory_space<vmem>> -> memref<100x8xf32, #tpu.memory_space<vmem>>
      %dma_start3A_424 = arith.constant 0 : i32
      %dma_start3A_425 = tpu.memref_slice %arg37[%scan3A_420, %dma_start3A_424] : memref<64x100xi32, #tpu.memory_space<vmem>> -> memref<1x100xi32, #tpu.memory_space<vmem>>
      %dma_start3A_426 = tpu.memref_squeeze %dma_start3A_425 : memref<1x100xi32, #tpu.memory_space<vmem>> -> memref<100xi32, #tpu.memory_space<vmem>>
      %dma_start3A_427 = arith.constant 0 : i32
      %dma_start3A_428 = arith.constant 0 : i32
      %dma_start3A_429 = tpu.memref_slice %arg38[%dma_start3A_427, %dma_start3A_428] : memref<102400x8xf32, #tpu.memory_space<vmem_shared>> -> memref<102400x8xf32, #tpu.memory_space<vmem_shared>>
      tpu.enqueue_indirect_dma source(%dma_start3A_423 : memref<100x8xf32, #tpu.memory_space<vmem>>) target(%dma_start3A_429 : memref<102400x8xf32, #tpu.memory_space<vmem_shared>>) offsets(%dma_start3A_426 : memref<100xi32, #tpu.memory_space<vmem>>) semaphore(%arg43 : memref<!tpu.dma_semaphore, #tpu.memory_space<semaphore_mem>>)
    }
    %scan3A_7 = arith.constant 64 : i32
    %scan3A_8 = arith.constant 0 : i32
    %scan3A_9 = arith.constant 0 : i32
    %scan3A_10 = arith.constant 64 : i32
    %scan3A_11 = arith.addi %scan3A_9, %scan3A_10 : i32
    %scan3A_12 = arith.constant 1 : i32
    scf.for %scan3A_420 = %scan3A_9 to %scan3A_11 step %scan3A_12  : i32 {
      %dma_wait3A_421 = arith.constant 0 : i32
      %dma_wait3A_422 = arith.constant 0 : i32
      %dma_wait3A_423 = arith.constant 0 : i32
      %dma_wait3A_424 = tpu.memref_slice %arg36[%dma_wait3A_422, %dma_wait3A_423] : memref<800x8xf32, #tpu.memory_space<vmem>> -> memref<100x8xf32, #tpu.memory_space<vmem>>
      %dma_wait3A_425 = arith.constant 0 : i32
      %dma_wait3A_426 = tpu.memref_slice %arg37[%dma_wait3A_421, %dma_wait3A_425] : memref<64x100xi32, #tpu.memory_space<vmem>> -> memref<1x100xi32, #tpu.memory_space<vmem>>
      %dma_wait3A_427 = tpu.memref_squeeze %dma_wait3A_426 : memref<1x100xi32, #tpu.memory_space<vmem>> -> memref<100xi32, #tpu.memory_space<vmem>>
      %dma_wait3A_428 = arith.constant 0 : i32
      %dma_wait3A_429 = arith.constant 0 : i32
      %dma_wait3A_430 = tpu.memref_slice %arg38[%dma_wait3A_428, %dma_wait3A_429] : memref<102400x8xf32, #tpu.memory_space<vmem_shared>> -> memref<102400x8xf32, #tpu.memory_space<vmem_shared>>
      tpu.wait_indirect_dma semaphore(%arg43 : memref<!tpu.dma_semaphore, #tpu.memory_space<semaphore_mem>>) src(%dma_wait3A_424 : memref<100x8xf32, #tpu.memory_space<vmem>>) dst(%dma_wait3A_430 : memref<102400x8xf32, #tpu.memory_space<vmem_shared>>)
    }
    %scan3A_13 = arith.constant 64 : i32
    "tpu.region"() ({
      %run_scoped3A = tpu.sem_alloc : memref<!tpu.dma_semaphore, #tpu.memory_space<semaphore_mem>>
      tpu.enqueue_dma source(%arg8 : memref<96xf32, #tpu.memory_space<hbm>>) target(%arg35 : memref<96xf32, #tpu.memory_space<vmem>>) target_semaphore(%run_scoped3A : memref<!tpu.dma_semaphore, #tpu.memory_space<semaphore_mem>>)
      tpu.wait_dma2 semaphore(%run_scoped3A : memref<!tpu.dma_semaphore, #tpu.memory_space<semaphore_mem>>) src(%arg8 : memref<96xf32, #tpu.memory_space<hbm>>) dst(%arg35 : memref<96xf32, #tpu.memory_space<vmem>>)
      tpu.yield
    }) : () -> ()
    %iota3A = tpu.iota {dimensions = array<i32: 0>} : vector<16xi32>
    %broadcast_in_dim3A = arith.constant 0.000000e+00 : f32
    %broadcast_in_dim3A_14 = vector.broadcast %broadcast_in_dim3A : f32 to vector<16xf32>
    %scan3A_15 = arith.constant 0 : i32
    %scan3A_16 = arith.constant 0 : i32
    %scan3A_17 = arith.constant 50 : i32
    %scan3A_18 = arith.addi %scan3A_16, %scan3A_17 : i32
    %scan3A_19 = arith.constant 1 : i32
    scf.for %scan3A_420 = %scan3A_16 to %scan3A_18 step %scan3A_19  : i32 {
      %mul3A_421 = arith.constant 16 : i32
      %mul3A_422 = arith.muli %scan3A_420, %mul3A_421 : i32
      %add3A_423 = vector.broadcast %mul3A_422 : i32 to vector<16xi32>
      %add3A_424 = arith.addi %add3A_423, %iota3A : vector<16xi32>
      %broadcast_in_dim3A_425 = arith.constant 3 : i32
      %broadcast_in_dim3A_426 = vector.broadcast %broadcast_in_dim3A_425 : i32 to vector<16xi32>
      tpu.vector_store_idx %arg33[%add3A_424, %broadcast_in_dim3A_426], %broadcast_in_dim3A_14 : memref<800x8xf32, #tpu.memory_space<vmem>>[vector<16xi32>, vector<16xi32>], vector<16xf32>,
      tpu.vector_store_idx %arg34[%add3A_424, %broadcast_in_dim3A_426], %broadcast_in_dim3A_14 : memref<800x8xf32, #tpu.memory_space<vmem>>[vector<16xi32>, vector<16xi32>], vector<16xf32>,
      %broadcast_in_dim3A_427 = arith.constant 4 : i32
      %broadcast_in_dim3A_428 = vector.broadcast %broadcast_in_dim3A_427 : i32 to vector<16xi32>
      tpu.vector_store_idx %arg33[%add3A_424, %broadcast_in_dim3A_428], %broadcast_in_dim3A_14 : memref<800x8xf32, #tpu.memory_space<vmem>>[vector<16xi32>, vector<16xi32>], vector<16xf32>,
      tpu.vector_store_idx %arg34[%add3A_424, %broadcast_in_dim3A_428], %broadcast_in_dim3A_14 : memref<800x8xf32, #tpu.memory_space<vmem>>[vector<16xi32>, vector<16xi32>], vector<16xf32>,
      %broadcast_in_dim3A_429 = arith.constant 5 : i32
      %broadcast_in_dim3A_430 = vector.broadcast %broadcast_in_dim3A_429 : i32 to vector<16xi32>
      tpu.vector_store_idx %arg33[%add3A_424, %broadcast_in_dim3A_430], %broadcast_in_dim3A_14 : memref<800x8xf32, #tpu.memory_space<vmem>>[vector<16xi32>, vector<16xi32>], vector<16xf32>,
      tpu.vector_store_idx %arg34[%add3A_424, %broadcast_in_dim3A_430], %broadcast_in_dim3A_14 : memref<800x8xf32, #tpu.memory_space<vmem>>[vector<16xi32>, vector<16xi32>], vector<16xf32>,
      %broadcast_in_dim3A_431 = arith.constant 6 : i32
      %broadcast_in_dim3A_432 = vector.broadcast %broadcast_in_dim3A_431 : i32 to vector<16xi32>
      tpu.vector_store_idx %arg33[%add3A_424, %broadcast_in_dim3A_432], %broadcast_in_dim3A_14 : memref<800x8xf32, #tpu.memory_space<vmem>>[vector<16xi32>, vector<16xi32>], vector<16xf32>,
      tpu.vector_store_idx %arg34[%add3A_424, %broadcast_in_dim3A_432], %broadcast_in_dim3A_14 : memref<800x8xf32, #tpu.memory_space<vmem>>[vector<16xi32>, vector<16xi32>], vector<16xf32>,
      %broadcast_in_dim3A_433 = arith.constant 7 : i32
      %broadcast_in_dim3A_434 = vector.broadcast %broadcast_in_dim3A_433 : i32 to vector<16xi32>
      tpu.vector_store_idx %arg33[%add3A_424, %broadcast_in_dim3A_434], %broadcast_in_dim3A_14 : memref<800x8xf32, #tpu.memory_space<vmem>>[vector<16xi32>, vector<16xi32>], vector<16xf32>,
      tpu.vector_store_idx %arg34[%add3A_424, %broadcast_in_dim3A_434], %broadcast_in_dim3A_14 : memref<800x8xf32, #tpu.memory_space<vmem>>[vector<16xi32>, vector<16xi32>], vector<16xf32>,
    }
    %scan3A_20 = arith.constant 50 : i32
    %barrier3A = arith.constant 0 : index
    tpu.barrier barrier_id(%barrier3A)
    %get3A = arith.constant 0 : index
    %get3A_21 = tpu.vector_load %arg35[%get3A] {strides = array<i32>} : memref<96xf32, #tpu.memory_space<vmem>>, vector<16xf32>,
    %get3A_22 = arith.constant 16 : index
    %get3A_23 = tpu.vector_load %arg35[%get3A_22] {strides = array<i32>} : memref<96xf32, #tpu.memory_space<vmem>>, vector<16xf32>,
    %get3A_24 = arith.constant 32 : index
    %get3A_25 = tpu.vector_load %arg35[%get3A_24] {strides = array<i32>} : memref<96xf32, #tpu.memory_space<vmem>>, vector<16xf32>,
    %get3A_26 = arith.constant 48 : index
    %get3A_27 = tpu.vector_load %arg35[%get3A_26] {strides = array<i32>} : memref<96xf32, #tpu.memory_space<vmem>>, vector<16xf32>,
    %get3A_28 = arith.constant 64 : index
    %get3A_29 = tpu.vector_load %arg35[%get3A_28] {strides = array<i32>} : memref<96xf32, #tpu.memory_space<vmem>>, vector<16xf32>,
    %get3A_30 = arith.constant 80 : index
    %get3A_31 = tpu.vector_load %arg35[%get3A_30] {strides = array<i32>} : memref<96xf32, #tpu.memory_space<vmem>>, vector<16xf32>,
    %mul3A_32 = arith.constant 100000 : i32
    %mul3A_33 = arith.muli %add3A, %mul3A_32 : i32
    %mul3A_34 = arith.constant 1000 : i32
    %mul3A_35 = arith.muli %add3A, %mul3A_34 : i32
    %rem3A = arith.constant 0 : i32
    %rem3A_36 = arith.constant 3 : i32
    %rem3A_37 = arith.remsi %rem3A, %rem3A_36 : i32
    %add3A_38 = arith.constant 0 : i32
    %add3A_39 = arith.addi %mul3A_33, %add3A_38 : i32
    %add3A_40 = arith.constant 0 : i32
    %add3A_41 = arith.addi %mul3A_35, %add3A_40 : i32
    %mul3A_42 = arith.constant 4 : i32
    %mul3A_43 = arith.muli %rem3A_37, %mul3A_42 : i32
    %dma_start3A = arith.constant 0 : i32
    %dma_start3A_44 = tpu.memref_slice %arg19[%mul3A_43, %dma_start3A] : memref<12x100xi32, #tpu.memory_space<vmem>> -> memref<4x100xi32, #tpu.memory_space<vmem>>
    %dma_start3A_45 = arith.constant 0 : i32
    %dma_start3A_46 = tpu.memref_slice %arg3[%add3A_41, %dma_start3A_45] : memref<32000x100xi32, #tpu.memory_space<hbm>> -> memref<4x100xi32, #tpu.memory_space<hbm>>
    %dma_start3A_47 = arith.constant 0 : i32
    %dma_start3A_48 = tpu.memref_slice %arg19[%mul3A_43, %dma_start3A_47] : memref<12x100xi32, #tpu.memory_space<vmem>> -> memref<4x100xi32, #tpu.memory_space<vmem>>
    %dma_start3A_49 = arith.constant 0 : i32
    %dma_start3A_50 = tpu.memref_slice %arg3[%add3A_41, %dma_start3A_49] : memref<32000x100xi32, #tpu.memory_space<hbm>> -> memref<4x100xi32, #tpu.memory_space<hbm>>
    tpu.enqueue_dma source(%dma_start3A_50 : memref<4x100xi32, #tpu.memory_space<hbm>>) target(%dma_start3A_48 : memref<4x100xi32, #tpu.memory_space<vmem>>) target_semaphore(%arg39 : memref<!tpu.dma_semaphore, #tpu.memory_space<semaphore_mem>>)
    %mul3A_51 = arith.constant 4 : i32
    %mul3A_52 = arith.muli %rem3A_37, %mul3A_51 : i32
    %dma_start3A_53 = arith.constant 0 : i32
    %dma_start3A_54 = tpu.memref_slice %arg20[%mul3A_52, %dma_start3A_53] : memref<12x100xi32, #tpu.memory_space<vmem>> -> memref<4x100xi32, #tpu.memory_space<vmem>>
    %dma_start3A_55 = arith.constant 0 : i32
    %dma_start3A_56 = tpu.memref_slice %arg4[%add3A_41, %dma_start3A_55] : memref<32000x100xi32, #tpu.memory_space<hbm>> -> memref<4x100xi32, #tpu.memory_space<hbm>>
    %dma_start3A_57 = arith.constant 0 : i32
    %dma_start3A_58 = tpu.memref_slice %arg20[%mul3A_52, %dma_start3A_57] : memref<12x100xi32, #tpu.memory_space<vmem>> -> memref<4x100xi32, #tpu.memory_space<vmem>>
    %dma_start3A_59 = arith.constant 0 : i32
    %dma_start3A_60 = tpu.memref_slice %arg4[%add3A_41, %dma_start3A_59] : memref<32000x100xi32, #tpu.memory_space<hbm>> -> memref<4x100xi32, #tpu.memory_space<hbm>>
    tpu.enqueue_dma source(%dma_start3A_60 : memref<4x100xi32, #tpu.memory_space<hbm>>) target(%dma_start3A_58 : memref<4x100xi32, #tpu.memory_space<vmem>>) target_semaphore(%arg39 : memref<!tpu.dma_semaphore, #tpu.memory_space<semaphore_mem>>)
    %mul3A_61 = arith.constant 400 : i32
    %mul3A_62 = arith.muli %rem3A_37, %mul3A_61 : i32
    %dma_start3A_63 = tpu.memref_slice %arg23[%mul3A_62] : memref<1200xf32, #tpu.memory_space<vmem>> -> memref<400xf32, #tpu.memory_space<vmem>>
    %dma_start3A_64 = tpu.memref_slice %arg5[%add3A_39] : memref<3200000xf32, #tpu.memory_space<hbm>> -> memref<400xf32, #tpu.memory_space<hbm>>
    %dma_start3A_65 = tpu.memref_slice %arg23[%mul3A_62] : memref<1200xf32, #tpu.memory_space<vmem>> -> memref<400xf32, #tpu.memory_space<vmem>>
    %dma_start3A_66 = tpu.memref_slice %arg5[%add3A_39] : memref<3200000xf32, #tpu.memory_space<hbm>> -> memref<400xf32, #tpu.memory_space<hbm>>
    tpu.enqueue_dma source(%dma_start3A_66 : memref<400xf32, #tpu.memory_space<hbm>>) target(%dma_start3A_65 : memref<400xf32, #tpu.memory_space<vmem>>) target_semaphore(%arg39 : memref<!tpu.dma_semaphore, #tpu.memory_space<semaphore_mem>>)
    %mul3A_67 = arith.constant 400 : i32
    %mul3A_68 = arith.muli %rem3A_37, %mul3A_67 : i32
    %dma_start3A_69 = tpu.memref_slice %arg24[%mul3A_68] : memref<1200xf32, #tpu.memory_space<vmem>> -> memref<400xf32, #tpu.memory_space<vmem>>
    %dma_start3A_70 = tpu.memref_slice %arg6[%add3A_39] : memref<3200000xf32, #tpu.memory_space<hbm>> -> memref<400xf32, #tpu.memory_space<hbm>>
    %dma_start3A_71 = tpu.memref_slice %arg24[%mul3A_68] : memref<1200xf32, #tpu.memory_space<vmem>> -> memref<400xf32, #tpu.memory_space<vmem>>
    %dma_start3A_72 = tpu.memref_slice %arg6[%add3A_39] : memref<3200000xf32, #tpu.memory_space<hbm>> -> memref<400xf32, #tpu.memory_space<hbm>>
    tpu.enqueue_dma source(%dma_start3A_72 : memref<400xf32, #tpu.memory_space<hbm>>) target(%dma_start3A_71 : memref<400xf32, #tpu.memory_space<vmem>>) target_semaphore(%arg39 : memref<!tpu.dma_semaphore, #tpu.memory_space<semaphore_mem>>)
    %mul3A_73 = arith.constant 400 : i32
    %mul3A_74 = arith.muli %rem3A_37, %mul3A_73 : i32
    %dma_start3A_75 = tpu.memref_slice %arg25[%mul3A_74] : memref<1200xf32, #tpu.memory_space<vmem>> -> memref<400xf32, #tpu.memory_space<vmem>>
    %dma_start3A_76 = tpu.memref_slice %arg7[%add3A_39] : memref<3200000xf32, #tpu.memory_space<hbm>> -> memref<400xf32, #tpu.memory_space<hbm>>
    %dma_start3A_77 = tpu.memref_slice %arg25[%mul3A_74] : memref<1200xf32, #tpu.memory_space<vmem>> -> memref<400xf32, #tpu.memory_space<vmem>>
    %dma_start3A_78 = tpu.memref_slice %arg7[%add3A_39] : memref<3200000xf32, #tpu.memory_space<hbm>> -> memref<400xf32, #tpu.memory_space<hbm>>
    tpu.enqueue_dma source(%dma_start3A_78 : memref<400xf32, #tpu.memory_space<hbm>>) target(%dma_start3A_77 : memref<400xf32, #tpu.memory_space<vmem>>) target_semaphore(%arg39 : memref<!tpu.dma_semaphore, #tpu.memory_space<semaphore_mem>>)
    %dma_wait3A = arith.constant 0 : i32
    %dma_wait3A_79 = arith.constant 0 : i32
    %dma_wait3A_80 = tpu.memref_slice %arg19[%dma_wait3A, %dma_wait3A_79] : memref<12x100xi32, #tpu.memory_space<vmem>> -> memref<4x100xi32, #tpu.memory_space<vmem>>
    %dma_wait3A_81 = arith.constant 0 : i32
    %dma_wait3A_82 = arith.constant 0 : i32
    %dma_wait3A_83 = tpu.memref_slice %arg3[%dma_wait3A_81, %dma_wait3A_82] : memref<32000x100xi32, #tpu.memory_space<hbm>> -> memref<4x100xi32, #tpu.memory_space<hbm>>
    %dma_wait3A_84 = arith.constant 0 : i32
    %dma_wait3A_85 = arith.constant 0 : i32
    %dma_wait3A_86 = tpu.memref_slice %arg19[%dma_wait3A_84, %dma_wait3A_85] : memref<12x100xi32, #tpu.memory_space<vmem>> -> memref<4x100xi32, #tpu.memory_space<vmem>>
    %dma_wait3A_87 = arith.constant 0 : i32
    %dma_wait3A_88 = arith.constant 0 : i32
    %dma_wait3A_89 = tpu.memref_slice %arg3[%dma_wait3A_87, %dma_wait3A_88] : memref<32000x100xi32, #tpu.memory_space<hbm>> -> memref<4x100xi32, #tpu.memory_space<hbm>>
    tpu.wait_dma2 semaphore(%arg39 : memref<!tpu.dma_semaphore, #tpu.memory_space<semaphore_mem>>) src(%dma_wait3A_89 : memref<4x100xi32, #tpu.memory_space<hbm>>) dst(%dma_wait3A_86 : memref<4x100xi32, #tpu.memory_space<vmem>>)
    %dma_wait3A_90 = arith.constant 0 : i32
    %dma_wait3A_91 = arith.constant 0 : i32
    %dma_wait3A_92 = tpu.memref_slice %arg20[%dma_wait3A_90, %dma_wait3A_91] : memref<12x100xi32, #tpu.memory_space<vmem>> -> memref<4x100xi32, #tpu.memory_space<vmem>>
    %dma_wait3A_93 = arith.constant 0 : i32
    %dma_wait3A_94 = arith.constant 0 : i32
    %dma_wait3A_95 = tpu.memref_slice %arg4[%dma_wait3A_93, %dma_wait3A_94] : memref<32000x100xi32, #tpu.memory_space<hbm>> -> memref<4x100xi32, #tpu.memory_space<hbm>>
    %dma_wait3A_96 = arith.constant 0 : i32
    %dma_wait3A_97 = arith.constant 0 : i32
    %dma_wait3A_98 = tpu.memref_slice %arg20[%dma_wait3A_96, %dma_wait3A_97] : memref<12x100xi32, #tpu.memory_space<vmem>> -> memref<4x100xi32, #tpu.memory_space<vmem>>
    %dma_wait3A_99 = arith.constant 0 : i32
    %dma_wait3A_100 = arith.constant 0 : i32
    %dma_wait3A_101 = tpu.memref_slice %arg4[%dma_wait3A_99, %dma_wait3A_100] : memref<32000x100xi32, #tpu.memory_space<hbm>> -> memref<4x100xi32, #tpu.memory_space<hbm>>
    tpu.wait_dma2 semaphore(%arg39 : memref<!tpu.dma_semaphore, #tpu.memory_space<semaphore_mem>>) src(%dma_wait3A_101 : memref<4x100xi32, #tpu.memory_space<hbm>>) dst(%dma_wait3A_98 : memref<4x100xi32, #tpu.memory_space<vmem>>)
    %dma_wait3A_102 = arith.constant 0 : i32
    %dma_wait3A_103 = tpu.memref_slice %arg23[%dma_wait3A_102] : memref<1200xf32, #tpu.memory_space<vmem>> -> memref<400xf32, #tpu.memory_space<vmem>>
    %dma_wait3A_104 = arith.constant 0 : i32
    %dma_wait3A_105 = tpu.memref_slice %arg5[%dma_wait3A_104] : memref<3200000xf32, #tpu.memory_space<hbm>> -> memref<400xf32, #tpu.memory_space<hbm>>
    %dma_wait3A_106 = arith.constant 0 : i32
    %dma_wait3A_107 = tpu.memref_slice %arg23[%dma_wait3A_106] : memref<1200xf32, #tpu.memory_space<vmem>> -> memref<400xf32, #tpu.memory_space<vmem>>
    %dma_wait3A_108 = arith.constant 0 : i32
    %dma_wait3A_109 = tpu.memref_slice %arg5[%dma_wait3A_108] : memref<3200000xf32, #tpu.memory_space<hbm>> -> memref<400xf32, #tpu.memory_space<hbm>>
    tpu.wait_dma2 semaphore(%arg39 : memref<!tpu.dma_semaphore, #tpu.memory_space<semaphore_mem>>) src(%dma_wait3A_109 : memref<400xf32, #tpu.memory_space<hbm>>) dst(%dma_wait3A_107 : memref<400xf32, #tpu.memory_space<vmem>>)
    %dma_wait3A_110 = arith.constant 0 : i32
    %dma_wait3A_111 = tpu.memref_slice %arg24[%dma_wait3A_110] : memref<1200xf32, #tpu.memory_space<vmem>> -> memref<400xf32, #tpu.memory_space<vmem>>
    %dma_wait3A_112 = arith.constant 0 : i32
    %dma_wait3A_113 = tpu.memref_slice %arg6[%dma_wait3A_112] : memref<3200000xf32, #tpu.memory_space<hbm>> -> memref<400xf32, #tpu.memory_space<hbm>>
    %dma_wait3A_114 = arith.constant 0 : i32
    %dma_wait3A_115 = tpu.memref_slice %arg24[%dma_wait3A_114] : memref<1200xf32, #tpu.memory_space<vmem>> -> memref<400xf32, #tpu.memory_space<vmem>>
    %dma_wait3A_116 = arith.constant 0 : i32
    %dma_wait3A_117 = tpu.memref_slice %arg6[%dma_wait3A_116] : memref<3200000xf32, #tpu.memory_space<hbm>> -> memref<400xf32, #tpu.memory_space<hbm>>
    tpu.wait_dma2 semaphore(%arg39 : memref<!tpu.dma_semaphore, #tpu.memory_space<semaphore_mem>>) src(%dma_wait3A_117 : memref<400xf32, #tpu.memory_space<hbm>>) dst(%dma_wait3A_115 : memref<400xf32, #tpu.memory_space<vmem>>)
    %dma_wait3A_118 = arith.constant 0 : i32
    %dma_wait3A_119 = tpu.memref_slice %arg25[%dma_wait3A_118] : memref<1200xf32, #tpu.memory_space<vmem>> -> memref<400xf32, #tpu.memory_space<vmem>>
    %dma_wait3A_120 = arith.constant 0 : i32
    %dma_wait3A_121 = tpu.memref_slice %arg7[%dma_wait3A_120] : memref<3200000xf32, #tpu.memory_space<hbm>> -> memref<400xf32, #tpu.memory_space<hbm>>
    %dma_wait3A_122 = arith.constant 0 : i32
    %dma_wait3A_123 = tpu.memref_slice %arg25[%dma_wait3A_122] : memref<1200xf32, #tpu.memory_space<vmem>> -> memref<400xf32, #tpu.memory_space<vmem>>
    %dma_wait3A_124 = arith.constant 0 : i32
    %dma_wait3A_125 = tpu.memref_slice %arg7[%dma_wait3A_124] : memref<3200000xf32, #tpu.memory_space<hbm>> -> memref<400xf32, #tpu.memory_space<hbm>>
    tpu.wait_dma2 semaphore(%arg39 : memref<!tpu.dma_semaphore, #tpu.memory_space<semaphore_mem>>) src(%dma_wait3A_125 : memref<400xf32, #tpu.memory_space<hbm>>) dst(%dma_wait3A_123 : memref<400xf32, #tpu.memory_space<vmem>>)
    %rem3A_126 = arith.constant 0 : i32
    %rem3A_127 = arith.constant 3 : i32
    %rem3A_128 = arith.remsi %rem3A_126, %rem3A_127 : i32
    %scan3A_129 = arith.constant 0 : i32
    %scan3A_130 = arith.constant 0 : i32
    %scan3A_131 = arith.constant 4 : i32
    %scan3A_132 = arith.addi %scan3A_130, %scan3A_131 : i32
    %scan3A_133 = arith.constant 1 : i32
    scf.for %scan3A_420 = %scan3A_130 to %scan3A_132 step %scan3A_133  : i32 {
      %mul3A_421 = arith.constant 4 : i32
      %mul3A_422 = arith.muli %rem3A_128, %mul3A_421 : i32
      %add3A_423 = arith.addi %mul3A_422, %scan3A_420 : i32
      %mul3A_424 = arith.constant 400 : i32
      %mul3A_425 = arith.muli %rem3A_128, %mul3A_424 : i32
      %mul3A_426 = arith.constant 100 : i32
      %mul3A_427 = arith.muli %scan3A_420, %mul3A_426 : i32
      %add3A_428 = arith.addi %mul3A_425, %mul3A_427 : i32
      %dma_start3A_429 = arith.constant 0 : i32
      %dma_start3A_430 = tpu.memref_slice %arg21[%add3A_428, %dma_start3A_429] : memref<1200x8xf32, #tpu.memory_space<vmem>> -> memref<100x8xf32, #tpu.memory_space<vmem>>
      %dma_start3A_431 = arith.constant 0 : i32
      %dma_start3A_432 = tpu.memref_slice %arg19[%add3A_423, %dma_start3A_431] : memref<12x100xi32, #tpu.memory_space<vmem>> -> memref<1x100xi32, #tpu.memory_space<vmem>>
      %dma_start3A_433 = tpu.memref_squeeze %dma_start3A_432 : memref<1x100xi32, #tpu.memory_space<vmem>> -> memref<100xi32, #tpu.memory_space<vmem>>
      %dma_start3A_434 = arith.constant 0 : i32
      %dma_start3A_435 = arith.constant 0 : i32
      %dma_start3A_436 = tpu.memref_slice %arg2[%dma_start3A_434, %dma_start3A_435] : memref<100000x8xf32, #tpu.memory_space<hbm>> -> memref<100000x8xf32, #tpu.memory_space<hbm>>
      tpu.enqueue_indirect_dma source(%dma_start3A_436 : memref<100000x8xf32, #tpu.memory_space<hbm>>) target(%dma_start3A_430 : memref<100x8xf32, #tpu.memory_space<vmem>>) offsets(%dma_start3A_433 : memref<100xi32, #tpu.memory_space<vmem>>) semaphore(%arg40 : memref<!tpu.dma_semaphore, #tpu.memory_space<semaphore_mem>>)
      %mul3A_437 = arith.constant 4 : i32
      %mul3A_438 = arith.muli %rem3A_128, %mul3A_437 : i32
      %add3A_439 = arith.addi %mul3A_438, %scan3A_420 : i32
      %mul3A_440 = arith.constant 400 : i32
      %mul3A_441 = arith.muli %rem3A_128, %mul3A_440 : i32
      %mul3A_442 = arith.constant 100 : i32
      %mul3A_443 = arith.muli %scan3A_420, %mul3A_442 : i32
      %add3A_444 = arith.addi %mul3A_441, %mul3A_443 : i32
      %dma_start3A_445 = arith.constant 0 : i32
      %dma_start3A_446 = tpu.memref_slice %arg22[%add3A_444, %dma_start3A_445] : memref<1200x8xf32, #tpu.memory_space<vmem>> -> memref<100x8xf32, #tpu.memory_space<vmem>>
      %dma_start3A_447 = arith.constant 0 : i32
      %dma_start3A_448 = tpu.memref_slice %arg20[%add3A_439, %dma_start3A_447] : memref<12x100xi32, #tpu.memory_space<vmem>> -> memref<1x100xi32, #tpu.memory_space<vmem>>
      %dma_start3A_449 = tpu.memref_squeeze %dma_start3A_448 : memref<1x100xi32, #tpu.memory_space<vmem>> -> memref<100xi32, #tpu.memory_space<vmem>>
      %dma_start3A_450 = arith.constant 0 : i32
      %dma_start3A_451 = arith.constant 0 : i32
      %dma_start3A_452 = tpu.memref_slice %arg2[%dma_start3A_450, %dma_start3A_451] : memref<100000x8xf32, #tpu.memory_space<hbm>> -> memref<100000x8xf32, #tpu.memory_space<hbm>>
      tpu.enqueue_indirect_dma source(%dma_start3A_452 : memref<100000x8xf32, #tpu.memory_space<hbm>>) target(%dma_start3A_446 : memref<100x8xf32, #tpu.memory_space<vmem>>) offsets(%dma_start3A_449 : memref<100xi32, #tpu.memory_space<vmem>>) semaphore(%arg41 : memref<!tpu.dma_semaphore, #tpu.memory_space<semaphore_mem>>)
    }
    %scan3A_134 = arith.constant 4 : i32
    %rem3A_135 = arith.constant 1 : i32
    %rem3A_136 = arith.constant 3 : i32
    %rem3A_137 = arith.remsi %rem3A_135, %rem3A_136 : i32
    %add3A_138 = arith.constant 400 : i32
    %add3A_139 = arith.addi %mul3A_33, %add3A_138 : i32
    %add3A_140 = arith.constant 4 : i32
    %add3A_141 = arith.addi %mul3A_35, %add3A_140 : i32
    %mul3A_142 = arith.constant 4 : i32
    %mul3A_143 = arith.muli %rem3A_137, %mul3A_142 : i32
    %dma_start3A_144 = arith.constant 0 : i32
    %dma_start3A_145 = tpu.memref_slice %arg19[%mul3A_143, %dma_start3A_144] : memref<12x100xi32, #tpu.memory_space<vmem>> -> memref<4x100xi32, #tpu.memory_space<vmem>>
    %dma_start3A_146 = arith.constant 0 : i32
    %dma_start3A_147 = tpu.memref_slice %arg3[%add3A_141, %dma_start3A_146] : memref<32000x100xi32, #tpu.memory_space<hbm>> -> memref<4x100xi32, #tpu.memory_space<hbm>>
    %dma_start3A_148 = arith.constant 0 : i32
    %dma_start3A_149 = tpu.memref_slice %arg19[%mul3A_143, %dma_start3A_148] : memref<12x100xi32, #tpu.memory_space<vmem>> -> memref<4x100xi32, #tpu.memory_space<vmem>>
    %dma_start3A_150 = arith.constant 0 : i32
    %dma_start3A_151 = tpu.memref_slice %arg3[%add3A_141, %dma_start3A_150] : memref<32000x100xi32, #tpu.memory_space<hbm>> -> memref<4x100xi32, #tpu.memory_space<hbm>>
    tpu.enqueue_dma source(%dma_start3A_151 : memref<4x100xi32, #tpu.memory_space<hbm>>) target(%dma_start3A_149 : memref<4x100xi32, #tpu.memory_space<vmem>>) target_semaphore(%arg39 : memref<!tpu.dma_semaphore, #tpu.memory_space<semaphore_mem>>)
    %mul3A_152 = arith.constant 4 : i32
    %mul3A_153 = arith.muli %rem3A_137, %mul3A_152 : i32
    %dma_start3A_154 = arith.constant 0 : i32
    %dma_start3A_155 = tpu.memref_slice %arg20[%mul3A_153, %dma_start3A_154] : memref<12x100xi32, #tpu.memory_space<vmem>> -> memref<4x100xi32, #tpu.memory_space<vmem>>
    %dma_start3A_156 = arith.constant 0 : i32
    %dma_start3A_157 = tpu.memref_slice %arg4[%add3A_141, %dma_start3A_156] : memref<32000x100xi32, #tpu.memory_space<hbm>> -> memref<4x100xi32, #tpu.memory_space<hbm>>
    %dma_start3A_158 = arith.constant 0 : i32
    %dma_start3A_159 = tpu.memref_slice %arg20[%mul3A_153, %dma_start3A_158] : memref<12x100xi32, #tpu.memory_space<vmem>> -> memref<4x100xi32, #tpu.memory_space<vmem>>
    %dma_start3A_160 = arith.constant 0 : i32
    %dma_start3A_161 = tpu.memref_slice %arg4[%add3A_141, %dma_start3A_160] : memref<32000x100xi32, #tpu.memory_space<hbm>> -> memref<4x100xi32, #tpu.memory_space<hbm>>
    tpu.enqueue_dma source(%dma_start3A_161 : memref<4x100xi32, #tpu.memory_space<hbm>>) target(%dma_start3A_159 : memref<4x100xi32, #tpu.memory_space<vmem>>) target_semaphore(%arg39 : memref<!tpu.dma_semaphore, #tpu.memory_space<semaphore_mem>>)
    %mul3A_162 = arith.constant 400 : i32
    %mul3A_163 = arith.muli %rem3A_137, %mul3A_162 : i32
    %dma_start3A_164 = tpu.memref_slice %arg23[%mul3A_163] : memref<1200xf32, #tpu.memory_space<vmem>> -> memref<400xf32, #tpu.memory_space<vmem>>
    %dma_start3A_165 = tpu.memref_slice %arg5[%add3A_139] : memref<3200000xf32, #tpu.memory_space<hbm>> -> memref<400xf32, #tpu.memory_space<hbm>>
    %dma_start3A_166 = tpu.memref_slice %arg23[%mul3A_163] : memref<1200xf32, #tpu.memory_space<vmem>> -> memref<400xf32, #tpu.memory_space<vmem>>
    %dma_start3A_167 = tpu.memref_slice %arg5[%add3A_139] : memref<3200000xf32, #tpu.memory_space<hbm>> -> memref<400xf32, #tpu.memory_space<hbm>>
    tpu.enqueue_dma source(%dma_start3A_167 : memref<400xf32, #tpu.memory_space<hbm>>) target(%dma_start3A_166 : memref<400xf32, #tpu.memory_space<vmem>>) target_semaphore(%arg39 : memref<!tpu.dma_semaphore, #tpu.memory_space<semaphore_mem>>)
    %mul3A_168 = arith.constant 400 : i32
    %mul3A_169 = arith.muli %rem3A_137, %mul3A_168 : i32
    %dma_start3A_170 = tpu.memref_slice %arg24[%mul3A_169] : memref<1200xf32, #tpu.memory_space<vmem>> -> memref<400xf32, #tpu.memory_space<vmem>>
    %dma_start3A_171 = tpu.memref_slice %arg6[%add3A_139] : memref<3200000xf32, #tpu.memory_space<hbm>> -> memref<400xf32, #tpu.memory_space<hbm>>
    %dma_start3A_172 = tpu.memref_slice %arg24[%mul3A_169] : memref<1200xf32, #tpu.memory_space<vmem>> -> memref<400xf32, #tpu.memory_space<vmem>>
    %dma_start3A_173 = tpu.memref_slice %arg6[%add3A_139] : memref<3200000xf32, #tpu.memory_space<hbm>> -> memref<400xf32, #tpu.memory_space<hbm>>
    tpu.enqueue_dma source(%dma_start3A_173 : memref<400xf32, #tpu.memory_space<hbm>>) target(%dma_start3A_172 : memref<400xf32, #tpu.memory_space<vmem>>) target_semaphore(%arg39 : memref<!tpu.dma_semaphore, #tpu.memory_space<semaphore_mem>>)
    %mul3A_174 = arith.constant 400 : i32
    %mul3A_175 = arith.muli %rem3A_137, %mul3A_174 : i32
    %dma_start3A_176 = tpu.memref_slice %arg25[%mul3A_175] : memref<1200xf32, #tpu.memory_space<vmem>> -> memref<400xf32, #tpu.memory_space<vmem>>
    %dma_start3A_177 = tpu.memref_slice %arg7[%add3A_139] : memref<3200000xf32, #tpu.memory_space<hbm>> -> memref<400xf32, #tpu.memory_space<hbm>>
    %dma_start3A_178 = tpu.memref_slice %arg25[%mul3A_175] : memref<1200xf32, #tpu.memory_space<vmem>> -> memref<400xf32, #tpu.memory_space<vmem>>
    %dma_start3A_179 = tpu.memref_slice %arg7[%add3A_139] : memref<3200000xf32, #tpu.memory_space<hbm>> -> memref<400xf32, #tpu.memory_space<hbm>>
    tpu.enqueue_dma source(%dma_start3A_179 : memref<400xf32, #tpu.memory_space<hbm>>) target(%dma_start3A_178 : memref<400xf32, #tpu.memory_space<vmem>>) target_semaphore(%arg39 : memref<!tpu.dma_semaphore, #tpu.memory_space<semaphore_mem>>)
    %dma_wait3A_180 = arith.constant 0 : i32
    %dma_wait3A_181 = arith.constant 0 : i32
    %dma_wait3A_182 = tpu.memref_slice %arg19[%dma_wait3A_180, %dma_wait3A_181] : memref<12x100xi32, #tpu.memory_space<vmem>> -> memref<4x100xi32, #tpu.memory_space<vmem>>
    %dma_wait3A_183 = arith.constant 0 : i32
    %dma_wait3A_184 = arith.constant 0 : i32
    %dma_wait3A_185 = tpu.memref_slice %arg3[%dma_wait3A_183, %dma_wait3A_184] : memref<32000x100xi32, #tpu.memory_space<hbm>> -> memref<4x100xi32, #tpu.memory_space<hbm>>
    %dma_wait3A_186 = arith.constant 0 : i32
    %dma_wait3A_187 = arith.constant 0 : i32
    %dma_wait3A_188 = tpu.memref_slice %arg19[%dma_wait3A_186, %dma_wait3A_187] : memref<12x100xi32, #tpu.memory_space<vmem>> -> memref<4x100xi32, #tpu.memory_space<vmem>>
    %dma_wait3A_189 = arith.constant 0 : i32
    %dma_wait3A_190 = arith.constant 0 : i32
    %dma_wait3A_191 = tpu.memref_slice %arg3[%dma_wait3A_189, %dma_wait3A_190] : memref<32000x100xi32, #tpu.memory_space<hbm>> -> memref<4x100xi32, #tpu.memory_space<hbm>>
    tpu.wait_dma2 semaphore(%arg39 : memref<!tpu.dma_semaphore, #tpu.memory_space<semaphore_mem>>) src(%dma_wait3A_191 : memref<4x100xi32, #tpu.memory_space<hbm>>) dst(%dma_wait3A_188 : memref<4x100xi32, #tpu.memory_space<vmem>>)
    %dma_wait3A_192 = arith.constant 0 : i32
    %dma_wait3A_193 = arith.constant 0 : i32
    %dma_wait3A_194 = tpu.memref_slice %arg20[%dma_wait3A_192, %dma_wait3A_193] : memref<12x100xi32, #tpu.memory_space<vmem>> -> memref<4x100xi32, #tpu.memory_space<vmem>>
    %dma_wait3A_195 = arith.constant 0 : i32
    %dma_wait3A_196 = arith.constant 0 : i32
    %dma_wait3A_197 = tpu.memref_slice %arg4[%dma_wait3A_195, %dma_wait3A_196] : memref<32000x100xi32, #tpu.memory_space<hbm>> -> memref<4x100xi32, #tpu.memory_space<hbm>>
    %dma_wait3A_198 = arith.constant 0 : i32
    %dma_wait3A_199 = arith.constant 0 : i32
    %dma_wait3A_200 = tpu.memref_slice %arg20[%dma_wait3A_198, %dma_wait3A_199] : memref<12x100xi32, #tpu.memory_space<vmem>> -> memref<4x100xi32, #tpu.memory_space<vmem>>
    %dma_wait3A_201 = arith.constant 0 : i32
    %dma_wait3A_202 = arith.constant 0 : i32
    %dma_wait3A_203 = tpu.memref_slice %arg4[%dma_wait3A_201, %dma_wait3A_202] : memref<32000x100xi32, #tpu.memory_space<hbm>> -> memref<4x100xi32, #tpu.memory_space<hbm>>
    tpu.wait_dma2 semaphore(%arg39 : memref<!tpu.dma_semaphore, #tpu.memory_space<semaphore_mem>>) src(%dma_wait3A_203 : memref<4x100xi32, #tpu.memory_space<hbm>>) dst(%dma_wait3A_200 : memref<4x100xi32, #tpu.memory_space<vmem>>)
    %dma_wait3A_204 = arith.constant 0 : i32
    %dma_wait3A_205 = tpu.memref_slice %arg23[%dma_wait3A_204] : memref<1200xf32, #tpu.memory_space<vmem>> -> memref<400xf32, #tpu.memory_space<vmem>>
    %dma_wait3A_206 = arith.constant 0 : i32
    %dma_wait3A_207 = tpu.memref_slice %arg5[%dma_wait3A_206] : memref<3200000xf32, #tpu.memory_space<hbm>> -> memref<400xf32, #tpu.memory_space<hbm>>
    %dma_wait3A_208 = arith.constant 0 : i32
    %dma_wait3A_209 = tpu.memref_slice %arg23[%dma_wait3A_208] : memref<1200xf32, #tpu.memory_space<vmem>> -> memref<400xf32, #tpu.memory_space<vmem>>
    %dma_wait3A_210 = arith.constant 0 : i32
    %dma_wait3A_211 = tpu.memref_slice %arg5[%dma_wait3A_210] : memref<3200000xf32, #tpu.memory_space<hbm>> -> memref<400xf32, #tpu.memory_space<hbm>>
    tpu.wait_dma2 semaphore(%arg39 : memref<!tpu.dma_semaphore, #tpu.memory_space<semaphore_mem>>) src(%dma_wait3A_211 : memref<400xf32, #tpu.memory_space<hbm>>) dst(%dma_wait3A_209 : memref<400xf32, #tpu.memory_space<vmem>>)
    %dma_wait3A_212 = arith.constant 0 : i32
    %dma_wait3A_213 = tpu.memref_slice %arg24[%dma_wait3A_212] : memref<1200xf32, #tpu.memory_space<vmem>> -> memref<400xf32, #tpu.memory_space<vmem>>
    %dma_wait3A_214 = arith.constant 0 : i32
    %dma_wait3A_215 = tpu.memref_slice %arg6[%dma_wait3A_214] : memref<3200000xf32, #tpu.memory_space<hbm>> -> memref<400xf32, #tpu.memory_space<hbm>>
    %dma_wait3A_216 = arith.constant 0 : i32
    %dma_wait3A_217 = tpu.memref_slice %arg24[%dma_wait3A_216] : memref<1200xf32, #tpu.memory_space<vmem>> -> memref<400xf32, #tpu.memory_space<vmem>>
    %dma_wait3A_218 = arith.constant 0 : i32
    %dma_wait3A_219 = tpu.memref_slice %arg6[%dma_wait3A_218] : memref<3200000xf32, #tpu.memory_space<hbm>> -> memref<400xf32, #tpu.memory_space<hbm>>
    tpu.wait_dma2 semaphore(%arg39 : memref<!tpu.dma_semaphore, #tpu.memory_space<semaphore_mem>>) src(%dma_wait3A_219 : memref<400xf32, #tpu.memory_space<hbm>>) dst(%dma_wait3A_217 : memref<400xf32, #tpu.memory_space<vmem>>)
    %dma_wait3A_220 = arith.constant 0 : i32
    %dma_wait3A_221 = tpu.memref_slice %arg25[%dma_wait3A_220] : memref<1200xf32, #tpu.memory_space<vmem>> -> memref<400xf32, #tpu.memory_space<vmem>>
    %dma_wait3A_222 = arith.constant 0 : i32
    %dma_wait3A_223 = tpu.memref_slice %arg7[%dma_wait3A_222] : memref<3200000xf32, #tpu.memory_space<hbm>> -> memref<400xf32, #tpu.memory_space<hbm>>
    %dma_wait3A_224 = arith.constant 0 : i32
    %dma_wait3A_225 = tpu.memref_slice %arg25[%dma_wait3A_224] : memref<1200xf32, #tpu.memory_space<vmem>> -> memref<400xf32, #tpu.memory_space<vmem>>
    %dma_wait3A_226 = arith.constant 0 : i32
    %dma_wait3A_227 = tpu.memref_slice %arg7[%dma_wait3A_226] : memref<3200000xf32, #tpu.memory_space<hbm>> -> memref<400xf32, #tpu.memory_space<hbm>>
    tpu.wait_dma2 semaphore(%arg39 : memref<!tpu.dma_semaphore, #tpu.memory_space<semaphore_mem>>) src(%dma_wait3A_227 : memref<400xf32, #tpu.memory_space<hbm>>) dst(%dma_wait3A_225 : memref<400xf32, #tpu.memory_space<vmem>>)
    %rem3A_228 = arith.constant 1 : i32
    %rem3A_229 = arith.constant 3 : i32
    %rem3A_230 = arith.remsi %rem3A_228, %rem3A_229 : i32
    %scan3A_231 = arith.constant 0 : i32
    %scan3A_232 = arith.constant 0 : i32
    %scan3A_233 = arith.constant 4 : i32
    %scan3A_234 = arith.addi %scan3A_232, %scan3A_233 : i32
    %scan3A_235 = arith.constant 1 : i32
    scf.for %scan3A_420 = %scan3A_232 to %scan3A_234 step %scan3A_235  : i32 {
      %mul3A_421 = arith.constant 4 : i32
      %mul3A_422 = arith.muli %rem3A_230, %mul3A_421 : i32
      %add3A_423 = arith.addi %mul3A_422, %scan3A_420 : i32
      %mul3A_424 = arith.constant 400 : i32
      %mul3A_425 = arith.muli %rem3A_230, %mul3A_424 : i32
      %mul3A_426 = arith.constant 100 : i32
      %mul3A_427 = arith.muli %scan3A_420, %mul3A_426 : i32
      %add3A_428 = arith.addi %mul3A_425, %mul3A_427 : i32
      %dma_start3A_429 = arith.constant 0 : i32
      %dma_start3A_430 = tpu.memref_slice %arg21[%add3A_428, %dma_start3A_429] : memref<1200x8xf32, #tpu.memory_space<vmem>> -> memref<100x8xf32, #tpu.memory_space<vmem>>
      %dma_start3A_431 = arith.constant 0 : i32
      %dma_start3A_432 = tpu.memref_slice %arg19[%add3A_423, %dma_start3A_431] : memref<12x100xi32, #tpu.memory_space<vmem>> -> memref<1x100xi32, #tpu.memory_space<vmem>>
      %dma_start3A_433 = tpu.memref_squeeze %dma_start3A_432 : memref<1x100xi32, #tpu.memory_space<vmem>> -> memref<100xi32, #tpu.memory_space<vmem>>
      %dma_start3A_434 = arith.constant 0 : i32
      %dma_start3A_435 = arith.constant 0 : i32
      %dma_start3A_436 = tpu.memref_slice %arg2[%dma_start3A_434, %dma_start3A_435] : memref<100000x8xf32, #tpu.memory_space<hbm>> -> memref<100000x8xf32, #tpu.memory_space<hbm>>
      tpu.enqueue_indirect_dma source(%dma_start3A_436 : memref<100000x8xf32, #tpu.memory_space<hbm>>) target(%dma_start3A_430 : memref<100x8xf32, #tpu.memory_space<vmem>>) offsets(%dma_start3A_433 : memref<100xi32, #tpu.memory_space<vmem>>) semaphore(%arg40 : memref<!tpu.dma_semaphore, #tpu.memory_space<semaphore_mem>>)
      %mul3A_437 = arith.constant 4 : i32
      %mul3A_438 = arith.muli %rem3A_230, %mul3A_437 : i32
      %add3A_439 = arith.addi %mul3A_438, %scan3A_420 : i32
      %mul3A_440 = arith.constant 400 : i32
      %mul3A_441 = arith.muli %rem3A_230, %mul3A_440 : i32
      %mul3A_442 = arith.constant 100 : i32
      %mul3A_443 = arith.muli %scan3A_420, %mul3A_442 : i32
      %add3A_444 = arith.addi %mul3A_441, %mul3A_443 : i32
      %dma_start3A_445 = arith.constant 0 : i32
      %dma_start3A_446 = tpu.memref_slice %arg22[%add3A_444, %dma_start3A_445] : memref<1200x8xf32, #tpu.memory_space<vmem>> -> memref<100x8xf32, #tpu.memory_space<vmem>>
      %dma_start3A_447 = arith.constant 0 : i32
      %dma_start3A_448 = tpu.memref_slice %arg20[%add3A_439, %dma_start3A_447] : memref<12x100xi32, #tpu.memory_space<vmem>> -> memref<1x100xi32, #tpu.memory_space<vmem>>
      %dma_start3A_449 = tpu.memref_squeeze %dma_start3A_448 : memref<1x100xi32, #tpu.memory_space<vmem>> -> memref<100xi32, #tpu.memory_space<vmem>>
      %dma_start3A_450 = arith.constant 0 : i32
      %dma_start3A_451 = arith.constant 0 : i32
      %dma_start3A_452 = tpu.memref_slice %arg2[%dma_start3A_450, %dma_start3A_451] : memref<100000x8xf32, #tpu.memory_space<hbm>> -> memref<100000x8xf32, #tpu.memory_space<hbm>>
      tpu.enqueue_indirect_dma source(%dma_start3A_452 : memref<100000x8xf32, #tpu.memory_space<hbm>>) target(%dma_start3A_446 : memref<100x8xf32, #tpu.memory_space<vmem>>) offsets(%dma_start3A_449 : memref<100xi32, #tpu.memory_space<vmem>>) semaphore(%arg41 : memref<!tpu.dma_semaphore, #tpu.memory_space<semaphore_mem>>)
    }
    %scan3A_236 = arith.constant 4 : i32
    %scan3A_237 = arith.constant 0 : i32
    %scan3A_238 = arith.constant 0 : i32
    %scan3A_239 = arith.constant 250 : i32
    %scan3A_240 = arith.addi %scan3A_238, %scan3A_239 : i32
    %scan3A_241 = arith.constant 1 : i32
    scf.for %scan3A_420 = %scan3A_238 to %scan3A_240 step %scan3A_241  : i32 {
      %rem3A_421 = arith.constant 3 : i32
      %rem3A_422 = arith.remsi %scan3A_420, %rem3A_421 : i32
      %rem3A_423 = arith.constant 2 : i32
      %rem3A_424 = arith.remsi %scan3A_420, %rem3A_423 : i32
      %mul3A_425 = arith.constant 400 : i32
      %mul3A_426 = arith.muli %scan3A_420, %mul3A_425 : i32
      %add3A_427 = arith.addi %mul3A_33, %mul3A_426 : i32
      %gt3A = arith.constant 0 : i32
      %gt3A_428 = arith.cmpi sgt, %scan3A_420, %gt3A : i32
      %convert_element_type3A = arith.extui %gt3A_428 : i1 to i32
      %cond3A = arith.constant 0 : i32
      %cond3A_429 = arith.cmpi ne, %convert_element_type3A, %cond3A : i32
      scf.if %cond3A_429 {
        %dma_wait3A_491 = arith.constant 0 : i32
        %dma_wait3A_492 = tpu.memref_slice %arg26[%dma_wait3A_491] : memref<800xf32, #tpu.memory_space<vmem>> -> memref<400xf32, #tpu.memory_space<vmem>>
        %dma_wait3A_493 = tpu.memref_slice %arg11[%mul3A_33] : memref<3200000xf32, #tpu.memory_space<hbm>> -> memref<400xf32, #tpu.memory_space<hbm>>
        %dma_wait3A_494 = tpu.memref_slice %arg11[%mul3A_33] : memref<3200000xf32, #tpu.memory_space<hbm>> -> memref<400xf32, #tpu.memory_space<hbm>>
        %dma_wait3A_495 = arith.constant 0 : i32
        %dma_wait3A_496 = tpu.memref_slice %arg26[%dma_wait3A_495] : memref<800xf32, #tpu.memory_space<vmem>> -> memref<400xf32, #tpu.memory_space<vmem>>
        tpu.wait_dma2 semaphore(%arg42 : memref<!tpu.dma_semaphore, #tpu.memory_space<semaphore_mem>>) src(%dma_wait3A_496 : memref<400xf32, #tpu.memory_space<vmem>>) dst(%dma_wait3A_494 : memref<400xf32, #tpu.memory_space<hbm>>)
        %dma_wait3A_497 = arith.constant 0 : i32
        %dma_wait3A_498 = tpu.memref_slice %arg26[%dma_wait3A_497] : memref<800xf32, #tpu.memory_space<vmem>> -> memref<400xf32, #tpu.memory_space<vmem>>
        %dma_wait3A_499 = tpu.memref_slice %arg12[%mul3A_33] : memref<3200000xf32, #tpu.memory_space<hbm>> -> memref<400xf32, #tpu.memory_space<hbm>>
        %dma_wait3A_500 = tpu.memref_slice %arg12[%mul3A_33] : memref<3200000xf32, #tpu.memory_space<hbm>> -> memref<400xf32, #tpu.memory_space<hbm>>
        %dma_wait3A_501 = arith.constant 0 : i32
        %dma_wait3A_502 = tpu.memref_slice %arg26[%dma_wait3A_501] : memref<800xf32, #tpu.memory_space<vmem>> -> memref<400xf32, #tpu.memory_space<vmem>>
        tpu.wait_dma2 semaphore(%arg42 : memref<!tpu.dma_semaphore, #tpu.memory_space<semaphore_mem>>) src(%dma_wait3A_502 : memref<400xf32, #tpu.memory_space<vmem>>) dst(%dma_wait3A_500 : memref<400xf32, #tpu.memory_space<hbm>>)
        %dma_wait3A_503 = arith.constant 0 : i32
        %dma_wait3A_504 = tpu.memref_slice %arg26[%dma_wait3A_503] : memref<800xf32, #tpu.memory_space<vmem>> -> memref<400xf32, #tpu.memory_space<vmem>>
        %dma_wait3A_505 = tpu.memref_slice %arg13[%mul3A_33] : memref<3200000xf32, #tpu.memory_space<hbm>> -> memref<400xf32, #tpu.memory_space<hbm>>
        %dma_wait3A_506 = tpu.memref_slice %arg13[%mul3A_33] : memref<3200000xf32, #tpu.memory_space<hbm>> -> memref<400xf32, #tpu.memory_space<hbm>>
        %dma_wait3A_507 = arith.constant 0 : i32
        %dma_wait3A_508 = tpu.memref_slice %arg26[%dma_wait3A_507] : memref<800xf32, #tpu.memory_space<vmem>> -> memref<400xf32, #tpu.memory_space<vmem>>
        tpu.wait_dma2 semaphore(%arg42 : memref<!tpu.dma_semaphore, #tpu.memory_space<semaphore_mem>>) src(%dma_wait3A_508 : memref<400xf32, #tpu.memory_space<vmem>>) dst(%dma_wait3A_506 : memref<400xf32, #tpu.memory_space<hbm>>)
        %dma_wait3A_509 = arith.constant 0 : i32
        %dma_wait3A_510 = tpu.memref_slice %arg26[%dma_wait3A_509] : memref<800xf32, #tpu.memory_space<vmem>> -> memref<400xf32, #tpu.memory_space<vmem>>
        %dma_wait3A_511 = tpu.memref_slice %arg14[%mul3A_33] : memref<3200000xf32, #tpu.memory_space<hbm>> -> memref<400xf32, #tpu.memory_space<hbm>>
        %dma_wait3A_512 = tpu.memref_slice %arg14[%mul3A_33] : memref<3200000xf32, #tpu.memory_space<hbm>> -> memref<400xf32, #tpu.memory_space<hbm>>
        %dma_wait3A_513 = arith.constant 0 : i32
        %dma_wait3A_514 = tpu.memref_slice %arg26[%dma_wait3A_513] : memref<800xf32, #tpu.memory_space<vmem>> -> memref<400xf32, #tpu.memory_space<vmem>>
        tpu.wait_dma2 semaphore(%arg42 : memref<!tpu.dma_semaphore, #tpu.memory_space<semaphore_mem>>) src(%dma_wait3A_514 : memref<400xf32, #tpu.memory_space<vmem>>) dst(%dma_wait3A_512 : memref<400xf32, #tpu.memory_space<hbm>>)
        %dma_wait3A_515 = arith.constant 0 : i32
        %dma_wait3A_516 = tpu.memref_slice %arg26[%dma_wait3A_515] : memref<800xf32, #tpu.memory_space<vmem>> -> memref<400xf32, #tpu.memory_space<vmem>>
        %dma_wait3A_517 = tpu.memref_slice %arg15[%mul3A_33] : memref<3200000xf32, #tpu.memory_space<hbm>> -> memref<400xf32, #tpu.memory_space<hbm>>
        %dma_wait3A_518 = tpu.memref_slice %arg15[%mul3A_33] : memref<3200000xf32, #tpu.memory_space<hbm>> -> memref<400xf32, #tpu.memory_space<hbm>>
        %dma_wait3A_519 = arith.constant 0 : i32
        %dma_wait3A_520 = tpu.memref_slice %arg26[%dma_wait3A_519] : memref<800xf32, #tpu.memory_space<vmem>> -> memref<400xf32, #tpu.memory_space<vmem>>
        tpu.wait_dma2 semaphore(%arg42 : memref<!tpu.dma_semaphore, #tpu.memory_space<semaphore_mem>>) src(%dma_wait3A_520 : memref<400xf32, #tpu.memory_space<vmem>>) dst(%dma_wait3A_518 : memref<400xf32, #tpu.memory_space<hbm>>)
        %dma_wait3A_521 = arith.constant 0 : i32
        %dma_wait3A_522 = tpu.memref_slice %arg26[%dma_wait3A_521] : memref<800xf32, #tpu.memory_space<vmem>> -> memref<400xf32, #tpu.memory_space<vmem>>
        %dma_wait3A_523 = tpu.memref_slice %arg16[%mul3A_33] : memref<3200000xf32, #tpu.memory_space<hbm>> -> memref<400xf32, #tpu.memory_space<hbm>>
        %dma_wait3A_524 = tpu.memref_slice %arg16[%mul3A_33] : memref<3200000xf32, #tpu.memory_space<hbm>> -> memref<400xf32, #tpu.memory_space<hbm>>
        %dma_wait3A_525 = arith.constant 0 : i32
        %dma_wait3A_526 = tpu.memref_slice %arg26[%dma_wait3A_525] : memref<800xf32, #tpu.memory_space<vmem>> -> memref<400xf32, #tpu.memory_space<vmem>>
        tpu.wait_dma2 semaphore(%arg42 : memref<!tpu.dma_semaphore, #tpu.memory_space<semaphore_mem>>) src(%dma_wait3A_526 : memref<400xf32, #tpu.memory_space<vmem>>) dst(%dma_wait3A_524 : memref<400xf32, #tpu.memory_space<hbm>>)
        %dma_wait3A_527 = arith.constant 0 : i32
        %dma_wait3A_528 = tpu.memref_slice %arg26[%dma_wait3A_527] : memref<800xf32, #tpu.memory_space<vmem>> -> memref<400xf32, #tpu.memory_space<vmem>>
        %dma_wait3A_529 = tpu.memref_slice %arg17[%mul3A_33] : memref<3200000xf32, #tpu.memory_space<hbm>> -> memref<400xf32, #tpu.memory_space<hbm>>
        %dma_wait3A_530 = tpu.memref_slice %arg17[%mul3A_33] : memref<3200000xf32, #tpu.memory_space<hbm>> -> memref<400xf32, #tpu.memory_space<hbm>>
        %dma_wait3A_531 = arith.constant 0 : i32
        %dma_wait3A_532 = tpu.memref_slice %arg26[%dma_wait3A_531] : memref<800xf32, #tpu.memory_space<vmem>> -> memref<400xf32, #tpu.memory_space<vmem>>
        tpu.wait_dma2 semaphore(%arg42 : memref<!tpu.dma_semaphore, #tpu.memory_space<semaphore_mem>>) src(%dma_wait3A_532 : memref<400xf32, #tpu.memory_space<vmem>>) dst(%dma_wait3A_530 : memref<400xf32, #tpu.memory_space<hbm>>)
        %scan3A_533 = arith.constant 0 : i32
        %scan3A_534 = arith.constant 0 : i32
        %scan3A_535 = arith.constant 4 : i32
        %scan3A_536 = arith.addi %scan3A_534, %scan3A_535 : i32
        %scan3A_537 = arith.constant 1 : i32
        scf.for %scan3A_539 = %scan3A_534 to %scan3A_536 step %scan3A_537  : i32 {
          %dma_wait3A_540 = arith.constant 0 : i32
          %dma_wait3A_541 = arith.constant 0 : i32
          %dma_wait3A_542 = arith.constant 0 : i32
          %dma_wait3A_543 = tpu.memref_slice %arg33[%dma_wait3A_541, %dma_wait3A_542] : memref<800x8xf32, #tpu.memory_space<vmem>> -> memref<100x8xf32, #tpu.memory_space<vmem>>
          %dma_wait3A_544 = arith.constant 0 : i32
          %dma_wait3A_545 = tpu.memref_slice %arg19[%dma_wait3A_540, %dma_wait3A_544] : memref<12x100xi32, #tpu.memory_space<vmem>> -> memref<1x100xi32, #tpu.memory_space<vmem>>
          %dma_wait3A_546 = tpu.memref_squeeze %dma_wait3A_545 : memref<1x100xi32, #tpu.memory_space<vmem>> -> memref<100xi32, #tpu.memory_space<vmem>>
          %dma_wait3A_547 = arith.constant 0 : i32
          %dma_wait3A_548 = arith.constant 0 : i32
          %dma_wait3A_549 = tpu.memref_slice %arg38[%dma_wait3A_547, %dma_wait3A_548] : memref<102400x8xf32, #tpu.memory_space<vmem_shared>> -> memref<102400x8xf32, #tpu.memory_space<vmem_shared>>
          tpu.wait_indirect_dma semaphore(%arg43 : memref<!tpu.dma_semaphore, #tpu.memory_space<semaphore_mem>>) src(%dma_wait3A_543 : memref<100x8xf32, #tpu.memory_space<vmem>>) dst(%dma_wait3A_549 : memref<102400x8xf32, #tpu.memory_space<vmem_shared>>)
          %dma_wait3A_550 = arith.constant 0 : i32
          %dma_wait3A_551 = arith.constant 0 : i32
          %dma_wait3A_552 = arith.constant 0 : i32
          %dma_wait3A_553 = tpu.memref_slice %arg34[%dma_wait3A_551, %dma_wait3A_552] : memref<800x8xf32, #tpu.memory_space<vmem>> -> memref<100x8xf32, #tpu.memory_space<vmem>>
          %dma_wait3A_554 = arith.constant 0 : i32
          %dma_wait3A_555 = tpu.memref_slice %arg20[%dma_wait3A_550, %dma_wait3A_554] : memref<12x100xi32, #tpu.memory_space<vmem>> -> memref<1x100xi32, #tpu.memory_space<vmem>>
          %dma_wait3A_556 = tpu.memref_squeeze %dma_wait3A_555 : memref<1x100xi32, #tpu.memory_space<vmem>> -> memref<100xi32, #tpu.memory_space<vmem>>
          %dma_wait3A_557 = arith.constant 0 : i32
          %dma_wait3A_558 = arith.constant 0 : i32
          %dma_wait3A_559 = tpu.memref_slice %arg38[%dma_wait3A_557, %dma_wait3A_558] : memref<102400x8xf32, #tpu.memory_space<vmem_shared>> -> memref<102400x8xf32, #tpu.memory_space<vmem_shared>>
          tpu.wait_indirect_dma semaphore(%arg43 : memref<!tpu.dma_semaphore, #tpu.memory_space<semaphore_mem>>) src(%dma_wait3A_553 : memref<100x8xf32, #tpu.memory_space<vmem>>) dst(%dma_wait3A_559 : memref<102400x8xf32, #tpu.memory_space<vmem_shared>>)
        }
        %scan3A_538 = arith.constant 4 : i32
      } else {
      }
      %add3A_430 = arith.constant 2 : i32
      %add3A_431 = arith.addi %scan3A_420, %add3A_430 : i32
      %lt3A = arith.constant 250 : i32
      %lt3A_432 = arith.cmpi slt, %add3A_431, %lt3A : i32
      %convert_element_type3A_433 = arith.extui %lt3A_432 : i1 to i32
      %cond3A_434 = arith.constant 0 : i32
      %cond3A_435 = arith.cmpi ne, %convert_element_type3A_433, %cond3A_434 : i32
      scf.if %cond3A_435 {
        %add3A_491 = arith.constant 2 : i32
        %add3A_492 = arith.addi %scan3A_420, %add3A_491 : i32
        %rem3A_493 = arith.constant 3 : i32
        %rem3A_494 = arith.remsi %add3A_492, %rem3A_493 : i32
        %mul3A_495 = arith.constant 400 : i32
        %mul3A_496 = arith.muli %add3A_492, %mul3A_495 : i32
        %add3A_497 = arith.addi %mul3A_33, %mul3A_496 : i32
        %mul3A_498 = arith.constant 4 : i32
        %mul3A_499 = arith.muli %add3A_492, %mul3A_498 : i32
        %add3A_500 = arith.addi %mul3A_35, %mul3A_499 : i32
        %mul3A_501 = arith.constant 4 : i32
        %mul3A_502 = arith.muli %rem3A_494, %mul3A_501 : i32
        %dma_start3A_503 = arith.constant 0 : i32
        %dma_start3A_504 = tpu.memref_slice %arg19[%mul3A_502, %dma_start3A_503] : memref<12x100xi32, #tpu.memory_space<vmem>> -> memref<4x100xi32, #tpu.memory_space<vmem>>
        %dma_start3A_505 = arith.constant 0 : i32
        %dma_start3A_506 = tpu.memref_slice %arg3[%add3A_500, %dma_start3A_505] : memref<32000x100xi32, #tpu.memory_space<hbm>> -> memref<4x100xi32, #tpu.memory_space<hbm>>
        %dma_start3A_507 = arith.constant 0 : i32
        %dma_start3A_508 = tpu.memref_slice %arg19[%mul3A_502, %dma_start3A_507] : memref<12x100xi32, #tpu.memory_space<vmem>> -> memref<4x100xi32, #tpu.memory_space<vmem>>
        %dma_start3A_509 = arith.constant 0 : i32
        %dma_start3A_510 = tpu.memref_slice %arg3[%add3A_500, %dma_start3A_509] : memref<32000x100xi32, #tpu.memory_space<hbm>> -> memref<4x100xi32, #tpu.memory_space<hbm>>
        tpu.enqueue_dma source(%dma_start3A_510 : memref<4x100xi32, #tpu.memory_space<hbm>>) target(%dma_start3A_508 : memref<4x100xi32, #tpu.memory_space<vmem>>) target_semaphore(%arg39 : memref<!tpu.dma_semaphore, #tpu.memory_space<semaphore_mem>>)
        %mul3A_511 = arith.constant 4 : i32
        %mul3A_512 = arith.muli %rem3A_494, %mul3A_511 : i32
        %dma_start3A_513 = arith.constant 0 : i32
        %dma_start3A_514 = tpu.memref_slice %arg20[%mul3A_512, %dma_start3A_513] : memref<12x100xi32, #tpu.memory_space<vmem>> -> memref<4x100xi32, #tpu.memory_space<vmem>>
        %dma_start3A_515 = arith.constant 0 : i32
        %dma_start3A_516 = tpu.memref_slice %arg4[%add3A_500, %dma_start3A_515] : memref<32000x100xi32, #tpu.memory_space<hbm>> -> memref<4x100xi32, #tpu.memory_space<hbm>>
        %dma_start3A_517 = arith.constant 0 : i32
        %dma_start3A_518 = tpu.memref_slice %arg20[%mul3A_512, %dma_start3A_517] : memref<12x100xi32, #tpu.memory_space<vmem>> -> memref<4x100xi32, #tpu.memory_space<vmem>>
        %dma_start3A_519 = arith.constant 0 : i32
        %dma_start3A_520 = tpu.memref_slice %arg4[%add3A_500, %dma_start3A_519] : memref<32000x100xi32, #tpu.memory_space<hbm>> -> memref<4x100xi32, #tpu.memory_space<hbm>>
        tpu.enqueue_dma source(%dma_start3A_520 : memref<4x100xi32, #tpu.memory_space<hbm>>) target(%dma_start3A_518 : memref<4x100xi32, #tpu.memory_space<vmem>>) target_semaphore(%arg39 : memref<!tpu.dma_semaphore, #tpu.memory_space<semaphore_mem>>)
        %mul3A_521 = arith.constant 400 : i32
        %mul3A_522 = arith.muli %rem3A_494, %mul3A_521 : i32
        %dma_start3A_523 = tpu.memref_slice %arg23[%mul3A_522] : memref<1200xf32, #tpu.memory_space<vmem>> -> memref<400xf32, #tpu.memory_space<vmem>>
        %dma_start3A_524 = tpu.memref_slice %arg5[%add3A_497] : memref<3200000xf32, #tpu.memory_space<hbm>> -> memref<400xf32, #tpu.memory_space<hbm>>
        %dma_start3A_525 = tpu.memref_slice %arg23[%mul3A_522] : memref<1200xf32, #tpu.memory_space<vmem>> -> memref<400xf32, #tpu.memory_space<vmem>>
        %dma_start3A_526 = tpu.memref_slice %arg5[%add3A_497] : memref<3200000xf32, #tpu.memory_space<hbm>> -> memref<400xf32, #tpu.memory_space<hbm>>
        tpu.enqueue_dma source(%dma_start3A_526 : memref<400xf32, #tpu.memory_space<hbm>>) target(%dma_start3A_525 : memref<400xf32, #tpu.memory_space<vmem>>) target_semaphore(%arg39 : memref<!tpu.dma_semaphore, #tpu.memory_space<semaphore_mem>>)
        %mul3A_527 = arith.constant 400 : i32
        %mul3A_528 = arith.muli %rem3A_494, %mul3A_527 : i32
        %dma_start3A_529 = tpu.memref_slice %arg24[%mul3A_528] : memref<1200xf32, #tpu.memory_space<vmem>> -> memref<400xf32, #tpu.memory_space<vmem>>
        %dma_start3A_530 = tpu.memref_slice %arg6[%add3A_497] : memref<3200000xf32, #tpu.memory_space<hbm>> -> memref<400xf32, #tpu.memory_space<hbm>>
        %dma_start3A_531 = tpu.memref_slice %arg24[%mul3A_528] : memref<1200xf32, #tpu.memory_space<vmem>> -> memref<400xf32, #tpu.memory_space<vmem>>
        %dma_start3A_532 = tpu.memref_slice %arg6[%add3A_497] : memref<3200000xf32, #tpu.memory_space<hbm>> -> memref<400xf32, #tpu.memory_space<hbm>>
        tpu.enqueue_dma source(%dma_start3A_532 : memref<400xf32, #tpu.memory_space<hbm>>) target(%dma_start3A_531 : memref<400xf32, #tpu.memory_space<vmem>>) target_semaphore(%arg39 : memref<!tpu.dma_semaphore, #tpu.memory_space<semaphore_mem>>)
        %mul3A_533 = arith.constant 400 : i32
        %mul3A_534 = arith.muli %rem3A_494, %mul3A_533 : i32
        %dma_start3A_535 = tpu.memref_slice %arg25[%mul3A_534] : memref<1200xf32, #tpu.memory_space<vmem>> -> memref<400xf32, #tpu.memory_space<vmem>>
        %dma_start3A_536 = tpu.memref_slice %arg7[%add3A_497] : memref<3200000xf32, #tpu.memory_space<hbm>> -> memref<400xf32, #tpu.memory_space<hbm>>
        %dma_start3A_537 = tpu.memref_slice %arg25[%mul3A_534] : memref<1200xf32, #tpu.memory_space<vmem>> -> memref<400xf32, #tpu.memory_space<vmem>>
        %dma_start3A_538 = tpu.memref_slice %arg7[%add3A_497] : memref<3200000xf32, #tpu.memory_space<hbm>> -> memref<400xf32, #tpu.memory_space<hbm>>
        tpu.enqueue_dma source(%dma_start3A_538 : memref<400xf32, #tpu.memory_space<hbm>>) target(%dma_start3A_537 : memref<400xf32, #tpu.memory_space<vmem>>) target_semaphore(%arg39 : memref<!tpu.dma_semaphore, #tpu.memory_space<semaphore_mem>>)
      } else {
      }
      %scan3A_436 = arith.constant 0 : i32
      %scan3A_437 = arith.constant 0 : i32
      %scan3A_438 = arith.constant 4 : i32
      %scan3A_439 = arith.addi %scan3A_437, %scan3A_438 : i32
      %scan3A_440 = arith.constant 1 : i32
      scf.for %scan3A_491 = %scan3A_437 to %scan3A_439 step %scan3A_440  : i32 {
        %dma_wait3A_492 = arith.constant 0 : i32
        %dma_wait3A_493 = arith.constant 0 : i32
        %dma_wait3A_494 = arith.constant 0 : i32
        %dma_wait3A_495 = tpu.memref_slice %arg21[%dma_wait3A_493, %dma_wait3A_494] : memref<1200x8xf32, #tpu.memory_space<vmem>> -> memref<100x8xf32, #tpu.memory_space<vmem>>
        %dma_wait3A_496 = arith.constant 0 : i32
        %dma_wait3A_497 = tpu.memref_slice %arg19[%dma_wait3A_492, %dma_wait3A_496] : memref<12x100xi32, #tpu.memory_space<vmem>> -> memref<1x100xi32, #tpu.memory_space<vmem>>
        %dma_wait3A_498 = tpu.memref_squeeze %dma_wait3A_497 : memref<1x100xi32, #tpu.memory_space<vmem>> -> memref<100xi32, #tpu.memory_space<vmem>>
        %dma_wait3A_499 = arith.constant 0 : i32
        %dma_wait3A_500 = arith.constant 0 : i32
        %dma_wait3A_501 = tpu.memref_slice %arg2[%dma_wait3A_499, %dma_wait3A_500] : memref<100000x8xf32, #tpu.memory_space<hbm>> -> memref<100000x8xf32, #tpu.memory_space<hbm>>
        tpu.wait_indirect_dma semaphore(%arg40 : memref<!tpu.dma_semaphore, #tpu.memory_space<semaphore_mem>>) src(%dma_wait3A_501 : memref<100000x8xf32, #tpu.memory_space<hbm>>) dst(%dma_wait3A_495 : memref<100x8xf32, #tpu.memory_space<vmem>>)
        %dma_wait3A_502 = arith.constant 0 : i32
        %dma_wait3A_503 = arith.constant 0 : i32
        %dma_wait3A_504 = arith.constant 0 : i32
        %dma_wait3A_505 = tpu.memref_slice %arg22[%dma_wait3A_503, %dma_wait3A_504] : memref<1200x8xf32, #tpu.memory_space<vmem>> -> memref<100x8xf32, #tpu.memory_space<vmem>>
        %dma_wait3A_506 = arith.constant 0 : i32
        %dma_wait3A_507 = tpu.memref_slice %arg20[%dma_wait3A_502, %dma_wait3A_506] : memref<12x100xi32, #tpu.memory_space<vmem>> -> memref<1x100xi32, #tpu.memory_space<vmem>>
        %dma_wait3A_508 = tpu.memref_squeeze %dma_wait3A_507 : memref<1x100xi32, #tpu.memory_space<vmem>> -> memref<100xi32, #tpu.memory_space<vmem>>
        %dma_wait3A_509 = arith.constant 0 : i32
        %dma_wait3A_510 = arith.constant 0 : i32
        %dma_wait3A_511 = tpu.memref_slice %arg2[%dma_wait3A_509, %dma_wait3A_510] : memref<100000x8xf32, #tpu.memory_space<hbm>> -> memref<100000x8xf32, #tpu.memory_space<hbm>>
        tpu.wait_indirect_dma semaphore(%arg41 : memref<!tpu.dma_semaphore, #tpu.memory_space<semaphore_mem>>) src(%dma_wait3A_511 : memref<100000x8xf32, #tpu.memory_space<hbm>>) dst(%dma_wait3A_505 : memref<100x8xf32, #tpu.memory_space<vmem>>)
      }
      %scan3A_441 = arith.constant 4 : i32
      %scan3A_442 = arith.constant 0 : i32
      %scan3A_443 = arith.constant 0 : i32
      %scan3A_444 = arith.constant 25 : i32
      %scan3A_445 = arith.addi %scan3A_443, %scan3A_444 : i32
      %scan3A_446 = arith.constant 1 : i32
      scf.for %scan3A_491 = %scan3A_443 to %scan3A_445 step %scan3A_446  : i32 {
        %mul3A_492 = arith.constant 400 : i32
        %mul3A_493 = arith.muli %rem3A_422, %mul3A_492 : i32
        %mul3A_494 = arith.constant 16 : i32
        %mul3A_495 = arith.muli %scan3A_491, %mul3A_494 : i32
        %add3A_496 = arith.addi %mul3A_493, %mul3A_495 : i32
        %add3A_497 = vector.broadcast %add3A_496 : i32 to vector<16xi32>
        %add3A_498 = arith.addi %add3A_497, %iota3A : vector<16xi32>
        %mul3A_499 = arith.constant 400 : i32
        %mul3A_500 = arith.muli %rem3A_424, %mul3A_499 : i32
        %mul3A_501 = arith.constant 16 : i32
        %mul3A_502 = arith.muli %scan3A_491, %mul3A_501 : i32
        %add3A_503 = arith.addi %mul3A_500, %mul3A_502 : i32
        %add3A_504 = vector.broadcast %add3A_503 : i32 to vector<16xi32>
        %add3A_505 = arith.addi %add3A_504, %iota3A : vector<16xi32>
        %broadcast_in_dim3A_506 = arith.constant 0 : i32
        %broadcast_in_dim3A_507 = vector.broadcast %broadcast_in_dim3A_506 : i32 to vector<16xi32>
        %gather3A = tpu.vector_load_idx %arg21[%add3A_498, %broadcast_in_dim3A_507] : memref<1200x8xf32, #tpu.memory_space<vmem>>[vector<16xi32>, vector<16xi32>], vector<16xf32>,
        %broadcast_in_dim3A_508 = arith.constant 1 : i32
        %broadcast_in_dim3A_509 = vector.broadcast %broadcast_in_dim3A_508 : i32 to vector<16xi32>
        %gather3A_510 = tpu.vector_load_idx %arg21[%add3A_498, %broadcast_in_dim3A_509] : memref<1200x8xf32, #tpu.memory_space<vmem>>[vector<16xi32>, vector<16xi32>], vector<16xf32>,
        %broadcast_in_dim3A_511 = arith.constant 2 : i32
        %broadcast_in_dim3A_512 = vector.broadcast %broadcast_in_dim3A_511 : i32 to vector<16xi32>
        %gather3A_513 = tpu.vector_load_idx %arg21[%add3A_498, %broadcast_in_dim3A_512] : memref<1200x8xf32, #tpu.memory_space<vmem>>[vector<16xi32>, vector<16xi32>], vector<16xf32>,
        %neg3A = arith.constant 0.000000e+00 : f32
        %neg3A_514 = vector.broadcast %neg3A : f32 to vector<16xf32>
        %neg3A_515 = arith.subf %neg3A_514, %gather3A_513 : vector<16xf32>
        %broadcast_in_dim3A_516 = arith.constant 0 : i32
        %broadcast_in_dim3A_517 = vector.broadcast %broadcast_in_dim3A_516 : i32 to vector<16xi32>
        %gather3A_518 = tpu.vector_load_idx %arg22[%add3A_498, %broadcast_in_dim3A_517] : memref<1200x8xf32, #tpu.memory_space<vmem>>[vector<16xi32>, vector<16xi32>], vector<16xf32>,
        %broadcast_in_dim3A_519 = arith.constant 1 : i32
        %broadcast_in_dim3A_520 = vector.broadcast %broadcast_in_dim3A_519 : i32 to vector<16xi32>
        %gather3A_521 = tpu.vector_load_idx %arg22[%add3A_498, %broadcast_in_dim3A_520] : memref<1200x8xf32, #tpu.memory_space<vmem>>[vector<16xi32>, vector<16xi32>], vector<16xf32>,
        %broadcast_in_dim3A_522 = arith.constant 2 : i32
        %broadcast_in_dim3A_523 = vector.broadcast %broadcast_in_dim3A_522 : i32 to vector<16xi32>
        %gather3A_524 = tpu.vector_load_idx %arg22[%add3A_498, %broadcast_in_dim3A_523] : memref<1200x8xf32, #tpu.memory_space<vmem>>[vector<16xi32>, vector<16xi32>], vector<16xf32>,
        %neg3A_525 = arith.constant 0.000000e+00 : f32
        %neg3A_526 = vector.broadcast %neg3A_525 : f32 to vector<16xf32>
        %neg3A_527 = arith.subf %neg3A_526, %gather3A_524 : vector<16xf32>
        %broadcast_in_dim3A_528 = arith.constant 3 : i32
        %broadcast_in_dim3A_529 = vector.broadcast %broadcast_in_dim3A_528 : i32 to vector<16xi32>
        %gather3A_530 = tpu.vector_load_idx %arg21[%add3A_498, %broadcast_in_dim3A_529] : memref<1200x8xf32, #tpu.memory_space<vmem>>[vector<16xi32>, vector<16xi32>], vector<16xf32>,
        %broadcast_in_dim3A_531 = arith.constant 4 : i32
        %broadcast_in_dim3A_532 = vector.broadcast %broadcast_in_dim3A_531 : i32 to vector<16xi32>
        %gather3A_533 = tpu.vector_load_idx %arg21[%add3A_498, %broadcast_in_dim3A_532] : memref<1200x8xf32, #tpu.memory_space<vmem>>[vector<16xi32>, vector<16xi32>], vector<16xf32>,
        %broadcast_in_dim3A_534 = arith.constant 3 : i32
        %broadcast_in_dim3A_535 = vector.broadcast %broadcast_in_dim3A_534 : i32 to vector<16xi32>
        %gather3A_536 = tpu.vector_load_idx %arg22[%add3A_498, %broadcast_in_dim3A_535] : memref<1200x8xf32, #tpu.memory_space<vmem>>[vector<16xi32>, vector<16xi32>], vector<16xf32>,
        %broadcast_in_dim3A_537 = arith.constant 4 : i32
        %broadcast_in_dim3A_538 = vector.broadcast %broadcast_in_dim3A_537 : i32 to vector<16xi32>
        %gather3A_539 = tpu.vector_load_idx %arg22[%add3A_498, %broadcast_in_dim3A_538] : memref<1200x8xf32, #tpu.memory_space<vmem>>[vector<16xi32>, vector<16xi32>], vector<16xf32>,
        %sub3A = arith.subf %gather3A_536, %gather3A_530 : vector<16xf32>
        %sub3A_540 = arith.subf %gather3A_539, %gather3A_533 : vector<16xf32>
        %mul3A_541 = arith.mulf %sub3A, %sub3A : vector<16xf32>
        %mul3A_542 = arith.mulf %sub3A_540, %sub3A_540 : vector<16xf32>
        %add3A_543 = arith.addf %mul3A_541, %mul3A_542 : vector<16xf32>
        %bitcast_convert_type3A = tpu.bitcast %add3A_543 : vector<16xf32> -> vector<16xi32>
        %shift_right_arithmetic3A = arith.constant 1 : i32
        %shift_right_arithmetic3A_544 = vector.broadcast %shift_right_arithmetic3A : i32 to vector<16xi32>
        %shift_right_arithmetic3A_545 = arith.shrsi %bitcast_convert_type3A, %shift_right_arithmetic3A_544 : vector<16xi32>
        %sub3A_546 = arith.constant 1597463007 : i32
        %sub3A_547 = vector.broadcast %sub3A_546 : i32 to vector<16xi32>
        %sub3A_548 = arith.subi %sub3A_547, %shift_right_arithmetic3A_545 : vector<16xi32>
        %bitcast_convert_type3A_549 = tpu.bitcast %sub3A_548 : vector<16xi32> -> vector<16xf32>
        %mul3A_550 = arith.constant 5.000000e-01 : f32
        %mul3A_551 = vector.broadcast %mul3A_550 : f32 to vector<16xf32>
        %mul3A_552 = arith.mulf %mul3A_551, %add3A_543 : vector<16xf32>
        %mul3A_553 = arith.mulf %mul3A_552, %bitcast_convert_type3A_549 : vector<16xf32>
        %mul3A_554 = arith.mulf %mul3A_553, %bitcast_convert_type3A_549 : vector<16xf32>
        %sub3A_555 = arith.constant 1.500000e+00 : f32
        %sub3A_556 = vector.broadcast %sub3A_555 : f32 to vector<16xf32>
        %sub3A_557 = arith.subf %sub3A_556, %mul3A_554 : vector<16xf32>
        %mul3A_558 = arith.mulf %bitcast_convert_type3A_549, %sub3A_557 : vector<16xf32>
        %mul3A_559 = arith.constant 5.000000e-01 : f32
        %mul3A_560 = vector.broadcast %mul3A_559 : f32 to vector<16xf32>
        %mul3A_561 = arith.mulf %mul3A_560, %add3A_543 : vector<16xf32>
        %mul3A_562 = arith.mulf %mul3A_561, %mul3A_558 : vector<16xf32>
        %mul3A_563 = arith.mulf %mul3A_562, %mul3A_558 : vector<16xf32>
        %sub3A_564 = arith.constant 1.500000e+00 : f32
        %sub3A_565 = vector.broadcast %sub3A_564 : f32 to vector<16xf32>
        %sub3A_566 = arith.subf %sub3A_565, %mul3A_563 : vector<16xf32>
        %mul3A_567 = arith.mulf %mul3A_558, %sub3A_566 : vector<16xf32>
        %mul3A_568 = arith.constant 5.000000e-01 : f32
        %mul3A_569 = vector.broadcast %mul3A_568 : f32 to vector<16xf32>
        %mul3A_570 = arith.mulf %mul3A_569, %add3A_543 : vector<16xf32>
        %mul3A_571 = arith.mulf %mul3A_570, %mul3A_567 : vector<16xf32>
        %mul3A_572 = arith.mulf %mul3A_571, %mul3A_567 : vector<16xf32>
        %sub3A_573 = arith.constant 1.500000e+00 : f32
        %sub3A_574 = vector.broadcast %sub3A_573 : f32 to vector<16xf32>
        %sub3A_575 = arith.subf %sub3A_574, %mul3A_572 : vector<16xf32>
        %mul3A_576 = arith.mulf %mul3A_567, %sub3A_575 : vector<16xf32>
        %mul3A_577 = arith.mulf %mul3A_576, %mul3A_576 : vector<16xf32>
        %mul3A_578 = arith.mulf %mul3A_577, %mul3A_576 : vector<16xf32>
        %mul3A_579 = arith.constant 400 : i32
        %mul3A_580 = arith.muli %rem3A_422, %mul3A_579 : i32
        %mul3A_581 = arith.constant 16 : i32
        %mul3A_582 = arith.muli %scan3A_491, %mul3A_581 : i32
        %add3A_583 = arith.addi %mul3A_580, %mul3A_582 : i32
        %mul3A_584 = arith.constant 400 : i32
        %mul3A_585 = arith.muli %rem3A_424, %mul3A_584 : i32
        %mul3A_586 = arith.constant 16 : i32
        %mul3A_587 = arith.muli %scan3A_491, %mul3A_586 : i32
        %add3A_588 = arith.addi %mul3A_585, %mul3A_587 : i32
        %get3A_589 = arith.index_cast %add3A_583 : i32 to index
        %get3A_590 = tpu.vector_load %arg23[%get3A_589] {strides = array<i32>} : memref<1200xf32, #tpu.memory_space<vmem>>, vector<16xf32>,
        %get3A_591 = arith.index_cast %add3A_583 : i32 to index
        %get3A_592 = tpu.vector_load %arg24[%get3A_591] {strides = array<i32>} : memref<1200xf32, #tpu.memory_space<vmem>>, vector<16xf32>,
        %get3A_593 = arith.index_cast %add3A_583 : i32 to index
        %get3A_594 = tpu.vector_load %arg25[%get3A_593] {strides = array<i32>} : memref<1200xf32, #tpu.memory_space<vmem>>, vector<16xf32>,
        %mul3A_595 = arith.mulf %get3A_590, %get3A_592 : vector<16xf32>
        %mul3A_596 = arith.mulf %get3A_590, %get3A_594 : vector<16xf32>
        %mul3A_597 = arith.mulf %mul3A_595, %get3A_21 : vector<16xf32>
        %mul3A_598 = arith.mulf %mul3A_597, %mul3A_576 : vector<16xf32>
        %mul3A_599 = arith.mulf %mul3A_596, %get3A_23 : vector<16xf32>
        %mul3A_600 = arith.mulf %mul3A_599, %mul3A_576 : vector<16xf32>
        %mul3A_601 = arith.mulf %mul3A_596, %get3A_25 : vector<16xf32>
        %mul3A_602 = arith.mulf %mul3A_601, %mul3A_577 : vector<16xf32>
        %mul3A_603 = arith.mulf %mul3A_596, %get3A_21 : vector<16xf32>
        %mul3A_604 = arith.mulf %mul3A_603, %mul3A_578 : vector<16xf32>
        %mul3A_605 = arith.mulf %mul3A_596, %get3A_27 : vector<16xf32>
        %mul3A_606 = arith.mulf %mul3A_605, %mul3A_577 : vector<16xf32>
        %mul3A_607 = arith.mulf %sub3A, %mul3A_576 : vector<16xf32>
        %mul3A_608 = arith.mulf %sub3A_540, %mul3A_576 : vector<16xf32>
        %mul3A_609 = arith.mulf %mul3A_607, %gather3A : vector<16xf32>
        %mul3A_610 = arith.mulf %mul3A_608, %gather3A_510 : vector<16xf32>
        %add3A_611 = arith.addf %mul3A_609, %mul3A_610 : vector<16xf32>
        %mul3A_612 = arith.mulf %mul3A_607, %gather3A_510 : vector<16xf32>
        %mul3A_613 = arith.mulf %mul3A_608, %gather3A : vector<16xf32>
        %sub3A_614 = arith.subf %mul3A_612, %mul3A_613 : vector<16xf32>
        %mul3A_615 = arith.mulf %mul3A_607, %gather3A_518 : vector<16xf32>
        %mul3A_616 = arith.mulf %mul3A_608, %gather3A_521 : vector<16xf32>
        %add3A_617 = arith.addf %mul3A_615, %mul3A_616 : vector<16xf32>
        %mul3A_618 = arith.mulf %mul3A_607, %gather3A_521 : vector<16xf32>
        %mul3A_619 = arith.mulf %mul3A_608, %gather3A_518 : vector<16xf32>
        %sub3A_620 = arith.subf %mul3A_618, %mul3A_619 : vector<16xf32>
        %sub3A_621 = arith.subf %add3A_611, %add3A_617 : vector<16xf32>
        %mul3A_622 = arith.mulf %mul3A_598, %sub3A_621 : vector<16xf32>
        %sub3A_623 = arith.subf %sub3A_614, %sub3A_620 : vector<16xf32>
        %add3A_624 = arith.addf %neg3A_515, %neg3A_527 : vector<16xf32>
        %mul3A_625 = arith.constant 1.200000e+01 : f32
        %mul3A_626 = vector.broadcast %mul3A_625 : f32 to vector<16xf32>
        %mul3A_627 = arith.mulf %mul3A_626, %mul3A_604 : vector<16xf32>
        %mul3A_628 = arith.mulf %mul3A_627, %sub3A_623 : vector<16xf32>
        %mul3A_629 = arith.constant 6.000000e+00 : f32
        %mul3A_630 = vector.broadcast %mul3A_629 : f32 to vector<16xf32>
        %mul3A_631 = arith.mulf %mul3A_630, %mul3A_602 : vector<16xf32>
        %mul3A_632 = arith.mulf %mul3A_631, %add3A_624 : vector<16xf32>
        %add3A_633 = arith.addf %mul3A_628, %mul3A_632 : vector<16xf32>
        %mul3A_634 = arith.constant 6.000000e+00 : f32
        %mul3A_635 = vector.broadcast %mul3A_634 : f32 to vector<16xf32>
        %mul3A_636 = arith.mulf %mul3A_635, %mul3A_606 : vector<16xf32>
        %mul3A_637 = arith.mulf %mul3A_636, %sub3A_623 : vector<16xf32>
        %mul3A_638 = arith.constant 4.000000e+00 : f32
        %mul3A_639 = vector.broadcast %mul3A_638 : f32 to vector<16xf32>
        %mul3A_640 = arith.mulf %mul3A_639, %neg3A_515 : vector<16xf32>
        %mul3A_641 = arith.constant 2.000000e+00 : f32
        %mul3A_642 = vector.broadcast %mul3A_641 : f32 to vector<16xf32>
        %mul3A_643 = arith.mulf %mul3A_642, %neg3A_527 : vector<16xf32>
        %add3A_644 = arith.addf %mul3A_640, %mul3A_643 : vector<16xf32>
        %mul3A_645 = arith.mulf %mul3A_600, %add3A_644 : vector<16xf32>
        %add3A_646 = arith.addf %mul3A_637, %mul3A_645 : vector<16xf32>
        %mul3A_647 = arith.constant 2.000000e+00 : f32
        %mul3A_648 = vector.broadcast %mul3A_647 : f32 to vector<16xf32>
        %mul3A_649 = arith.mulf %mul3A_648, %neg3A_515 : vector<16xf32>
        %mul3A_650 = arith.constant 4.000000e+00 : f32
        %mul3A_651 = vector.broadcast %mul3A_650 : f32 to vector<16xf32>
        %mul3A_652 = arith.mulf %mul3A_651, %neg3A_527 : vector<16xf32>
        %add3A_653 = arith.addf %mul3A_649, %mul3A_652 : vector<16xf32>
        %mul3A_654 = arith.mulf %mul3A_600, %add3A_653 : vector<16xf32>
        %add3A_655 = arith.addf %mul3A_637, %mul3A_654 : vector<16xf32>
        %mul3A_656 = arith.mulf %mul3A_607, %mul3A_622 : vector<16xf32>
        %mul3A_657 = arith.mulf %mul3A_608, %add3A_633 : vector<16xf32>
        %sub3A_658 = arith.subf %mul3A_656, %mul3A_657 : vector<16xf32>
        %mul3A_659 = arith.mulf %mul3A_608, %mul3A_622 : vector<16xf32>
        %mul3A_660 = arith.mulf %mul3A_607, %add3A_633 : vector<16xf32>
        %add3A_661 = arith.addf %mul3A_659, %mul3A_660 : vector<16xf32>
        %mul3A_662 = arith.mulf %add3A_543, %mul3A_576 : vector<16xf32>
        %swap3A = arith.index_cast %add3A_588 : i32 to index
        %swap3A_663 = tpu.vector_load %arg26[%swap3A] {strides = array<i32>} : memref<800xf32, #tpu.memory_space<vmem>>, vector<16xf32>,
        tpu.vector_store %arg26[%swap3A], %mul3A_662 {strides = array<i32>} : memref<800xf32, #tpu.memory_space<vmem>>, vector<16xf32>,
        %swap3A_664 = arith.index_cast %add3A_588 : i32 to index
        %swap3A_665 = tpu.vector_load %arg27[%swap3A_664] {strides = array<i32>} : memref<800xf32, #tpu.memory_space<vmem>>, vector<16xf32>,
        tpu.vector_store %arg27[%swap3A_664], %mul3A_607 {strides = array<i32>} : memref<800xf32, #tpu.memory_space<vmem>>, vector<16xf32>,
        %swap3A_666 = arith.index_cast %add3A_588 : i32 to index
        %swap3A_667 = tpu.vector_load %arg28[%swap3A_666] {strides = array<i32>} : memref<800xf32, #tpu.memory_space<vmem>>, vector<16xf32>,
        tpu.vector_store %arg28[%swap3A_666], %mul3A_608 {strides = array<i32>} : memref<800xf32, #tpu.memory_space<vmem>>, vector<16xf32>,
        %neg3A_668 = arith.constant 0.000000e+00 : f32
        %neg3A_669 = vector.broadcast %neg3A_668 : f32 to vector<16xf32>
        %neg3A_670 = arith.subf %neg3A_669, %mul3A_622 : vector<16xf32>
        %mul3A_671 = arith.mulf %neg3A_670, %get3A_29 : vector<16xf32>
        %swap3A_672 = arith.index_cast %add3A_588 : i32 to index
        %swap3A_673 = tpu.vector_load %arg29[%swap3A_672] {strides = array<i32>} : memref<800xf32, #tpu.memory_space<vmem>>, vector<16xf32>,
        tpu.vector_store %arg29[%swap3A_672], %mul3A_671 {strides = array<i32>} : memref<800xf32, #tpu.memory_space<vmem>>, vector<16xf32>,
        %mul3A_674 = arith.mulf %add3A_646, %get3A_31 : vector<16xf32>
        %swap3A_675 = arith.index_cast %add3A_588 : i32 to index
        %swap3A_676 = tpu.vector_load %arg30[%swap3A_675] {strides = array<i32>} : memref<800xf32, #tpu.memory_space<vmem>>, vector<16xf32>,
        tpu.vector_store %arg30[%swap3A_675], %mul3A_674 {strides = array<i32>} : memref<800xf32, #tpu.memory_space<vmem>>, vector<16xf32>,
        %mul3A_677 = arith.mulf %add3A_655, %get3A_31 : vector<16xf32>
        %swap3A_678 = arith.index_cast %add3A_588 : i32 to index
        %swap3A_679 = tpu.vector_load %arg31[%swap3A_678] {strides = array<i32>} : memref<800xf32, #tpu.memory_space<vmem>>, vector<16xf32>,
        tpu.vector_store %arg31[%swap3A_678], %mul3A_677 {strides = array<i32>} : memref<800xf32, #tpu.memory_space<vmem>>, vector<16xf32>,
        %neg3A_680 = arith.constant 0.000000e+00 : f32
        %neg3A_681 = vector.broadcast %neg3A_680 : f32 to vector<16xf32>
        %neg3A_682 = arith.subf %neg3A_681, %add3A_633 : vector<16xf32>
        %mul3A_683 = arith.mulf %neg3A_682, %get3A_29 : vector<16xf32>
        %swap3A_684 = arith.index_cast %add3A_588 : i32 to index
        %swap3A_685 = tpu.vector_load %arg32[%swap3A_684] {strides = array<i32>} : memref<800xf32, #tpu.memory_space<vmem>>, vector<16xf32>,
        tpu.vector_store %arg32[%swap3A_684], %mul3A_683 {strides = array<i32>} : memref<800xf32, #tpu.memory_space<vmem>>, vector<16xf32>,
        %broadcast_in_dim3A_686 = arith.constant 0 : i32
        %broadcast_in_dim3A_687 = vector.broadcast %broadcast_in_dim3A_686 : i32 to vector<16xi32>
        tpu.vector_store_idx %arg33[%add3A_505, %broadcast_in_dim3A_687], %sub3A_658 : memref<800x8xf32, #tpu.memory_space<vmem>>[vector<16xi32>, vector<16xi32>], vector<16xf32>,
        %broadcast_in_dim3A_688 = arith.constant 1 : i32
        %broadcast_in_dim3A_689 = vector.broadcast %broadcast_in_dim3A_688 : i32 to vector<16xi32>
        tpu.vector_store_idx %arg33[%add3A_505, %broadcast_in_dim3A_689], %add3A_661 : memref<800x8xf32, #tpu.memory_space<vmem>>[vector<16xi32>, vector<16xi32>], vector<16xf32>,
        %broadcast_in_dim3A_690 = arith.constant 2 : i32
        %broadcast_in_dim3A_691 = vector.broadcast %broadcast_in_dim3A_690 : i32 to vector<16xi32>
        tpu.vector_store_idx %arg33[%add3A_505, %broadcast_in_dim3A_691], %add3A_646 : memref<800x8xf32, #tpu.memory_space<vmem>>[vector<16xi32>, vector<16xi32>], vector<16xf32>,
        %broadcast_in_dim3A_692 = arith.constant 0 : i32
        %broadcast_in_dim3A_693 = vector.broadcast %broadcast_in_dim3A_692 : i32 to vector<16xi32>
        %neg3A_694 = arith.constant 0.000000e+00 : f32
        %neg3A_695 = vector.broadcast %neg3A_694 : f32 to vector<16xf32>
        %neg3A_696 = arith.subf %neg3A_695, %sub3A_658 : vector<16xf32>
        tpu.vector_store_idx %arg34[%add3A_505, %broadcast_in_dim3A_693], %neg3A_696 : memref<800x8xf32, #tpu.memory_space<vmem>>[vector<16xi32>, vector<16xi32>], vector<16xf32>,
        %broadcast_in_dim3A_697 = arith.constant 1 : i32
        %broadcast_in_dim3A_698 = vector.broadcast %broadcast_in_dim3A_697 : i32 to vector<16xi32>
        %neg3A_699 = arith.constant 0.000000e+00 : f32
        %neg3A_700 = vector.broadcast %neg3A_699 : f32 to vector<16xf32>
        %neg3A_701 = arith.subf %neg3A_700, %add3A_661 : vector<16xf32>
        tpu.vector_store_idx %arg34[%add3A_505, %broadcast_in_dim3A_698], %neg3A_701 : memref<800x8xf32, #tpu.memory_space<vmem>>[vector<16xi32>, vector<16xi32>], vector<16xf32>,
        %broadcast_in_dim3A_702 = arith.constant 2 : i32
        %broadcast_in_dim3A_703 = vector.broadcast %broadcast_in_dim3A_702 : i32 to vector<16xi32>
        tpu.vector_store_idx %arg34[%add3A_505, %broadcast_in_dim3A_703], %add3A_655 : memref<800x8xf32, #tpu.memory_space<vmem>>[vector<16xi32>, vector<16xi32>], vector<16xf32>,
      }
      %scan3A_447 = arith.constant 25 : i32
      %mul3A_448 = arith.constant 400 : i32
      %mul3A_449 = arith.muli %rem3A_424, %mul3A_448 : i32
      %dma_start3A_450 = tpu.memref_slice %arg26[%mul3A_449] : memref<800xf32, #tpu.memory_space<vmem>> -> memref<400xf32, #tpu.memory_space<vmem>>
      %dma_start3A_451 = tpu.memref_slice %arg11[%add3A_427] : memref<3200000xf32, #tpu.memory_space<hbm>> -> memref<400xf32, #tpu.memory_space<hbm>>
      %dma_start3A_452 = tpu.memref_slice %arg11[%add3A_427] : memref<3200000xf32, #tpu.memory_space<hbm>> -> memref<400xf32, #tpu.memory_space<hbm>>
      %dma_start3A_453 = tpu.memref_slice %arg26[%mul3A_449] : memref<800xf32, #tpu.memory_space<vmem>> -> memref<400xf32, #tpu.memory_space<vmem>>
      tpu.enqueue_dma source(%dma_start3A_453 : memref<400xf32, #tpu.memory_space<vmem>>) target(%dma_start3A_452 : memref<400xf32, #tpu.memory_space<hbm>>) target_semaphore(%arg42 : memref<!tpu.dma_semaphore, #tpu.memory_space<semaphore_mem>>)
      %dma_start3A_454 = tpu.memref_slice %arg27[%mul3A_449] : memref<800xf32, #tpu.memory_space<vmem>> -> memref<400xf32, #tpu.memory_space<vmem>>
      %dma_start3A_455 = tpu.memref_slice %arg12[%add3A_427] : memref<3200000xf32, #tpu.memory_space<hbm>> -> memref<400xf32, #tpu.memory_space<hbm>>
      %dma_start3A_456 = tpu.memref_slice %arg12[%add3A_427] : memref<3200000xf32, #tpu.memory_space<hbm>> -> memref<400xf32, #tpu.memory_space<hbm>>
      %dma_start3A_457 = tpu.memref_slice %arg27[%mul3A_449] : memref<800xf32, #tpu.memory_space<vmem>> -> memref<400xf32, #tpu.memory_space<vmem>>
      tpu.enqueue_dma source(%dma_start3A_457 : memref<400xf32, #tpu.memory_space<vmem>>) target(%dma_start3A_456 : memref<400xf32, #tpu.memory_space<hbm>>) target_semaphore(%arg42 : memref<!tpu.dma_semaphore, #tpu.memory_space<semaphore_mem>>)
      %dma_start3A_458 = tpu.memref_slice %arg28[%mul3A_449] : memref<800xf32, #tpu.memory_space<vmem>> -> memref<400xf32, #tpu.memory_space<vmem>>
      %dma_start3A_459 = tpu.memref_slice %arg13[%add3A_427] : memref<3200000xf32, #tpu.memory_space<hbm>> -> memref<400xf32, #tpu.memory_space<hbm>>
      %dma_start3A_460 = tpu.memref_slice %arg13[%add3A_427] : memref<3200000xf32, #tpu.memory_space<hbm>> -> memref<400xf32, #tpu.memory_space<hbm>>
      %dma_start3A_461 = tpu.memref_slice %arg28[%mul3A_449] : memref<800xf32, #tpu.memory_space<vmem>> -> memref<400xf32, #tpu.memory_space<vmem>>
      tpu.enqueue_dma source(%dma_start3A_461 : memref<400xf32, #tpu.memory_space<vmem>>) target(%dma_start3A_460 : memref<400xf32, #tpu.memory_space<hbm>>) target_semaphore(%arg42 : memref<!tpu.dma_semaphore, #tpu.memory_space<semaphore_mem>>)
      %dma_start3A_462 = tpu.memref_slice %arg29[%mul3A_449] : memref<800xf32, #tpu.memory_space<vmem>> -> memref<400xf32, #tpu.memory_space<vmem>>
      %dma_start3A_463 = tpu.memref_slice %arg14[%add3A_427] : memref<3200000xf32, #tpu.memory_space<hbm>> -> memref<400xf32, #tpu.memory_space<hbm>>
      %dma_start3A_464 = tpu.memref_slice %arg14[%add3A_427] : memref<3200000xf32, #tpu.memory_space<hbm>> -> memref<400xf32, #tpu.memory_space<hbm>>
      %dma_start3A_465 = tpu.memref_slice %arg29[%mul3A_449] : memref<800xf32, #tpu.memory_space<vmem>> -> memref<400xf32, #tpu.memory_space<vmem>>
      tpu.enqueue_dma source(%dma_start3A_465 : memref<400xf32, #tpu.memory_space<vmem>>) target(%dma_start3A_464 : memref<400xf32, #tpu.memory_space<hbm>>) target_semaphore(%arg42 : memref<!tpu.dma_semaphore, #tpu.memory_space<semaphore_mem>>)
      %dma_start3A_466 = tpu.memref_slice %arg30[%mul3A_449] : memref<800xf32, #tpu.memory_space<vmem>> -> memref<400xf32, #tpu.memory_space<vmem>>
      %dma_start3A_467 = tpu.memref_slice %arg15[%add3A_427] : memref<3200000xf32, #tpu.memory_space<hbm>> -> memref<400xf32, #tpu.memory_space<hbm>>
      %dma_start3A_468 = tpu.memref_slice %arg15[%add3A_427] : memref<3200000xf32, #tpu.memory_space<hbm>> -> memref<400xf32, #tpu.memory_space<hbm>>
      %dma_start3A_469 = tpu.memref_slice %arg30[%mul3A_449] : memref<800xf32, #tpu.memory_space<vmem>> -> memref<400xf32, #tpu.memory_space<vmem>>
      tpu.enqueue_dma source(%dma_start3A_469 : memref<400xf32, #tpu.memory_space<vmem>>) target(%dma_start3A_468 : memref<400xf32, #tpu.memory_space<hbm>>) target_semaphore(%arg42 : memref<!tpu.dma_semaphore, #tpu.memory_space<semaphore_mem>>)
      %dma_start3A_470 = tpu.memref_slice %arg31[%mul3A_449] : memref<800xf32, #tpu.memory_space<vmem>> -> memref<400xf32, #tpu.memory_space<vmem>>
      %dma_start3A_471 = tpu.memref_slice %arg16[%add3A_427] : memref<3200000xf32, #tpu.memory_space<hbm>> -> memref<400xf32, #tpu.memory_space<hbm>>
      %dma_start3A_472 = tpu.memref_slice %arg16[%add3A_427] : memref<3200000xf32, #tpu.memory_space<hbm>> -> memref<400xf32, #tpu.memory_space<hbm>>
      %dma_start3A_473 = tpu.memref_slice %arg31[%mul3A_449] : memref<800xf32, #tpu.memory_space<vmem>> -> memref<400xf32, #tpu.memory_space<vmem>>
      tpu.enqueue_dma source(%dma_start3A_473 : memref<400xf32, #tpu.memory_space<vmem>>) target(%dma_start3A_472 : memref<400xf32, #tpu.memory_space<hbm>>) target_semaphore(%arg42 : memref<!tpu.dma_semaphore, #tpu.memory_space<semaphore_mem>>)
      %dma_start3A_474 = tpu.memref_slice %arg32[%mul3A_449] : memref<800xf32, #tpu.memory_space<vmem>> -> memref<400xf32, #tpu.memory_space<vmem>>
      %dma_start3A_475 = tpu.memref_slice %arg17[%add3A_427] : memref<3200000xf32, #tpu.memory_space<hbm>> -> memref<400xf32, #tpu.memory_space<hbm>>
      %dma_start3A_476 = tpu.memref_slice %arg17[%add3A_427] : memref<3200000xf32, #tpu.memory_space<hbm>> -> memref<400xf32, #tpu.memory_space<hbm>>
      %dma_start3A_477 = tpu.memref_slice %arg32[%mul3A_449] : memref<800xf32, #tpu.memory_space<vmem>> -> memref<400xf32, #tpu.memory_space<vmem>>
      tpu.enqueue_dma source(%dma_start3A_477 : memref<400xf32, #tpu.memory_space<vmem>>) target(%dma_start3A_476 : memref<400xf32, #tpu.memory_space<hbm>>) target_semaphore(%arg42 : memref<!tpu.dma_semaphore, #tpu.memory_space<semaphore_mem>>)
      %scan3A_478 = arith.constant 0 : i32
      %scan3A_479 = arith.constant 0 : i32
      %scan3A_480 = arith.constant 4 : i32
      %scan3A_481 = arith.addi %scan3A_479, %scan3A_480 : i32
      %scan3A_482 = arith.constant 1 : i32
      scf.for %scan3A_491 = %scan3A_479 to %scan3A_481 step %scan3A_482  : i32 {
        %mul3A_492 = arith.constant 400 : i32
        %mul3A_493 = arith.muli %rem3A_424, %mul3A_492 : i32
        %mul3A_494 = arith.constant 100 : i32
        %mul3A_495 = arith.muli %scan3A_491, %mul3A_494 : i32
        %add3A_496 = arith.addi %mul3A_493, %mul3A_495 : i32
        %mul3A_497 = arith.constant 4 : i32
        %mul3A_498 = arith.muli %rem3A_422, %mul3A_497 : i32
        %add3A_499 = arith.addi %mul3A_498, %scan3A_491 : i32
        %dma_start3A_500 = arith.constant 0 : i32
        %dma_start3A_501 = tpu.memref_slice %arg33[%add3A_496, %dma_start3A_500] : memref<800x8xf32, #tpu.memory_space<vmem>> -> memref<100x8xf32, #tpu.memory_space<vmem>>
        %dma_start3A_502 = arith.constant 0 : i32
        %dma_start3A_503 = tpu.memref_slice %arg19[%add3A_499, %dma_start3A_502] : memref<12x100xi32, #tpu.memory_space<vmem>> -> memref<1x100xi32, #tpu.memory_space<vmem>>
        %dma_start3A_504 = tpu.memref_squeeze %dma_start3A_503 : memref<1x100xi32, #tpu.memory_space<vmem>> -> memref<100xi32, #tpu.memory_space<vmem>>
        %dma_start3A_505 = arith.constant 0 : i32
        %dma_start3A_506 = arith.constant 0 : i32
        %dma_start3A_507 = tpu.memref_slice %arg38[%dma_start3A_505, %dma_start3A_506] : memref<102400x8xf32, #tpu.memory_space<vmem_shared>> -> memref<102400x8xf32, #tpu.memory_space<vmem_shared>>
        tpu.enqueue_indirect_dma source(%dma_start3A_501 : memref<100x8xf32, #tpu.memory_space<vmem>>) target(%dma_start3A_507 : memref<102400x8xf32, #tpu.memory_space<vmem_shared>>) offsets(%dma_start3A_504 : memref<100xi32, #tpu.memory_space<vmem>>) semaphore(%arg43 : memref<!tpu.dma_semaphore, #tpu.memory_space<semaphore_mem>>) {add = true}
        %mul3A_508 = arith.constant 400 : i32
        %mul3A_509 = arith.muli %rem3A_424, %mul3A_508 : i32
        %mul3A_510 = arith.constant 100 : i32
        %mul3A_511 = arith.muli %scan3A_491, %mul3A_510 : i32
        %add3A_512 = arith.addi %mul3A_509, %mul3A_511 : i32
        %mul3A_513 = arith.constant 4 : i32
        %mul3A_514 = arith.muli %rem3A_422, %mul3A_513 : i32
        %add3A_515 = arith.addi %mul3A_514, %scan3A_491 : i32
        %dma_start3A_516 = arith.constant 0 : i32
        %dma_start3A_517 = tpu.memref_slice %arg34[%add3A_512, %dma_start3A_516] : memref<800x8xf32, #tpu.memory_space<vmem>> -> memref<100x8xf32, #tpu.memory_space<vmem>>
        %dma_start3A_518 = arith.constant 0 : i32
        %dma_start3A_519 = tpu.memref_slice %arg20[%add3A_515, %dma_start3A_518] : memref<12x100xi32, #tpu.memory_space<vmem>> -> memref<1x100xi32, #tpu.memory_space<vmem>>
        %dma_start3A_520 = tpu.memref_squeeze %dma_start3A_519 : memref<1x100xi32, #tpu.memory_space<vmem>> -> memref<100xi32, #tpu.memory_space<vmem>>
        %dma_start3A_521 = arith.constant 0 : i32
        %dma_start3A_522 = arith.constant 0 : i32
        %dma_start3A_523 = tpu.memref_slice %arg38[%dma_start3A_521, %dma_start3A_522] : memref<102400x8xf32, #tpu.memory_space<vmem_shared>> -> memref<102400x8xf32, #tpu.memory_space<vmem_shared>>
        tpu.enqueue_indirect_dma source(%dma_start3A_517 : memref<100x8xf32, #tpu.memory_space<vmem>>) target(%dma_start3A_523 : memref<102400x8xf32, #tpu.memory_space<vmem_shared>>) offsets(%dma_start3A_520 : memref<100xi32, #tpu.memory_space<vmem>>) semaphore(%arg43 : memref<!tpu.dma_semaphore, #tpu.memory_space<semaphore_mem>>) {add = true}
      }
      %scan3A_483 = arith.constant 4 : i32
      %add3A_484 = arith.constant 2 : i32
      %add3A_485 = arith.addi %scan3A_420, %add3A_484 : i32
      %lt3A_486 = arith.constant 250 : i32
      %lt3A_487 = arith.cmpi slt, %add3A_485, %lt3A_486 : i32
      %convert_element_type3A_488 = arith.extui %lt3A_487 : i1 to i32
      %cond3A_489 = arith.constant 0 : i32
      %cond3A_490 = arith.cmpi ne, %convert_element_type3A_488, %cond3A_489 : i32
      scf.if %cond3A_490 {
        %dma_wait3A_491 = arith.constant 0 : i32
        %dma_wait3A_492 = arith.constant 0 : i32
        %dma_wait3A_493 = tpu.memref_slice %arg19[%dma_wait3A_491, %dma_wait3A_492] : memref<12x100xi32, #tpu.memory_space<vmem>> -> memref<4x100xi32, #tpu.memory_space<vmem>>
        %dma_wait3A_494 = arith.constant 0 : i32
        %dma_wait3A_495 = arith.constant 0 : i32
        %dma_wait3A_496 = tpu.memref_slice %arg3[%dma_wait3A_494, %dma_wait3A_495] : memref<32000x100xi32, #tpu.memory_space<hbm>> -> memref<4x100xi32, #tpu.memory_space<hbm>>
        %dma_wait3A_497 = arith.constant 0 : i32
        %dma_wait3A_498 = arith.constant 0 : i32
        %dma_wait3A_499 = tpu.memref_slice %arg19[%dma_wait3A_497, %dma_wait3A_498] : memref<12x100xi32, #tpu.memory_space<vmem>> -> memref<4x100xi32, #tpu.memory_space<vmem>>
        %dma_wait3A_500 = arith.constant 0 : i32
        %dma_wait3A_501 = arith.constant 0 : i32
        %dma_wait3A_502 = tpu.memref_slice %arg3[%dma_wait3A_500, %dma_wait3A_501] : memref<32000x100xi32, #tpu.memory_space<hbm>> -> memref<4x100xi32, #tpu.memory_space<hbm>>
        tpu.wait_dma2 semaphore(%arg39 : memref<!tpu.dma_semaphore, #tpu.memory_space<semaphore_mem>>) src(%dma_wait3A_502 : memref<4x100xi32, #tpu.memory_space<hbm>>) dst(%dma_wait3A_499 : memref<4x100xi32, #tpu.memory_space<vmem>>)
        %dma_wait3A_503 = arith.constant 0 : i32
        %dma_wait3A_504 = arith.constant 0 : i32
        %dma_wait3A_505 = tpu.memref_slice %arg20[%dma_wait3A_503, %dma_wait3A_504] : memref<12x100xi32, #tpu.memory_space<vmem>> -> memref<4x100xi32, #tpu.memory_space<vmem>>
        %dma_wait3A_506 = arith.constant 0 : i32
        %dma_wait3A_507 = arith.constant 0 : i32
        %dma_wait3A_508 = tpu.memref_slice %arg4[%dma_wait3A_506, %dma_wait3A_507] : memref<32000x100xi32, #tpu.memory_space<hbm>> -> memref<4x100xi32, #tpu.memory_space<hbm>>
        %dma_wait3A_509 = arith.constant 0 : i32
        %dma_wait3A_510 = arith.constant 0 : i32
        %dma_wait3A_511 = tpu.memref_slice %arg20[%dma_wait3A_509, %dma_wait3A_510] : memref<12x100xi32, #tpu.memory_space<vmem>> -> memref<4x100xi32, #tpu.memory_space<vmem>>
        %dma_wait3A_512 = arith.constant 0 : i32
        %dma_wait3A_513 = arith.constant 0 : i32
        %dma_wait3A_514 = tpu.memref_slice %arg4[%dma_wait3A_512, %dma_wait3A_513] : memref<32000x100xi32, #tpu.memory_space<hbm>> -> memref<4x100xi32, #tpu.memory_space<hbm>>
        tpu.wait_dma2 semaphore(%arg39 : memref<!tpu.dma_semaphore, #tpu.memory_space<semaphore_mem>>) src(%dma_wait3A_514 : memref<4x100xi32, #tpu.memory_space<hbm>>) dst(%dma_wait3A_511 : memref<4x100xi32, #tpu.memory_space<vmem>>)
        %dma_wait3A_515 = arith.constant 0 : i32
        %dma_wait3A_516 = tpu.memref_slice %arg23[%dma_wait3A_515] : memref<1200xf32, #tpu.memory_space<vmem>> -> memref<400xf32, #tpu.memory_space<vmem>>
        %dma_wait3A_517 = arith.constant 0 : i32
        %dma_wait3A_518 = tpu.memref_slice %arg5[%dma_wait3A_517] : memref<3200000xf32, #tpu.memory_space<hbm>> -> memref<400xf32, #tpu.memory_space<hbm>>
        %dma_wait3A_519 = arith.constant 0 : i32
        %dma_wait3A_520 = tpu.memref_slice %arg23[%dma_wait3A_519] : memref<1200xf32, #tpu.memory_space<vmem>> -> memref<400xf32, #tpu.memory_space<vmem>>
        %dma_wait3A_521 = arith.constant 0 : i32
        %dma_wait3A_522 = tpu.memref_slice %arg5[%dma_wait3A_521] : memref<3200000xf32, #tpu.memory_space<hbm>> -> memref<400xf32, #tpu.memory_space<hbm>>
        tpu.wait_dma2 semaphore(%arg39 : memref<!tpu.dma_semaphore, #tpu.memory_space<semaphore_mem>>) src(%dma_wait3A_522 : memref<400xf32, #tpu.memory_space<hbm>>) dst(%dma_wait3A_520 : memref<400xf32, #tpu.memory_space<vmem>>)
        %dma_wait3A_523 = arith.constant 0 : i32
        %dma_wait3A_524 = tpu.memref_slice %arg24[%dma_wait3A_523] : memref<1200xf32, #tpu.memory_space<vmem>> -> memref<400xf32, #tpu.memory_space<vmem>>
        %dma_wait3A_525 = arith.constant 0 : i32
        %dma_wait3A_526 = tpu.memref_slice %arg6[%dma_wait3A_525] : memref<3200000xf32, #tpu.memory_space<hbm>> -> memref<400xf32, #tpu.memory_space<hbm>>
        %dma_wait3A_527 = arith.constant 0 : i32
        %dma_wait3A_528 = tpu.memref_slice %arg24[%dma_wait3A_527] : memref<1200xf32, #tpu.memory_space<vmem>> -> memref<400xf32, #tpu.memory_space<vmem>>
        %dma_wait3A_529 = arith.constant 0 : i32
        %dma_wait3A_530 = tpu.memref_slice %arg6[%dma_wait3A_529] : memref<3200000xf32, #tpu.memory_space<hbm>> -> memref<400xf32, #tpu.memory_space<hbm>>
        tpu.wait_dma2 semaphore(%arg39 : memref<!tpu.dma_semaphore, #tpu.memory_space<semaphore_mem>>) src(%dma_wait3A_530 : memref<400xf32, #tpu.memory_space<hbm>>) dst(%dma_wait3A_528 : memref<400xf32, #tpu.memory_space<vmem>>)
        %dma_wait3A_531 = arith.constant 0 : i32
        %dma_wait3A_532 = tpu.memref_slice %arg25[%dma_wait3A_531] : memref<1200xf32, #tpu.memory_space<vmem>> -> memref<400xf32, #tpu.memory_space<vmem>>
        %dma_wait3A_533 = arith.constant 0 : i32
        %dma_wait3A_534 = tpu.memref_slice %arg7[%dma_wait3A_533] : memref<3200000xf32, #tpu.memory_space<hbm>> -> memref<400xf32, #tpu.memory_space<hbm>>
        %dma_wait3A_535 = arith.constant 0 : i32
        %dma_wait3A_536 = tpu.memref_slice %arg25[%dma_wait3A_535] : memref<1200xf32, #tpu.memory_space<vmem>> -> memref<400xf32, #tpu.memory_space<vmem>>
        %dma_wait3A_537 = arith.constant 0 : i32
        %dma_wait3A_538 = tpu.memref_slice %arg7[%dma_wait3A_537] : memref<3200000xf32, #tpu.memory_space<hbm>> -> memref<400xf32, #tpu.memory_space<hbm>>
        tpu.wait_dma2 semaphore(%arg39 : memref<!tpu.dma_semaphore, #tpu.memory_space<semaphore_mem>>) src(%dma_wait3A_538 : memref<400xf32, #tpu.memory_space<hbm>>) dst(%dma_wait3A_536 : memref<400xf32, #tpu.memory_space<vmem>>)
        %add3A_539 = arith.constant 2 : i32
        %add3A_540 = arith.addi %scan3A_420, %add3A_539 : i32
        %rem3A_541 = arith.constant 3 : i32
        %rem3A_542 = arith.remsi %add3A_540, %rem3A_541 : i32
        %scan3A_543 = arith.constant 0 : i32
        %scan3A_544 = arith.constant 0 : i32
        %scan3A_545 = arith.constant 4 : i32
        %scan3A_546 = arith.addi %scan3A_544, %scan3A_545 : i32
        %scan3A_547 = arith.constant 1 : i32
        scf.for %scan3A_549 = %scan3A_544 to %scan3A_546 step %scan3A_547  : i32 {
          %mul3A_550 = arith.constant 4 : i32
          %mul3A_551 = arith.muli %rem3A_542, %mul3A_550 : i32
          %add3A_552 = arith.addi %mul3A_551, %scan3A_549 : i32
          %mul3A_553 = arith.constant 400 : i32
          %mul3A_554 = arith.muli %rem3A_542, %mul3A_553 : i32
          %mul3A_555 = arith.constant 100 : i32
          %mul3A_556 = arith.muli %scan3A_549, %mul3A_555 : i32
          %add3A_557 = arith.addi %mul3A_554, %mul3A_556 : i32
          %dma_start3A_558 = arith.constant 0 : i32
          %dma_start3A_559 = tpu.memref_slice %arg21[%add3A_557, %dma_start3A_558] : memref<1200x8xf32, #tpu.memory_space<vmem>> -> memref<100x8xf32, #tpu.memory_space<vmem>>
          %dma_start3A_560 = arith.constant 0 : i32
          %dma_start3A_561 = tpu.memref_slice %arg19[%add3A_552, %dma_start3A_560] : memref<12x100xi32, #tpu.memory_space<vmem>> -> memref<1x100xi32, #tpu.memory_space<vmem>>
          %dma_start3A_562 = tpu.memref_squeeze %dma_start3A_561 : memref<1x100xi32, #tpu.memory_space<vmem>> -> memref<100xi32, #tpu.memory_space<vmem>>
          %dma_start3A_563 = arith.constant 0 : i32
          %dma_start3A_564 = arith.constant 0 : i32
          %dma_start3A_565 = tpu.memref_slice %arg2[%dma_start3A_563, %dma_start3A_564] : memref<100000x8xf32, #tpu.memory_space<hbm>> -> memref<100000x8xf32, #tpu.memory_space<hbm>>
          tpu.enqueue_indirect_dma source(%dma_start3A_565 : memref<100000x8xf32, #tpu.memory_space<hbm>>) target(%dma_start3A_559 : memref<100x8xf32, #tpu.memory_space<vmem>>) offsets(%dma_start3A_562 : memref<100xi32, #tpu.memory_space<vmem>>) semaphore(%arg40 : memref<!tpu.dma_semaphore, #tpu.memory_space<semaphore_mem>>)
          %mul3A_566 = arith.constant 4 : i32
          %mul3A_567 = arith.muli %rem3A_542, %mul3A_566 : i32
          %add3A_568 = arith.addi %mul3A_567, %scan3A_549 : i32
          %mul3A_569 = arith.constant 400 : i32
          %mul3A_570 = arith.muli %rem3A_542, %mul3A_569 : i32
          %mul3A_571 = arith.constant 100 : i32
          %mul3A_572 = arith.muli %scan3A_549, %mul3A_571 : i32
          %add3A_573 = arith.addi %mul3A_570, %mul3A_572 : i32
          %dma_start3A_574 = arith.constant 0 : i32
          %dma_start3A_575 = tpu.memref_slice %arg22[%add3A_573, %dma_start3A_574] : memref<1200x8xf32, #tpu.memory_space<vmem>> -> memref<100x8xf32, #tpu.memory_space<vmem>>
          %dma_start3A_576 = arith.constant 0 : i32
          %dma_start3A_577 = tpu.memref_slice %arg20[%add3A_568, %dma_start3A_576] : memref<12x100xi32, #tpu.memory_space<vmem>> -> memref<1x100xi32, #tpu.memory_space<vmem>>
          %dma_start3A_578 = tpu.memref_squeeze %dma_start3A_577 : memref<1x100xi32, #tpu.memory_space<vmem>> -> memref<100xi32, #tpu.memory_space<vmem>>
          %dma_start3A_579 = arith.constant 0 : i32
          %dma_start3A_580 = arith.constant 0 : i32
          %dma_start3A_581 = tpu.memref_slice %arg2[%dma_start3A_579, %dma_start3A_580] : memref<100000x8xf32, #tpu.memory_space<hbm>> -> memref<100000x8xf32, #tpu.memory_space<hbm>>
          tpu.enqueue_indirect_dma source(%dma_start3A_581 : memref<100000x8xf32, #tpu.memory_space<hbm>>) target(%dma_start3A_575 : memref<100x8xf32, #tpu.memory_space<vmem>>) offsets(%dma_start3A_578 : memref<100xi32, #tpu.memory_space<vmem>>) semaphore(%arg41 : memref<!tpu.dma_semaphore, #tpu.memory_space<semaphore_mem>>)
        }
        %scan3A_548 = arith.constant 4 : i32
      } else {
      }
    }
    %scan3A_242 = arith.constant 250 : i32
    %dma_wait3A_243 = arith.constant 0 : i32
    %dma_wait3A_244 = tpu.memref_slice %arg26[%dma_wait3A_243] : memref<800xf32, #tpu.memory_space<vmem>> -> memref<400xf32, #tpu.memory_space<vmem>>
    %dma_wait3A_245 = tpu.memref_slice %arg11[%mul3A_33] : memref<3200000xf32, #tpu.memory_space<hbm>> -> memref<400xf32, #tpu.memory_space<hbm>>
    %dma_wait3A_246 = tpu.memref_slice %arg11[%mul3A_33] : memref<3200000xf32, #tpu.memory_space<hbm>> -> memref<400xf32, #tpu.memory_space<hbm>>
    %dma_wait3A_247 = arith.constant 0 : i32
    %dma_wait3A_248 = tpu.memref_slice %arg26[%dma_wait3A_247] : memref<800xf32, #tpu.memory_space<vmem>> -> memref<400xf32, #tpu.memory_space<vmem>>
    tpu.wait_dma2 semaphore(%arg42 : memref<!tpu.dma_semaphore, #tpu.memory_space<semaphore_mem>>) src(%dma_wait3A_248 : memref<400xf32, #tpu.memory_space<vmem>>) dst(%dma_wait3A_246 : memref<400xf32, #tpu.memory_space<hbm>>)
    %dma_wait3A_249 = arith.constant 0 : i32
    %dma_wait3A_250 = tpu.memref_slice %arg26[%dma_wait3A_249] : memref<800xf32, #tpu.memory_space<vmem>> -> memref<400xf32, #tpu.memory_space<vmem>>
    %dma_wait3A_251 = tpu.memref_slice %arg12[%mul3A_33] : memref<3200000xf32, #tpu.memory_space<hbm>> -> memref<400xf32, #tpu.memory_space<hbm>>
    %dma_wait3A_252 = tpu.memref_slice %arg12[%mul3A_33] : memref<3200000xf32, #tpu.memory_space<hbm>> -> memref<400xf32, #tpu.memory_space<hbm>>
    %dma_wait3A_253 = arith.constant 0 : i32
    %dma_wait3A_254 = tpu.memref_slice %arg26[%dma_wait3A_253] : memref<800xf32, #tpu.memory_space<vmem>> -> memref<400xf32, #tpu.memory_space<vmem>>
    tpu.wait_dma2 semaphore(%arg42 : memref<!tpu.dma_semaphore, #tpu.memory_space<semaphore_mem>>) src(%dma_wait3A_254 : memref<400xf32, #tpu.memory_space<vmem>>) dst(%dma_wait3A_252 : memref<400xf32, #tpu.memory_space<hbm>>)
    %dma_wait3A_255 = arith.constant 0 : i32
    %dma_wait3A_256 = tpu.memref_slice %arg26[%dma_wait3A_255] : memref<800xf32, #tpu.memory_space<vmem>> -> memref<400xf32, #tpu.memory_space<vmem>>
    %dma_wait3A_257 = tpu.memref_slice %arg13[%mul3A_33] : memref<3200000xf32, #tpu.memory_space<hbm>> -> memref<400xf32, #tpu.memory_space<hbm>>
    %dma_wait3A_258 = tpu.memref_slice %arg13[%mul3A_33] : memref<3200000xf32, #tpu.memory_space<hbm>> -> memref<400xf32, #tpu.memory_space<hbm>>
    %dma_wait3A_259 = arith.constant 0 : i32
    %dma_wait3A_260 = tpu.memref_slice %arg26[%dma_wait3A_259] : memref<800xf32, #tpu.memory_space<vmem>> -> memref<400xf32, #tpu.memory_space<vmem>>
    tpu.wait_dma2 semaphore(%arg42 : memref<!tpu.dma_semaphore, #tpu.memory_space<semaphore_mem>>) src(%dma_wait3A_260 : memref<400xf32, #tpu.memory_space<vmem>>) dst(%dma_wait3A_258 : memref<400xf32, #tpu.memory_space<hbm>>)
    %dma_wait3A_261 = arith.constant 0 : i32
    %dma_wait3A_262 = tpu.memref_slice %arg26[%dma_wait3A_261] : memref<800xf32, #tpu.memory_space<vmem>> -> memref<400xf32, #tpu.memory_space<vmem>>
    %dma_wait3A_263 = tpu.memref_slice %arg14[%mul3A_33] : memref<3200000xf32, #tpu.memory_space<hbm>> -> memref<400xf32, #tpu.memory_space<hbm>>
    %dma_wait3A_264 = tpu.memref_slice %arg14[%mul3A_33] : memref<3200000xf32, #tpu.memory_space<hbm>> -> memref<400xf32, #tpu.memory_space<hbm>>
    %dma_wait3A_265 = arith.constant 0 : i32
    %dma_wait3A_266 = tpu.memref_slice %arg26[%dma_wait3A_265] : memref<800xf32, #tpu.memory_space<vmem>> -> memref<400xf32, #tpu.memory_space<vmem>>
    tpu.wait_dma2 semaphore(%arg42 : memref<!tpu.dma_semaphore, #tpu.memory_space<semaphore_mem>>) src(%dma_wait3A_266 : memref<400xf32, #tpu.memory_space<vmem>>) dst(%dma_wait3A_264 : memref<400xf32, #tpu.memory_space<hbm>>)
    %dma_wait3A_267 = arith.constant 0 : i32
    %dma_wait3A_268 = tpu.memref_slice %arg26[%dma_wait3A_267] : memref<800xf32, #tpu.memory_space<vmem>> -> memref<400xf32, #tpu.memory_space<vmem>>
    %dma_wait3A_269 = tpu.memref_slice %arg15[%mul3A_33] : memref<3200000xf32, #tpu.memory_space<hbm>> -> memref<400xf32, #tpu.memory_space<hbm>>
    %dma_wait3A_270 = tpu.memref_slice %arg15[%mul3A_33] : memref<3200000xf32, #tpu.memory_space<hbm>> -> memref<400xf32, #tpu.memory_space<hbm>>
    %dma_wait3A_271 = arith.constant 0 : i32
    %dma_wait3A_272 = tpu.memref_slice %arg26[%dma_wait3A_271] : memref<800xf32, #tpu.memory_space<vmem>> -> memref<400xf32, #tpu.memory_space<vmem>>
    tpu.wait_dma2 semaphore(%arg42 : memref<!tpu.dma_semaphore, #tpu.memory_space<semaphore_mem>>) src(%dma_wait3A_272 : memref<400xf32, #tpu.memory_space<vmem>>) dst(%dma_wait3A_270 : memref<400xf32, #tpu.memory_space<hbm>>)
    %dma_wait3A_273 = arith.constant 0 : i32
    %dma_wait3A_274 = tpu.memref_slice %arg26[%dma_wait3A_273] : memref<800xf32, #tpu.memory_space<vmem>> -> memref<400xf32, #tpu.memory_space<vmem>>
    %dma_wait3A_275 = tpu.memref_slice %arg16[%mul3A_33] : memref<3200000xf32, #tpu.memory_space<hbm>> -> memref<400xf32, #tpu.memory_space<hbm>>
    %dma_wait3A_276 = tpu.memref_slice %arg16[%mul3A_33] : memref<3200000xf32, #tpu.memory_space<hbm>> -> memref<400xf32, #tpu.memory_space<hbm>>
    %dma_wait3A_277 = arith.constant 0 : i32
    %dma_wait3A_278 = tpu.memref_slice %arg26[%dma_wait3A_277] : memref<800xf32, #tpu.memory_space<vmem>> -> memref<400xf32, #tpu.memory_space<vmem>>
    tpu.wait_dma2 semaphore(%arg42 : memref<!tpu.dma_semaphore, #tpu.memory_space<semaphore_mem>>) src(%dma_wait3A_278 : memref<400xf32, #tpu.memory_space<vmem>>) dst(%dma_wait3A_276 : memref<400xf32, #tpu.memory_space<hbm>>)
    %dma_wait3A_279 = arith.constant 0 : i32
    %dma_wait3A_280 = tpu.memref_slice %arg26[%dma_wait3A_279] : memref<800xf32, #tpu.memory_space<vmem>> -> memref<400xf32, #tpu.memory_space<vmem>>
    %dma_wait3A_281 = tpu.memref_slice %arg17[%mul3A_33] : memref<3200000xf32, #tpu.memory_space<hbm>> -> memref<400xf32, #tpu.memory_space<hbm>>
    %dma_wait3A_282 = tpu.memref_slice %arg17[%mul3A_33] : memref<3200000xf32, #tpu.memory_space<hbm>> -> memref<400xf32, #tpu.memory_space<hbm>>
    %dma_wait3A_283 = arith.constant 0 : i32
    %dma_wait3A_284 = tpu.memref_slice %arg26[%dma_wait3A_283] : memref<800xf32, #tpu.memory_space<vmem>> -> memref<400xf32, #tpu.memory_space<vmem>>
    tpu.wait_dma2 semaphore(%arg42 : memref<!tpu.dma_semaphore, #tpu.memory_space<semaphore_mem>>) src(%dma_wait3A_284 : memref<400xf32, #tpu.memory_space<vmem>>) dst(%dma_wait3A_282 : memref<400xf32, #tpu.memory_space<hbm>>)
    %scan3A_285 = arith.constant 0 : i32
    %scan3A_286 = arith.constant 0 : i32
    %scan3A_287 = arith.constant 4 : i32
    %scan3A_288 = arith.addi %scan3A_286, %scan3A_287 : i32
    %scan3A_289 = arith.constant 1 : i32
    scf.for %scan3A_420 = %scan3A_286 to %scan3A_288 step %scan3A_289  : i32 {
      %dma_wait3A_421 = arith.constant 0 : i32
      %dma_wait3A_422 = arith.constant 0 : i32
      %dma_wait3A_423 = arith.constant 0 : i32
      %dma_wait3A_424 = tpu.memref_slice %arg33[%dma_wait3A_422, %dma_wait3A_423] : memref<800x8xf32, #tpu.memory_space<vmem>> -> memref<100x8xf32, #tpu.memory_space<vmem>>
      %dma_wait3A_425 = arith.constant 0 : i32
      %dma_wait3A_426 = tpu.memref_slice %arg19[%dma_wait3A_421, %dma_wait3A_425] : memref<12x100xi32, #tpu.memory_space<vmem>> -> memref<1x100xi32, #tpu.memory_space<vmem>>
      %dma_wait3A_427 = tpu.memref_squeeze %dma_wait3A_426 : memref<1x100xi32, #tpu.memory_space<vmem>> -> memref<100xi32, #tpu.memory_space<vmem>>
      %dma_wait3A_428 = arith.constant 0 : i32
      %dma_wait3A_429 = arith.constant 0 : i32
      %dma_wait3A_430 = tpu.memref_slice %arg38[%dma_wait3A_428, %dma_wait3A_429] : memref<102400x8xf32, #tpu.memory_space<vmem_shared>> -> memref<102400x8xf32, #tpu.memory_space<vmem_shared>>
      tpu.wait_indirect_dma semaphore(%arg43 : memref<!tpu.dma_semaphore, #tpu.memory_space<semaphore_mem>>) src(%dma_wait3A_424 : memref<100x8xf32, #tpu.memory_space<vmem>>) dst(%dma_wait3A_430 : memref<102400x8xf32, #tpu.memory_space<vmem_shared>>)
      %dma_wait3A_431 = arith.constant 0 : i32
      %dma_wait3A_432 = arith.constant 0 : i32
      %dma_wait3A_433 = arith.constant 0 : i32
      %dma_wait3A_434 = tpu.memref_slice %arg34[%dma_wait3A_432, %dma_wait3A_433] : memref<800x8xf32, #tpu.memory_space<vmem>> -> memref<100x8xf32, #tpu.memory_space<vmem>>
      %dma_wait3A_435 = arith.constant 0 : i32
      %dma_wait3A_436 = tpu.memref_slice %arg20[%dma_wait3A_431, %dma_wait3A_435] : memref<12x100xi32, #tpu.memory_space<vmem>> -> memref<1x100xi32, #tpu.memory_space<vmem>>
      %dma_wait3A_437 = tpu.memref_squeeze %dma_wait3A_436 : memref<1x100xi32, #tpu.memory_space<vmem>> -> memref<100xi32, #tpu.memory_space<vmem>>
      %dma_wait3A_438 = arith.constant 0 : i32
      %dma_wait3A_439 = arith.constant 0 : i32
      %dma_wait3A_440 = tpu.memref_slice %arg38[%dma_wait3A_438, %dma_wait3A_439] : memref<102400x8xf32, #tpu.memory_space<vmem_shared>> -> memref<102400x8xf32, #tpu.memory_space<vmem_shared>>
      tpu.wait_indirect_dma semaphore(%arg43 : memref<!tpu.dma_semaphore, #tpu.memory_space<semaphore_mem>>) src(%dma_wait3A_434 : memref<100x8xf32, #tpu.memory_space<vmem>>) dst(%dma_wait3A_440 : memref<102400x8xf32, #tpu.memory_space<vmem_shared>>)
    }
    %scan3A_290 = arith.constant 4 : i32
    %barrier3A_291 = arith.constant 0 : index
    tpu.barrier barrier_id(%barrier3A_291)
    %scan3A_292 = arith.constant 0 : i32
    %scan3A_293 = arith.constant 0 : i32
    %scan3A_294 = arith.constant 8 : i32
    %scan3A_295 = arith.addi %scan3A_293, %scan3A_294 : i32
    %scan3A_296 = arith.constant 1 : i32
    scf.for %scan3A_420 = %scan3A_293 to %scan3A_295 step %scan3A_296  : i32 {
      %add3A_421 = arith.constant 0 : i32
      %add3A_422 = arith.addi %add3A_421, %scan3A_420 : i32
      %mul3A_423 = arith.constant 100 : i32
      %mul3A_424 = arith.muli %scan3A_420, %mul3A_423 : i32
      %dma_start3A_425 = arith.constant 0 : i32
      %dma_start3A_426 = tpu.memref_slice %arg36[%mul3A_424, %dma_start3A_425] : memref<800x8xf32, #tpu.memory_space<vmem>> -> memref<100x8xf32, #tpu.memory_space<vmem>>
      %dma_start3A_427 = arith.constant 0 : i32
      %dma_start3A_428 = tpu.memref_slice %arg37[%add3A_422, %dma_start3A_427] : memref<64x100xi32, #tpu.memory_space<vmem>> -> memref<1x100xi32, #tpu.memory_space<vmem>>
      %dma_start3A_429 = tpu.memref_squeeze %dma_start3A_428 : memref<1x100xi32, #tpu.memory_space<vmem>> -> memref<100xi32, #tpu.memory_space<vmem>>
      %dma_start3A_430 = arith.constant 0 : i32
      %dma_start3A_431 = arith.constant 0 : i32
      %dma_start3A_432 = tpu.memref_slice %arg38[%dma_start3A_430, %dma_start3A_431] : memref<102400x8xf32, #tpu.memory_space<vmem_shared>> -> memref<102400x8xf32, #tpu.memory_space<vmem_shared>>
      tpu.enqueue_indirect_dma source(%dma_start3A_432 : memref<102400x8xf32, #tpu.memory_space<vmem_shared>>) target(%dma_start3A_426 : memref<100x8xf32, #tpu.memory_space<vmem>>) offsets(%dma_start3A_429 : memref<100xi32, #tpu.memory_space<vmem>>) semaphore(%arg43 : memref<!tpu.dma_semaphore, #tpu.memory_space<semaphore_mem>>)
    }
    %scan3A_297 = arith.constant 8 : i32
    %scan3A_298 = arith.constant 0 : i32
    %scan3A_299 = arith.constant 0 : i32
    %scan3A_300 = arith.constant 8 : i32
    %scan3A_301 = arith.addi %scan3A_299, %scan3A_300 : i32
    %scan3A_302 = arith.constant 1 : i32
    scf.for %scan3A_420 = %scan3A_299 to %scan3A_301 step %scan3A_302  : i32 {
      %dma_wait3A_421 = arith.constant 0 : i32
      %dma_wait3A_422 = arith.constant 0 : i32
      %dma_wait3A_423 = arith.constant 0 : i32
      %dma_wait3A_424 = tpu.memref_slice %arg36[%dma_wait3A_422, %dma_wait3A_423] : memref<800x8xf32, #tpu.memory_space<vmem>> -> memref<100x8xf32, #tpu.memory_space<vmem>>
      %dma_wait3A_425 = arith.constant 0 : i32
      %dma_wait3A_426 = tpu.memref_slice %arg37[%dma_wait3A_421, %dma_wait3A_425] : memref<64x100xi32, #tpu.memory_space<vmem>> -> memref<1x100xi32, #tpu.memory_space<vmem>>
      %dma_wait3A_427 = tpu.memref_squeeze %dma_wait3A_426 : memref<1x100xi32, #tpu.memory_space<vmem>> -> memref<100xi32, #tpu.memory_space<vmem>>
      %dma_wait3A_428 = arith.constant 0 : i32
      %dma_wait3A_429 = arith.constant 0 : i32
      %dma_wait3A_430 = tpu.memref_slice %arg38[%dma_wait3A_428, %dma_wait3A_429] : memref<102400x8xf32, #tpu.memory_space<vmem_shared>> -> memref<102400x8xf32, #tpu.memory_space<vmem_shared>>
      tpu.wait_indirect_dma semaphore(%arg43 : memref<!tpu.dma_semaphore, #tpu.memory_space<semaphore_mem>>) src(%dma_wait3A_430 : memref<102400x8xf32, #tpu.memory_space<vmem_shared>>) dst(%dma_wait3A_424 : memref<100x8xf32, #tpu.memory_space<vmem>>)
    }
    %scan3A_303 = arith.constant 8 : i32
    %mul3A_304 = arith.constant 6400 : i32
    %mul3A_305 = arith.muli %arg1, %mul3A_304 : i32
    %add3A_306 = arith.constant 0 : i32
    %add3A_307 = arith.addi %mul3A_305, %add3A_306 : i32
    "tpu.region"() ({
      %run_scoped3A = tpu.sem_alloc : memref<!tpu.dma_semaphore, #tpu.memory_space<semaphore_mem>>
      %dma_start3A_420 = arith.constant 0 : i32
      %dma_start3A_421 = tpu.memref_slice %arg18[%arg0, %add3A_307, %dma_start3A_420] : memref<2x102400x8xf32, #tpu.memory_space<hbm>> -> memref<1x800x8xf32, #tpu.memory_space<hbm>>
      %dma_start3A_422 = tpu.memref_squeeze %dma_start3A_421 : memref<1x800x8xf32, #tpu.memory_space<hbm>> -> memref<800x8xf32, #tpu.memory_space<hbm>>
      %dma_start3A_423 = arith.constant 0 : i32
      %dma_start3A_424 = tpu.memref_slice %arg18[%arg0, %add3A_307, %dma_start3A_423] : memref<2x102400x8xf32, #tpu.memory_space<hbm>> -> memref<1x800x8xf32, #tpu.memory_space<hbm>>
      %dma_start3A_425 = tpu.memref_squeeze %dma_start3A_424 : memref<1x800x8xf32, #tpu.memory_space<hbm>> -> memref<800x8xf32, #tpu.memory_space<hbm>>
      tpu.enqueue_dma source(%arg36 : memref<800x8xf32, #tpu.memory_space<vmem>>) target(%dma_start3A_425 : memref<800x8xf32, #tpu.memory_space<hbm>>) target_semaphore(%run_scoped3A : memref<!tpu.dma_semaphore, #tpu.memory_space<semaphore_mem>>)
      %dma_wait3A_426 = arith.constant 0 : i32
      %dma_wait3A_427 = tpu.memref_slice %arg18[%arg0, %add3A_307, %dma_wait3A_426] : memref<2x102400x8xf32, #tpu.memory_space<hbm>> -> memref<1x800x8xf32, #tpu.memory_space<hbm>>
      %dma_wait3A_428 = tpu.memref_squeeze %dma_wait3A_427 : memref<1x800x8xf32, #tpu.memory_space<hbm>> -> memref<800x8xf32, #tpu.memory_space<hbm>>
      %dma_wait3A_429 = arith.constant 0 : i32
      %dma_wait3A_430 = tpu.memref_slice %arg18[%arg0, %add3A_307, %dma_wait3A_429] : memref<2x102400x8xf32, #tpu.memory_space<hbm>> -> memref<1x800x8xf32, #tpu.memory_space<hbm>>
      %dma_wait3A_431 = tpu.memref_squeeze %dma_wait3A_430 : memref<1x800x8xf32, #tpu.memory_space<hbm>> -> memref<800x8xf32, #tpu.memory_space<hbm>>
      tpu.wait_dma2 semaphore(%run_scoped3A : memref<!tpu.dma_semaphore, #tpu.memory_space<semaphore_mem>>) src(%arg36 : memref<800x8xf32, #tpu.memory_space<vmem>>) dst(%dma_wait3A_431 : memref<800x8xf32, #tpu.memory_space<hbm>>)
      tpu.yield
    }) : () -> ()
    %scan3A_308 = arith.constant 0 : i32
    %scan3A_309 = arith.constant 0 : i32
    %scan3A_310 = arith.constant 8 : i32
    %scan3A_311 = arith.addi %scan3A_309, %scan3A_310 : i32
    %scan3A_312 = arith.constant 1 : i32
    scf.for %scan3A_420 = %scan3A_309 to %scan3A_311 step %scan3A_312  : i32 {
      %add3A_421 = arith.constant 8 : i32
      %add3A_422 = arith.addi %add3A_421, %scan3A_420 : i32
      %mul3A_423 = arith.constant 100 : i32
      %mul3A_424 = arith.muli %scan3A_420, %mul3A_423 : i32
      %dma_start3A_425 = arith.constant 0 : i32
      %dma_start3A_426 = tpu.memref_slice %arg36[%mul3A_424, %dma_start3A_425] : memref<800x8xf32, #tpu.memory_space<vmem>> -> memref<100x8xf32, #tpu.memory_space<vmem>>
      %dma_start3A_427 = arith.constant 0 : i32
      %dma_start3A_428 = tpu.memref_slice %arg37[%add3A_422, %dma_start3A_427] : memref<64x100xi32, #tpu.memory_space<vmem>> -> memref<1x100xi32, #tpu.memory_space<vmem>>
      %dma_start3A_429 = tpu.memref_squeeze %dma_start3A_428 : memref<1x100xi32, #tpu.memory_space<vmem>> -> memref<100xi32, #tpu.memory_space<vmem>>
      %dma_start3A_430 = arith.constant 0 : i32
      %dma_start3A_431 = arith.constant 0 : i32
      %dma_start3A_432 = tpu.memref_slice %arg38[%dma_start3A_430, %dma_start3A_431] : memref<102400x8xf32, #tpu.memory_space<vmem_shared>> -> memref<102400x8xf32, #tpu.memory_space<vmem_shared>>
      tpu.enqueue_indirect_dma source(%dma_start3A_432 : memref<102400x8xf32, #tpu.memory_space<vmem_shared>>) target(%dma_start3A_426 : memref<100x8xf32, #tpu.memory_space<vmem>>) offsets(%dma_start3A_429 : memref<100xi32, #tpu.memory_space<vmem>>) semaphore(%arg43 : memref<!tpu.dma_semaphore, #tpu.memory_space<semaphore_mem>>)
    }
    %scan3A_313 = arith.constant 8 : i32
    %scan3A_314 = arith.constant 0 : i32
    %scan3A_315 = arith.constant 0 : i32
    %scan3A_316 = arith.constant 8 : i32
    %scan3A_317 = arith.addi %scan3A_315, %scan3A_316 : i32
    %scan3A_318 = arith.constant 1 : i32
    scf.for %scan3A_420 = %scan3A_315 to %scan3A_317 step %scan3A_318  : i32 {
      %dma_wait3A_421 = arith.constant 0 : i32
      %dma_wait3A_422 = arith.constant 0 : i32
      %dma_wait3A_423 = arith.constant 0 : i32
      %dma_wait3A_424 = tpu.memref_slice %arg36[%dma_wait3A_422, %dma_wait3A_423] : memref<800x8xf32, #tpu.memory_space<vmem>> -> memref<100x8xf32, #tpu.memory_space<vmem>>
      %dma_wait3A_425 = arith.constant 0 : i32
      %dma_wait3A_426 = tpu.memref_slice %arg37[%dma_wait3A_421, %dma_wait3A_425] : memref<64x100xi32, #tpu.memory_space<vmem>> -> memref<1x100xi32, #tpu.memory_space<vmem>>
      %dma_wait3A_427 = tpu.memref_squeeze %dma_wait3A_426 : memref<1x100xi32, #tpu.memory_space<vmem>> -> memref<100xi32, #tpu.memory_space<vmem>>
      %dma_wait3A_428 = arith.constant 0 : i32
      %dma_wait3A_429 = arith.constant 0 : i32
      %dma_wait3A_430 = tpu.memref_slice %arg38[%dma_wait3A_428, %dma_wait3A_429] : memref<102400x8xf32, #tpu.memory_space<vmem_shared>> -> memref<102400x8xf32, #tpu.memory_space<vmem_shared>>
      tpu.wait_indirect_dma semaphore(%arg43 : memref<!tpu.dma_semaphore, #tpu.memory_space<semaphore_mem>>) src(%dma_wait3A_430 : memref<102400x8xf32, #tpu.memory_space<vmem_shared>>) dst(%dma_wait3A_424 : memref<100x8xf32, #tpu.memory_space<vmem>>)
    }
    %scan3A_319 = arith.constant 8 : i32
    %mul3A_320 = arith.constant 6400 : i32
    %mul3A_321 = arith.muli %arg1, %mul3A_320 : i32
    %add3A_322 = arith.constant 800 : i32
    %add3A_323 = arith.addi %mul3A_321, %add3A_322 : i32
    "tpu.region"() ({
      %run_scoped3A = tpu.sem_alloc : memref<!tpu.dma_semaphore, #tpu.memory_space<semaphore_mem>>
      %dma_start3A_420 = arith.constant 0 : i32
      %dma_start3A_421 = tpu.memref_slice %arg18[%arg0, %add3A_323, %dma_start3A_420] : memref<2x102400x8xf32, #tpu.memory_space<hbm>> -> memref<1x800x8xf32, #tpu.memory_space<hbm>>
      %dma_start3A_422 = tpu.memref_squeeze %dma_start3A_421 : memref<1x800x8xf32, #tpu.memory_space<hbm>> -> memref<800x8xf32, #tpu.memory_space<hbm>>
      %dma_start3A_423 = arith.constant 0 : i32
      %dma_start3A_424 = tpu.memref_slice %arg18[%arg0, %add3A_323, %dma_start3A_423] : memref<2x102400x8xf32, #tpu.memory_space<hbm>> -> memref<1x800x8xf32, #tpu.memory_space<hbm>>
      %dma_start3A_425 = tpu.memref_squeeze %dma_start3A_424 : memref<1x800x8xf32, #tpu.memory_space<hbm>> -> memref<800x8xf32, #tpu.memory_space<hbm>>
      tpu.enqueue_dma source(%arg36 : memref<800x8xf32, #tpu.memory_space<vmem>>) target(%dma_start3A_425 : memref<800x8xf32, #tpu.memory_space<hbm>>) target_semaphore(%run_scoped3A : memref<!tpu.dma_semaphore, #tpu.memory_space<semaphore_mem>>)
      %dma_wait3A_426 = arith.constant 0 : i32
      %dma_wait3A_427 = tpu.memref_slice %arg18[%arg0, %add3A_323, %dma_wait3A_426] : memref<2x102400x8xf32, #tpu.memory_space<hbm>> -> memref<1x800x8xf32, #tpu.memory_space<hbm>>
      %dma_wait3A_428 = tpu.memref_squeeze %dma_wait3A_427 : memref<1x800x8xf32, #tpu.memory_space<hbm>> -> memref<800x8xf32, #tpu.memory_space<hbm>>
      %dma_wait3A_429 = arith.constant 0 : i32
      %dma_wait3A_430 = tpu.memref_slice %arg18[%arg0, %add3A_323, %dma_wait3A_429] : memref<2x102400x8xf32, #tpu.memory_space<hbm>> -> memref<1x800x8xf32, #tpu.memory_space<hbm>>
      %dma_wait3A_431 = tpu.memref_squeeze %dma_wait3A_430 : memref<1x800x8xf32, #tpu.memory_space<hbm>> -> memref<800x8xf32, #tpu.memory_space<hbm>>
      tpu.wait_dma2 semaphore(%run_scoped3A : memref<!tpu.dma_semaphore, #tpu.memory_space<semaphore_mem>>) src(%arg36 : memref<800x8xf32, #tpu.memory_space<vmem>>) dst(%dma_wait3A_431 : memref<800x8xf32, #tpu.memory_space<hbm>>)
      tpu.yield
    }) : () -> ()
    %scan3A_324 = arith.constant 0 : i32
    %scan3A_325 = arith.constant 0 : i32
    %scan3A_326 = arith.constant 8 : i32
    %scan3A_327 = arith.addi %scan3A_325, %scan3A_326 : i32
    %scan3A_328 = arith.constant 1 : i32
    scf.for %scan3A_420 = %scan3A_325 to %scan3A_327 step %scan3A_328  : i32 {
      %add3A_421 = arith.constant 16 : i32
      %add3A_422 = arith.addi %add3A_421, %scan3A_420 : i32
      %mul3A_423 = arith.constant 100 : i32
      %mul3A_424 = arith.muli %scan3A_420, %mul3A_423 : i32
      %dma_start3A_425 = arith.constant 0 : i32
      %dma_start3A_426 = tpu.memref_slice %arg36[%mul3A_424, %dma_start3A_425] : memref<800x8xf32, #tpu.memory_space<vmem>> -> memref<100x8xf32, #tpu.memory_space<vmem>>
      %dma_start3A_427 = arith.constant 0 : i32
      %dma_start3A_428 = tpu.memref_slice %arg37[%add3A_422, %dma_start3A_427] : memref<64x100xi32, #tpu.memory_space<vmem>> -> memref<1x100xi32, #tpu.memory_space<vmem>>
      %dma_start3A_429 = tpu.memref_squeeze %dma_start3A_428 : memref<1x100xi32, #tpu.memory_space<vmem>> -> memref<100xi32, #tpu.memory_space<vmem>>
      %dma_start3A_430 = arith.constant 0 : i32
      %dma_start3A_431 = arith.constant 0 : i32
      %dma_start3A_432 = tpu.memref_slice %arg38[%dma_start3A_430, %dma_start3A_431] : memref<102400x8xf32, #tpu.memory_space<vmem_shared>> -> memref<102400x8xf32, #tpu.memory_space<vmem_shared>>
      tpu.enqueue_indirect_dma source(%dma_start3A_432 : memref<102400x8xf32, #tpu.memory_space<vmem_shared>>) target(%dma_start3A_426 : memref<100x8xf32, #tpu.memory_space<vmem>>) offsets(%dma_start3A_429 : memref<100xi32, #tpu.memory_space<vmem>>) semaphore(%arg43 : memref<!tpu.dma_semaphore, #tpu.memory_space<semaphore_mem>>)
    }
    %scan3A_329 = arith.constant 8 : i32
    %scan3A_330 = arith.constant 0 : i32
    %scan3A_331 = arith.constant 0 : i32
    %scan3A_332 = arith.constant 8 : i32
    %scan3A_333 = arith.addi %scan3A_331, %scan3A_332 : i32
    %scan3A_334 = arith.constant 1 : i32
    scf.for %scan3A_420 = %scan3A_331 to %scan3A_333 step %scan3A_334  : i32 {
      %dma_wait3A_421 = arith.constant 0 : i32
      %dma_wait3A_422 = arith.constant 0 : i32
      %dma_wait3A_423 = arith.constant 0 : i32
      %dma_wait3A_424 = tpu.memref_slice %arg36[%dma_wait3A_422, %dma_wait3A_423] : memref<800x8xf32, #tpu.memory_space<vmem>> -> memref<100x8xf32, #tpu.memory_space<vmem>>
      %dma_wait3A_425 = arith.constant 0 : i32
      %dma_wait3A_426 = tpu.memref_slice %arg37[%dma_wait3A_421, %dma_wait3A_425] : memref<64x100xi32, #tpu.memory_space<vmem>> -> memref<1x100xi32, #tpu.memory_space<vmem>>
      %dma_wait3A_427 = tpu.memref_squeeze %dma_wait3A_426 : memref<1x100xi32, #tpu.memory_space<vmem>> -> memref<100xi32, #tpu.memory_space<vmem>>
      %dma_wait3A_428 = arith.constant 0 : i32
      %dma_wait3A_429 = arith.constant 0 : i32
      %dma_wait3A_430 = tpu.memref_slice %arg38[%dma_wait3A_428, %dma_wait3A_429] : memref<102400x8xf32, #tpu.memory_space<vmem_shared>> -> memref<102400x8xf32, #tpu.memory_space<vmem_shared>>
      tpu.wait_indirect_dma semaphore(%arg43 : memref<!tpu.dma_semaphore, #tpu.memory_space<semaphore_mem>>) src(%dma_wait3A_430 : memref<102400x8xf32, #tpu.memory_space<vmem_shared>>) dst(%dma_wait3A_424 : memref<100x8xf32, #tpu.memory_space<vmem>>)
    }
    %scan3A_335 = arith.constant 8 : i32
    %mul3A_336 = arith.constant 6400 : i32
    %mul3A_337 = arith.muli %arg1, %mul3A_336 : i32
    %add3A_338 = arith.constant 1600 : i32
    %add3A_339 = arith.addi %mul3A_337, %add3A_338 : i32
    "tpu.region"() ({
      %run_scoped3A = tpu.sem_alloc : memref<!tpu.dma_semaphore, #tpu.memory_space<semaphore_mem>>
      %dma_start3A_420 = arith.constant 0 : i32
      %dma_start3A_421 = tpu.memref_slice %arg18[%arg0, %add3A_339, %dma_start3A_420] : memref<2x102400x8xf32, #tpu.memory_space<hbm>> -> memref<1x800x8xf32, #tpu.memory_space<hbm>>
      %dma_start3A_422 = tpu.memref_squeeze %dma_start3A_421 : memref<1x800x8xf32, #tpu.memory_space<hbm>> -> memref<800x8xf32, #tpu.memory_space<hbm>>
      %dma_start3A_423 = arith.constant 0 : i32
      %dma_start3A_424 = tpu.memref_slice %arg18[%arg0, %add3A_339, %dma_start3A_423] : memref<2x102400x8xf32, #tpu.memory_space<hbm>> -> memref<1x800x8xf32, #tpu.memory_space<hbm>>
      %dma_start3A_425 = tpu.memref_squeeze %dma_start3A_424 : memref<1x800x8xf32, #tpu.memory_space<hbm>> -> memref<800x8xf32, #tpu.memory_space<hbm>>
      tpu.enqueue_dma source(%arg36 : memref<800x8xf32, #tpu.memory_space<vmem>>) target(%dma_start3A_425 : memref<800x8xf32, #tpu.memory_space<hbm>>) target_semaphore(%run_scoped3A : memref<!tpu.dma_semaphore, #tpu.memory_space<semaphore_mem>>)
      %dma_wait3A_426 = arith.constant 0 : i32
      %dma_wait3A_427 = tpu.memref_slice %arg18[%arg0, %add3A_339, %dma_wait3A_426] : memref<2x102400x8xf32, #tpu.memory_space<hbm>> -> memref<1x800x8xf32, #tpu.memory_space<hbm>>
      %dma_wait3A_428 = tpu.memref_squeeze %dma_wait3A_427 : memref<1x800x8xf32, #tpu.memory_space<hbm>> -> memref<800x8xf32, #tpu.memory_space<hbm>>
      %dma_wait3A_429 = arith.constant 0 : i32
      %dma_wait3A_430 = tpu.memref_slice %arg18[%arg0, %add3A_339, %dma_wait3A_429] : memref<2x102400x8xf32, #tpu.memory_space<hbm>> -> memref<1x800x8xf32, #tpu.memory_space<hbm>>
      %dma_wait3A_431 = tpu.memref_squeeze %dma_wait3A_430 : memref<1x800x8xf32, #tpu.memory_space<hbm>> -> memref<800x8xf32, #tpu.memory_space<hbm>>
      tpu.wait_dma2 semaphore(%run_scoped3A : memref<!tpu.dma_semaphore, #tpu.memory_space<semaphore_mem>>) src(%arg36 : memref<800x8xf32, #tpu.memory_space<vmem>>) dst(%dma_wait3A_431 : memref<800x8xf32, #tpu.memory_space<hbm>>)
      tpu.yield
    }) : () -> ()
    %scan3A_340 = arith.constant 0 : i32
    %scan3A_341 = arith.constant 0 : i32
    %scan3A_342 = arith.constant 8 : i32
    %scan3A_343 = arith.addi %scan3A_341, %scan3A_342 : i32
    %scan3A_344 = arith.constant 1 : i32
    scf.for %scan3A_420 = %scan3A_341 to %scan3A_343 step %scan3A_344  : i32 {
      %add3A_421 = arith.constant 24 : i32
      %add3A_422 = arith.addi %add3A_421, %scan3A_420 : i32
      %mul3A_423 = arith.constant 100 : i32
      %mul3A_424 = arith.muli %scan3A_420, %mul3A_423 : i32
      %dma_start3A_425 = arith.constant 0 : i32
      %dma_start3A_426 = tpu.memref_slice %arg36[%mul3A_424, %dma_start3A_425] : memref<800x8xf32, #tpu.memory_space<vmem>> -> memref<100x8xf32, #tpu.memory_space<vmem>>
      %dma_start3A_427 = arith.constant 0 : i32
      %dma_start3A_428 = tpu.memref_slice %arg37[%add3A_422, %dma_start3A_427] : memref<64x100xi32, #tpu.memory_space<vmem>> -> memref<1x100xi32, #tpu.memory_space<vmem>>
      %dma_start3A_429 = tpu.memref_squeeze %dma_start3A_428 : memref<1x100xi32, #tpu.memory_space<vmem>> -> memref<100xi32, #tpu.memory_space<vmem>>
      %dma_start3A_430 = arith.constant 0 : i32
      %dma_start3A_431 = arith.constant 0 : i32
      %dma_start3A_432 = tpu.memref_slice %arg38[%dma_start3A_430, %dma_start3A_431] : memref<102400x8xf32, #tpu.memory_space<vmem_shared>> -> memref<102400x8xf32, #tpu.memory_space<vmem_shared>>
      tpu.enqueue_indirect_dma source(%dma_start3A_432 : memref<102400x8xf32, #tpu.memory_space<vmem_shared>>) target(%dma_start3A_426 : memref<100x8xf32, #tpu.memory_space<vmem>>) offsets(%dma_start3A_429 : memref<100xi32, #tpu.memory_space<vmem>>) semaphore(%arg43 : memref<!tpu.dma_semaphore, #tpu.memory_space<semaphore_mem>>)
    }
    %scan3A_345 = arith.constant 8 : i32
    %scan3A_346 = arith.constant 0 : i32
    %scan3A_347 = arith.constant 0 : i32
    %scan3A_348 = arith.constant 8 : i32
    %scan3A_349 = arith.addi %scan3A_347, %scan3A_348 : i32
    %scan3A_350 = arith.constant 1 : i32
    scf.for %scan3A_420 = %scan3A_347 to %scan3A_349 step %scan3A_350  : i32 {
      %dma_wait3A_421 = arith.constant 0 : i32
      %dma_wait3A_422 = arith.constant 0 : i32
      %dma_wait3A_423 = arith.constant 0 : i32
      %dma_wait3A_424 = tpu.memref_slice %arg36[%dma_wait3A_422, %dma_wait3A_423] : memref<800x8xf32, #tpu.memory_space<vmem>> -> memref<100x8xf32, #tpu.memory_space<vmem>>
      %dma_wait3A_425 = arith.constant 0 : i32
      %dma_wait3A_426 = tpu.memref_slice %arg37[%dma_wait3A_421, %dma_wait3A_425] : memref<64x100xi32, #tpu.memory_space<vmem>> -> memref<1x100xi32, #tpu.memory_space<vmem>>
      %dma_wait3A_427 = tpu.memref_squeeze %dma_wait3A_426 : memref<1x100xi32, #tpu.memory_space<vmem>> -> memref<100xi32, #tpu.memory_space<vmem>>
      %dma_wait3A_428 = arith.constant 0 : i32
      %dma_wait3A_429 = arith.constant 0 : i32
      %dma_wait3A_430 = tpu.memref_slice %arg38[%dma_wait3A_428, %dma_wait3A_429] : memref<102400x8xf32, #tpu.memory_space<vmem_shared>> -> memref<102400x8xf32, #tpu.memory_space<vmem_shared>>
      tpu.wait_indirect_dma semaphore(%arg43 : memref<!tpu.dma_semaphore, #tpu.memory_space<semaphore_mem>>) src(%dma_wait3A_430 : memref<102400x8xf32, #tpu.memory_space<vmem_shared>>) dst(%dma_wait3A_424 : memref<100x8xf32, #tpu.memory_space<vmem>>)
    }
    %scan3A_351 = arith.constant 8 : i32
    %mul3A_352 = arith.constant 6400 : i32
    %mul3A_353 = arith.muli %arg1, %mul3A_352 : i32
    %add3A_354 = arith.constant 2400 : i32
    %add3A_355 = arith.addi %mul3A_353, %add3A_354 : i32
    "tpu.region"() ({
      %run_scoped3A = tpu.sem_alloc : memref<!tpu.dma_semaphore, #tpu.memory_space<semaphore_mem>>
      %dma_start3A_420 = arith.constant 0 : i32
      %dma_start3A_421 = tpu.memref_slice %arg18[%arg0, %add3A_355, %dma_start3A_420] : memref<2x102400x8xf32, #tpu.memory_space<hbm>> -> memref<1x800x8xf32, #tpu.memory_space<hbm>>
      %dma_start3A_422 = tpu.memref_squeeze %dma_start3A_421 : memref<1x800x8xf32, #tpu.memory_space<hbm>> -> memref<800x8xf32, #tpu.memory_space<hbm>>
      %dma_start3A_423 = arith.constant 0 : i32
      %dma_start3A_424 = tpu.memref_slice %arg18[%arg0, %add3A_355, %dma_start3A_423] : memref<2x102400x8xf32, #tpu.memory_space<hbm>> -> memref<1x800x8xf32, #tpu.memory_space<hbm>>
      %dma_start3A_425 = tpu.memref_squeeze %dma_start3A_424 : memref<1x800x8xf32, #tpu.memory_space<hbm>> -> memref<800x8xf32, #tpu.memory_space<hbm>>
      tpu.enqueue_dma source(%arg36 : memref<800x8xf32, #tpu.memory_space<vmem>>) target(%dma_start3A_425 : memref<800x8xf32, #tpu.memory_space<hbm>>) target_semaphore(%run_scoped3A : memref<!tpu.dma_semaphore, #tpu.memory_space<semaphore_mem>>)
      %dma_wait3A_426 = arith.constant 0 : i32
      %dma_wait3A_427 = tpu.memref_slice %arg18[%arg0, %add3A_355, %dma_wait3A_426] : memref<2x102400x8xf32, #tpu.memory_space<hbm>> -> memref<1x800x8xf32, #tpu.memory_space<hbm>>
      %dma_wait3A_428 = tpu.memref_squeeze %dma_wait3A_427 : memref<1x800x8xf32, #tpu.memory_space<hbm>> -> memref<800x8xf32, #tpu.memory_space<hbm>>
      %dma_wait3A_429 = arith.constant 0 : i32
      %dma_wait3A_430 = tpu.memref_slice %arg18[%arg0, %add3A_355, %dma_wait3A_429] : memref<2x102400x8xf32, #tpu.memory_space<hbm>> -> memref<1x800x8xf32, #tpu.memory_space<hbm>>
      %dma_wait3A_431 = tpu.memref_squeeze %dma_wait3A_430 : memref<1x800x8xf32, #tpu.memory_space<hbm>> -> memref<800x8xf32, #tpu.memory_space<hbm>>
      tpu.wait_dma2 semaphore(%run_scoped3A : memref<!tpu.dma_semaphore, #tpu.memory_space<semaphore_mem>>) src(%arg36 : memref<800x8xf32, #tpu.memory_space<vmem>>) dst(%dma_wait3A_431 : memref<800x8xf32, #tpu.memory_space<hbm>>)
      tpu.yield
    }) : () -> ()
    %scan3A_356 = arith.constant 0 : i32
    %scan3A_357 = arith.constant 0 : i32
    %scan3A_358 = arith.constant 8 : i32
    %scan3A_359 = arith.addi %scan3A_357, %scan3A_358 : i32
    %scan3A_360 = arith.constant 1 : i32
    scf.for %scan3A_420 = %scan3A_357 to %scan3A_359 step %scan3A_360  : i32 {
      %add3A_421 = arith.constant 32 : i32
      %add3A_422 = arith.addi %add3A_421, %scan3A_420 : i32
      %mul3A_423 = arith.constant 100 : i32
      %mul3A_424 = arith.muli %scan3A_420, %mul3A_423 : i32
      %dma_start3A_425 = arith.constant 0 : i32
      %dma_start3A_426 = tpu.memref_slice %arg36[%mul3A_424, %dma_start3A_425] : memref<800x8xf32, #tpu.memory_space<vmem>> -> memref<100x8xf32, #tpu.memory_space<vmem>>
      %dma_start3A_427 = arith.constant 0 : i32
      %dma_start3A_428 = tpu.memref_slice %arg37[%add3A_422, %dma_start3A_427] : memref<64x100xi32, #tpu.memory_space<vmem>> -> memref<1x100xi32, #tpu.memory_space<vmem>>
      %dma_start3A_429 = tpu.memref_squeeze %dma_start3A_428 : memref<1x100xi32, #tpu.memory_space<vmem>> -> memref<100xi32, #tpu.memory_space<vmem>>
      %dma_start3A_430 = arith.constant 0 : i32
      %dma_start3A_431 = arith.constant 0 : i32
      %dma_start3A_432 = tpu.memref_slice %arg38[%dma_start3A_430, %dma_start3A_431] : memref<102400x8xf32, #tpu.memory_space<vmem_shared>> -> memref<102400x8xf32, #tpu.memory_space<vmem_shared>>
      tpu.enqueue_indirect_dma source(%dma_start3A_432 : memref<102400x8xf32, #tpu.memory_space<vmem_shared>>) target(%dma_start3A_426 : memref<100x8xf32, #tpu.memory_space<vmem>>) offsets(%dma_start3A_429 : memref<100xi32, #tpu.memory_space<vmem>>) semaphore(%arg43 : memref<!tpu.dma_semaphore, #tpu.memory_space<semaphore_mem>>)
    }
    %scan3A_361 = arith.constant 8 : i32
    %scan3A_362 = arith.constant 0 : i32
    %scan3A_363 = arith.constant 0 : i32
    %scan3A_364 = arith.constant 8 : i32
    %scan3A_365 = arith.addi %scan3A_363, %scan3A_364 : i32
    %scan3A_366 = arith.constant 1 : i32
    scf.for %scan3A_420 = %scan3A_363 to %scan3A_365 step %scan3A_366  : i32 {
      %dma_wait3A_421 = arith.constant 0 : i32
      %dma_wait3A_422 = arith.constant 0 : i32
      %dma_wait3A_423 = arith.constant 0 : i32
      %dma_wait3A_424 = tpu.memref_slice %arg36[%dma_wait3A_422, %dma_wait3A_423] : memref<800x8xf32, #tpu.memory_space<vmem>> -> memref<100x8xf32, #tpu.memory_space<vmem>>
      %dma_wait3A_425 = arith.constant 0 : i32
      %dma_wait3A_426 = tpu.memref_slice %arg37[%dma_wait3A_421, %dma_wait3A_425] : memref<64x100xi32, #tpu.memory_space<vmem>> -> memref<1x100xi32, #tpu.memory_space<vmem>>
      %dma_wait3A_427 = tpu.memref_squeeze %dma_wait3A_426 : memref<1x100xi32, #tpu.memory_space<vmem>> -> memref<100xi32, #tpu.memory_space<vmem>>
      %dma_wait3A_428 = arith.constant 0 : i32
      %dma_wait3A_429 = arith.constant 0 : i32
      %dma_wait3A_430 = tpu.memref_slice %arg38[%dma_wait3A_428, %dma_wait3A_429] : memref<102400x8xf32, #tpu.memory_space<vmem_shared>> -> memref<102400x8xf32, #tpu.memory_space<vmem_shared>>
      tpu.wait_indirect_dma semaphore(%arg43 : memref<!tpu.dma_semaphore, #tpu.memory_space<semaphore_mem>>) src(%dma_wait3A_430 : memref<102400x8xf32, #tpu.memory_space<vmem_shared>>) dst(%dma_wait3A_424 : memref<100x8xf32, #tpu.memory_space<vmem>>)
    }
    %scan3A_367 = arith.constant 8 : i32
    %mul3A_368 = arith.constant 6400 : i32
    %mul3A_369 = arith.muli %arg1, %mul3A_368 : i32
    %add3A_370 = arith.constant 3200 : i32
    %add3A_371 = arith.addi %mul3A_369, %add3A_370 : i32
    "tpu.region"() ({
      %run_scoped3A = tpu.sem_alloc : memref<!tpu.dma_semaphore, #tpu.memory_space<semaphore_mem>>
      %dma_start3A_420 = arith.constant 0 : i32
      %dma_start3A_421 = tpu.memref_slice %arg18[%arg0, %add3A_371, %dma_start3A_420] : memref<2x102400x8xf32, #tpu.memory_space<hbm>> -> memref<1x800x8xf32, #tpu.memory_space<hbm>>
      %dma_start3A_422 = tpu.memref_squeeze %dma_start3A_421 : memref<1x800x8xf32, #tpu.memory_space<hbm>> -> memref<800x8xf32, #tpu.memory_space<hbm>>
      %dma_start3A_423 = arith.constant 0 : i32
      %dma_start3A_424 = tpu.memref_slice %arg18[%arg0, %add3A_371, %dma_start3A_423] : memref<2x102400x8xf32, #tpu.memory_space<hbm>> -> memref<1x800x8xf32, #tpu.memory_space<hbm>>
      %dma_start3A_425 = tpu.memref_squeeze %dma_start3A_424 : memref<1x800x8xf32, #tpu.memory_space<hbm>> -> memref<800x8xf32, #tpu.memory_space<hbm>>
      tpu.enqueue_dma source(%arg36 : memref<800x8xf32, #tpu.memory_space<vmem>>) target(%dma_start3A_425 : memref<800x8xf32, #tpu.memory_space<hbm>>) target_semaphore(%run_scoped3A : memref<!tpu.dma_semaphore, #tpu.memory_space<semaphore_mem>>)
      %dma_wait3A_426 = arith.constant 0 : i32
      %dma_wait3A_427 = tpu.memref_slice %arg18[%arg0, %add3A_371, %dma_wait3A_426] : memref<2x102400x8xf32, #tpu.memory_space<hbm>> -> memref<1x800x8xf32, #tpu.memory_space<hbm>>
      %dma_wait3A_428 = tpu.memref_squeeze %dma_wait3A_427 : memref<1x800x8xf32, #tpu.memory_space<hbm>> -> memref<800x8xf32, #tpu.memory_space<hbm>>
      %dma_wait3A_429 = arith.constant 0 : i32
      %dma_wait3A_430 = tpu.memref_slice %arg18[%arg0, %add3A_371, %dma_wait3A_429] : memref<2x102400x8xf32, #tpu.memory_space<hbm>> -> memref<1x800x8xf32, #tpu.memory_space<hbm>>
      %dma_wait3A_431 = tpu.memref_squeeze %dma_wait3A_430 : memref<1x800x8xf32, #tpu.memory_space<hbm>> -> memref<800x8xf32, #tpu.memory_space<hbm>>
      tpu.wait_dma2 semaphore(%run_scoped3A : memref<!tpu.dma_semaphore, #tpu.memory_space<semaphore_mem>>) src(%arg36 : memref<800x8xf32, #tpu.memory_space<vmem>>) dst(%dma_wait3A_431 : memref<800x8xf32, #tpu.memory_space<hbm>>)
      tpu.yield
    }) : () -> ()
    %scan3A_372 = arith.constant 0 : i32
    %scan3A_373 = arith.constant 0 : i32
    %scan3A_374 = arith.constant 8 : i32
    %scan3A_375 = arith.addi %scan3A_373, %scan3A_374 : i32
    %scan3A_376 = arith.constant 1 : i32
    scf.for %scan3A_420 = %scan3A_373 to %scan3A_375 step %scan3A_376  : i32 {
      %add3A_421 = arith.constant 40 : i32
      %add3A_422 = arith.addi %add3A_421, %scan3A_420 : i32
      %mul3A_423 = arith.constant 100 : i32
      %mul3A_424 = arith.muli %scan3A_420, %mul3A_423 : i32
      %dma_start3A_425 = arith.constant 0 : i32
      %dma_start3A_426 = tpu.memref_slice %arg36[%mul3A_424, %dma_start3A_425] : memref<800x8xf32, #tpu.memory_space<vmem>> -> memref<100x8xf32, #tpu.memory_space<vmem>>
      %dma_start3A_427 = arith.constant 0 : i32
      %dma_start3A_428 = tpu.memref_slice %arg37[%add3A_422, %dma_start3A_427] : memref<64x100xi32, #tpu.memory_space<vmem>> -> memref<1x100xi32, #tpu.memory_space<vmem>>
      %dma_start3A_429 = tpu.memref_squeeze %dma_start3A_428 : memref<1x100xi32, #tpu.memory_space<vmem>> -> memref<100xi32, #tpu.memory_space<vmem>>
      %dma_start3A_430 = arith.constant 0 : i32
      %dma_start3A_431 = arith.constant 0 : i32
      %dma_start3A_432 = tpu.memref_slice %arg38[%dma_start3A_430, %dma_start3A_431] : memref<102400x8xf32, #tpu.memory_space<vmem_shared>> -> memref<102400x8xf32, #tpu.memory_space<vmem_shared>>
      tpu.enqueue_indirect_dma source(%dma_start3A_432 : memref<102400x8xf32, #tpu.memory_space<vmem_shared>>) target(%dma_start3A_426 : memref<100x8xf32, #tpu.memory_space<vmem>>) offsets(%dma_start3A_429 : memref<100xi32, #tpu.memory_space<vmem>>) semaphore(%arg43 : memref<!tpu.dma_semaphore, #tpu.memory_space<semaphore_mem>>)
    }
    %scan3A_377 = arith.constant 8 : i32
    %scan3A_378 = arith.constant 0 : i32
    %scan3A_379 = arith.constant 0 : i32
    %scan3A_380 = arith.constant 8 : i32
    %scan3A_381 = arith.addi %scan3A_379, %scan3A_380 : i32
    %scan3A_382 = arith.constant 1 : i32
    scf.for %scan3A_420 = %scan3A_379 to %scan3A_381 step %scan3A_382  : i32 {
      %dma_wait3A_421 = arith.constant 0 : i32
      %dma_wait3A_422 = arith.constant 0 : i32
      %dma_wait3A_423 = arith.constant 0 : i32
      %dma_wait3A_424 = tpu.memref_slice %arg36[%dma_wait3A_422, %dma_wait3A_423] : memref<800x8xf32, #tpu.memory_space<vmem>> -> memref<100x8xf32, #tpu.memory_space<vmem>>
      %dma_wait3A_425 = arith.constant 0 : i32
      %dma_wait3A_426 = tpu.memref_slice %arg37[%dma_wait3A_421, %dma_wait3A_425] : memref<64x100xi32, #tpu.memory_space<vmem>> -> memref<1x100xi32, #tpu.memory_space<vmem>>
      %dma_wait3A_427 = tpu.memref_squeeze %dma_wait3A_426 : memref<1x100xi32, #tpu.memory_space<vmem>> -> memref<100xi32, #tpu.memory_space<vmem>>
      %dma_wait3A_428 = arith.constant 0 : i32
      %dma_wait3A_429 = arith.constant 0 : i32
      %dma_wait3A_430 = tpu.memref_slice %arg38[%dma_wait3A_428, %dma_wait3A_429] : memref<102400x8xf32, #tpu.memory_space<vmem_shared>> -> memref<102400x8xf32, #tpu.memory_space<vmem_shared>>
      tpu.wait_indirect_dma semaphore(%arg43 : memref<!tpu.dma_semaphore, #tpu.memory_space<semaphore_mem>>) src(%dma_wait3A_430 : memref<102400x8xf32, #tpu.memory_space<vmem_shared>>) dst(%dma_wait3A_424 : memref<100x8xf32, #tpu.memory_space<vmem>>)
    }
    %scan3A_383 = arith.constant 8 : i32
    %mul3A_384 = arith.constant 6400 : i32
    %mul3A_385 = arith.muli %arg1, %mul3A_384 : i32
    %add3A_386 = arith.constant 4000 : i32
    %add3A_387 = arith.addi %mul3A_385, %add3A_386 : i32
    "tpu.region"() ({
      %run_scoped3A = tpu.sem_alloc : memref<!tpu.dma_semaphore, #tpu.memory_space<semaphore_mem>>
      %dma_start3A_420 = arith.constant 0 : i32
      %dma_start3A_421 = tpu.memref_slice %arg18[%arg0, %add3A_387, %dma_start3A_420] : memref<2x102400x8xf32, #tpu.memory_space<hbm>> -> memref<1x800x8xf32, #tpu.memory_space<hbm>>
      %dma_start3A_422 = tpu.memref_squeeze %dma_start3A_421 : memref<1x800x8xf32, #tpu.memory_space<hbm>> -> memref<800x8xf32, #tpu.memory_space<hbm>>
      %dma_start3A_423 = arith.constant 0 : i32
      %dma_start3A_424 = tpu.memref_slice %arg18[%arg0, %add3A_387, %dma_start3A_423] : memref<2x102400x8xf32, #tpu.memory_space<hbm>> -> memref<1x800x8xf32, #tpu.memory_space<hbm>>
      %dma_start3A_425 = tpu.memref_squeeze %dma_start3A_424 : memref<1x800x8xf32, #tpu.memory_space<hbm>> -> memref<800x8xf32, #tpu.memory_space<hbm>>
      tpu.enqueue_dma source(%arg36 : memref<800x8xf32, #tpu.memory_space<vmem>>) target(%dma_start3A_425 : memref<800x8xf32, #tpu.memory_space<hbm>>) target_semaphore(%run_scoped3A : memref<!tpu.dma_semaphore, #tpu.memory_space<semaphore_mem>>)
      %dma_wait3A_426 = arith.constant 0 : i32
      %dma_wait3A_427 = tpu.memref_slice %arg18[%arg0, %add3A_387, %dma_wait3A_426] : memref<2x102400x8xf32, #tpu.memory_space<hbm>> -> memref<1x800x8xf32, #tpu.memory_space<hbm>>
      %dma_wait3A_428 = tpu.memref_squeeze %dma_wait3A_427 : memref<1x800x8xf32, #tpu.memory_space<hbm>> -> memref<800x8xf32, #tpu.memory_space<hbm>>
      %dma_wait3A_429 = arith.constant 0 : i32
      %dma_wait3A_430 = tpu.memref_slice %arg18[%arg0, %add3A_387, %dma_wait3A_429] : memref<2x102400x8xf32, #tpu.memory_space<hbm>> -> memref<1x800x8xf32, #tpu.memory_space<hbm>>
      %dma_wait3A_431 = tpu.memref_squeeze %dma_wait3A_430 : memref<1x800x8xf32, #tpu.memory_space<hbm>> -> memref<800x8xf32, #tpu.memory_space<hbm>>
      tpu.wait_dma2 semaphore(%run_scoped3A : memref<!tpu.dma_semaphore, #tpu.memory_space<semaphore_mem>>) src(%arg36 : memref<800x8xf32, #tpu.memory_space<vmem>>) dst(%dma_wait3A_431 : memref<800x8xf32, #tpu.memory_space<hbm>>)
      tpu.yield
    }) : () -> ()
    %scan3A_388 = arith.constant 0 : i32
    %scan3A_389 = arith.constant 0 : i32
    %scan3A_390 = arith.constant 8 : i32
    %scan3A_391 = arith.addi %scan3A_389, %scan3A_390 : i32
    %scan3A_392 = arith.constant 1 : i32
    scf.for %scan3A_420 = %scan3A_389 to %scan3A_391 step %scan3A_392  : i32 {
      %add3A_421 = arith.constant 48 : i32
      %add3A_422 = arith.addi %add3A_421, %scan3A_420 : i32
      %mul3A_423 = arith.constant 100 : i32
      %mul3A_424 = arith.muli %scan3A_420, %mul3A_423 : i32
      %dma_start3A_425 = arith.constant 0 : i32
      %dma_start3A_426 = tpu.memref_slice %arg36[%mul3A_424, %dma_start3A_425] : memref<800x8xf32, #tpu.memory_space<vmem>> -> memref<100x8xf32, #tpu.memory_space<vmem>>
      %dma_start3A_427 = arith.constant 0 : i32
      %dma_start3A_428 = tpu.memref_slice %arg37[%add3A_422, %dma_start3A_427] : memref<64x100xi32, #tpu.memory_space<vmem>> -> memref<1x100xi32, #tpu.memory_space<vmem>>
      %dma_start3A_429 = tpu.memref_squeeze %dma_start3A_428 : memref<1x100xi32, #tpu.memory_space<vmem>> -> memref<100xi32, #tpu.memory_space<vmem>>
      %dma_start3A_430 = arith.constant 0 : i32
      %dma_start3A_431 = arith.constant 0 : i32
      %dma_start3A_432 = tpu.memref_slice %arg38[%dma_start3A_430, %dma_start3A_431] : memref<102400x8xf32, #tpu.memory_space<vmem_shared>> -> memref<102400x8xf32, #tpu.memory_space<vmem_shared>>
      tpu.enqueue_indirect_dma source(%dma_start3A_432 : memref<102400x8xf32, #tpu.memory_space<vmem_shared>>) target(%dma_start3A_426 : memref<100x8xf32, #tpu.memory_space<vmem>>) offsets(%dma_start3A_429 : memref<100xi32, #tpu.memory_space<vmem>>) semaphore(%arg43 : memref<!tpu.dma_semaphore, #tpu.memory_space<semaphore_mem>>)
    }
    %scan3A_393 = arith.constant 8 : i32
    %scan3A_394 = arith.constant 0 : i32
    %scan3A_395 = arith.constant 0 : i32
    %scan3A_396 = arith.constant 8 : i32
    %scan3A_397 = arith.addi %scan3A_395, %scan3A_396 : i32
    %scan3A_398 = arith.constant 1 : i32
    scf.for %scan3A_420 = %scan3A_395 to %scan3A_397 step %scan3A_398  : i32 {
      %dma_wait3A_421 = arith.constant 0 : i32
      %dma_wait3A_422 = arith.constant 0 : i32
      %dma_wait3A_423 = arith.constant 0 : i32
      %dma_wait3A_424 = tpu.memref_slice %arg36[%dma_wait3A_422, %dma_wait3A_423] : memref<800x8xf32, #tpu.memory_space<vmem>> -> memref<100x8xf32, #tpu.memory_space<vmem>>
      %dma_wait3A_425 = arith.constant 0 : i32
      %dma_wait3A_426 = tpu.memref_slice %arg37[%dma_wait3A_421, %dma_wait3A_425] : memref<64x100xi32, #tpu.memory_space<vmem>> -> memref<1x100xi32, #tpu.memory_space<vmem>>
      %dma_wait3A_427 = tpu.memref_squeeze %dma_wait3A_426 : memref<1x100xi32, #tpu.memory_space<vmem>> -> memref<100xi32, #tpu.memory_space<vmem>>
      %dma_wait3A_428 = arith.constant 0 : i32
      %dma_wait3A_429 = arith.constant 0 : i32
      %dma_wait3A_430 = tpu.memref_slice %arg38[%dma_wait3A_428, %dma_wait3A_429] : memref<102400x8xf32, #tpu.memory_space<vmem_shared>> -> memref<102400x8xf32, #tpu.memory_space<vmem_shared>>
      tpu.wait_indirect_dma semaphore(%arg43 : memref<!tpu.dma_semaphore, #tpu.memory_space<semaphore_mem>>) src(%dma_wait3A_430 : memref<102400x8xf32, #tpu.memory_space<vmem_shared>>) dst(%dma_wait3A_424 : memref<100x8xf32, #tpu.memory_space<vmem>>)
    }
    %scan3A_399 = arith.constant 8 : i32
    %mul3A_400 = arith.constant 6400 : i32
    %mul3A_401 = arith.muli %arg1, %mul3A_400 : i32
    %add3A_402 = arith.constant 4800 : i32
    %add3A_403 = arith.addi %mul3A_401, %add3A_402 : i32
    "tpu.region"() ({
      %run_scoped3A = tpu.sem_alloc : memref<!tpu.dma_semaphore, #tpu.memory_space<semaphore_mem>>
      %dma_start3A_420 = arith.constant 0 : i32
      %dma_start3A_421 = tpu.memref_slice %arg18[%arg0, %add3A_403, %dma_start3A_420] : memref<2x102400x8xf32, #tpu.memory_space<hbm>> -> memref<1x800x8xf32, #tpu.memory_space<hbm>>
      %dma_start3A_422 = tpu.memref_squeeze %dma_start3A_421 : memref<1x800x8xf32, #tpu.memory_space<hbm>> -> memref<800x8xf32, #tpu.memory_space<hbm>>
      %dma_start3A_423 = arith.constant 0 : i32
      %dma_start3A_424 = tpu.memref_slice %arg18[%arg0, %add3A_403, %dma_start3A_423] : memref<2x102400x8xf32, #tpu.memory_space<hbm>> -> memref<1x800x8xf32, #tpu.memory_space<hbm>>
      %dma_start3A_425 = tpu.memref_squeeze %dma_start3A_424 : memref<1x800x8xf32, #tpu.memory_space<hbm>> -> memref<800x8xf32, #tpu.memory_space<hbm>>
      tpu.enqueue_dma source(%arg36 : memref<800x8xf32, #tpu.memory_space<vmem>>) target(%dma_start3A_425 : memref<800x8xf32, #tpu.memory_space<hbm>>) target_semaphore(%run_scoped3A : memref<!tpu.dma_semaphore, #tpu.memory_space<semaphore_mem>>)
      %dma_wait3A_426 = arith.constant 0 : i32
      %dma_wait3A_427 = tpu.memref_slice %arg18[%arg0, %add3A_403, %dma_wait3A_426] : memref<2x102400x8xf32, #tpu.memory_space<hbm>> -> memref<1x800x8xf32, #tpu.memory_space<hbm>>
      %dma_wait3A_428 = tpu.memref_squeeze %dma_wait3A_427 : memref<1x800x8xf32, #tpu.memory_space<hbm>> -> memref<800x8xf32, #tpu.memory_space<hbm>>
      %dma_wait3A_429 = arith.constant 0 : i32
      %dma_wait3A_430 = tpu.memref_slice %arg18[%arg0, %add3A_403, %dma_wait3A_429] : memref<2x102400x8xf32, #tpu.memory_space<hbm>> -> memref<1x800x8xf32, #tpu.memory_space<hbm>>
      %dma_wait3A_431 = tpu.memref_squeeze %dma_wait3A_430 : memref<1x800x8xf32, #tpu.memory_space<hbm>> -> memref<800x8xf32, #tpu.memory_space<hbm>>
      tpu.wait_dma2 semaphore(%run_scoped3A : memref<!tpu.dma_semaphore, #tpu.memory_space<semaphore_mem>>) src(%arg36 : memref<800x8xf32, #tpu.memory_space<vmem>>) dst(%dma_wait3A_431 : memref<800x8xf32, #tpu.memory_space<hbm>>)
      tpu.yield
    }) : () -> ()
    %scan3A_404 = arith.constant 0 : i32
    %scan3A_405 = arith.constant 0 : i32
    %scan3A_406 = arith.constant 8 : i32
    %scan3A_407 = arith.addi %scan3A_405, %scan3A_406 : i32
    %scan3A_408 = arith.constant 1 : i32
    scf.for %scan3A_420 = %scan3A_405 to %scan3A_407 step %scan3A_408  : i32 {
      %add3A_421 = arith.constant 56 : i32
      %add3A_422 = arith.addi %add3A_421, %scan3A_420 : i32
      %mul3A_423 = arith.constant 100 : i32
      %mul3A_424 = arith.muli %scan3A_420, %mul3A_423 : i32
      %dma_start3A_425 = arith.constant 0 : i32
      %dma_start3A_426 = tpu.memref_slice %arg36[%mul3A_424, %dma_start3A_425] : memref<800x8xf32, #tpu.memory_space<vmem>> -> memref<100x8xf32, #tpu.memory_space<vmem>>
      %dma_start3A_427 = arith.constant 0 : i32
      %dma_start3A_428 = tpu.memref_slice %arg37[%add3A_422, %dma_start3A_427] : memref<64x100xi32, #tpu.memory_space<vmem>> -> memref<1x100xi32, #tpu.memory_space<vmem>>
      %dma_start3A_429 = tpu.memref_squeeze %dma_start3A_428 : memref<1x100xi32, #tpu.memory_space<vmem>> -> memref<100xi32, #tpu.memory_space<vmem>>
      %dma_start3A_430 = arith.constant 0 : i32
      %dma_start3A_431 = arith.constant 0 : i32
      %dma_start3A_432 = tpu.memref_slice %arg38[%dma_start3A_430, %dma_start3A_431] : memref<102400x8xf32, #tpu.memory_space<vmem_shared>> -> memref<102400x8xf32, #tpu.memory_space<vmem_shared>>
      tpu.enqueue_indirect_dma source(%dma_start3A_432 : memref<102400x8xf32, #tpu.memory_space<vmem_shared>>) target(%dma_start3A_426 : memref<100x8xf32, #tpu.memory_space<vmem>>) offsets(%dma_start3A_429 : memref<100xi32, #tpu.memory_space<vmem>>) semaphore(%arg43 : memref<!tpu.dma_semaphore, #tpu.memory_space<semaphore_mem>>)
    }
    %scan3A_409 = arith.constant 8 : i32
    %scan3A_410 = arith.constant 0 : i32
    %scan3A_411 = arith.constant 0 : i32
    %scan3A_412 = arith.constant 8 : i32
    %scan3A_413 = arith.addi %scan3A_411, %scan3A_412 : i32
    %scan3A_414 = arith.constant 1 : i32
    scf.for %scan3A_420 = %scan3A_411 to %scan3A_413 step %scan3A_414  : i32 {
      %dma_wait3A_421 = arith.constant 0 : i32
      %dma_wait3A_422 = arith.constant 0 : i32
      %dma_wait3A_423 = arith.constant 0 : i32
      %dma_wait3A_424 = tpu.memref_slice %arg36[%dma_wait3A_422, %dma_wait3A_423] : memref<800x8xf32, #tpu.memory_space<vmem>> -> memref<100x8xf32, #tpu.memory_space<vmem>>
      %dma_wait3A_425 = arith.constant 0 : i32
      %dma_wait3A_426 = tpu.memref_slice %arg37[%dma_wait3A_421, %dma_wait3A_425] : memref<64x100xi32, #tpu.memory_space<vmem>> -> memref<1x100xi32, #tpu.memory_space<vmem>>
      %dma_wait3A_427 = tpu.memref_squeeze %dma_wait3A_426 : memref<1x100xi32, #tpu.memory_space<vmem>> -> memref<100xi32, #tpu.memory_space<vmem>>
      %dma_wait3A_428 = arith.constant 0 : i32
      %dma_wait3A_429 = arith.constant 0 : i32
      %dma_wait3A_430 = tpu.memref_slice %arg38[%dma_wait3A_428, %dma_wait3A_429] : memref<102400x8xf32, #tpu.memory_space<vmem_shared>> -> memref<102400x8xf32, #tpu.memory_space<vmem_shared>>
      tpu.wait_indirect_dma semaphore(%arg43 : memref<!tpu.dma_semaphore, #tpu.memory_space<semaphore_mem>>) src(%dma_wait3A_430 : memref<102400x8xf32, #tpu.memory_space<vmem_shared>>) dst(%dma_wait3A_424 : memref<100x8xf32, #tpu.memory_space<vmem>>)
    }
    %scan3A_415 = arith.constant 8 : i32
    %mul3A_416 = arith.constant 6400 : i32
    %mul3A_417 = arith.muli %arg1, %mul3A_416 : i32
    %add3A_418 = arith.constant 5600 : i32
    %add3A_419 = arith.addi %mul3A_417, %add3A_418 : i32
    "tpu.region"() ({
      %run_scoped3A = tpu.sem_alloc : memref<!tpu.dma_semaphore, #tpu.memory_space<semaphore_mem>>
      %dma_start3A_420 = arith.constant 0 : i32
      %dma_start3A_421 = tpu.memref_slice %arg18[%arg0, %add3A_419, %dma_start3A_420] : memref<2x102400x8xf32, #tpu.memory_space<hbm>> -> memref<1x800x8xf32, #tpu.memory_space<hbm>>
      %dma_start3A_422 = tpu.memref_squeeze %dma_start3A_421 : memref<1x800x8xf32, #tpu.memory_space<hbm>> -> memref<800x8xf32, #tpu.memory_space<hbm>>
      %dma_start3A_423 = arith.constant 0 : i32
      %dma_start3A_424 = tpu.memref_slice %arg18[%arg0, %add3A_419, %dma_start3A_423] : memref<2x102400x8xf32, #tpu.memory_space<hbm>> -> memref<1x800x8xf32, #tpu.memory_space<hbm>>
      %dma_start3A_425 = tpu.memref_squeeze %dma_start3A_424 : memref<1x800x8xf32, #tpu.memory_space<hbm>> -> memref<800x8xf32, #tpu.memory_space<hbm>>
      tpu.enqueue_dma source(%arg36 : memref<800x8xf32, #tpu.memory_space<vmem>>) target(%dma_start3A_425 : memref<800x8xf32, #tpu.memory_space<hbm>>) target_semaphore(%run_scoped3A : memref<!tpu.dma_semaphore, #tpu.memory_space<semaphore_mem>>)
      %dma_wait3A_426 = arith.constant 0 : i32
      %dma_wait3A_427 = tpu.memref_slice %arg18[%arg0, %add3A_419, %dma_wait3A_426] : memref<2x102400x8xf32, #tpu.memory_space<hbm>> -> memref<1x800x8xf32, #tpu.memory_space<hbm>>
      %dma_wait3A_428 = tpu.memref_squeeze %dma_wait3A_427 : memref<1x800x8xf32, #tpu.memory_space<hbm>> -> memref<800x8xf32, #tpu.memory_space<hbm>>
      %dma_wait3A_429 = arith.constant 0 : i32
      %dma_wait3A_430 = tpu.memref_slice %arg18[%arg0, %add3A_419, %dma_wait3A_429] : memref<2x102400x8xf32, #tpu.memory_space<hbm>> -> memref<1x800x8xf32, #tpu.memory_space<hbm>>
      %dma_wait3A_431 = tpu.memref_squeeze %dma_wait3A_430 : memref<1x800x8xf32, #tpu.memory_space<hbm>> -> memref<800x8xf32, #tpu.memory_space<hbm>>
      tpu.wait_dma2 semaphore(%run_scoped3A : memref<!tpu.dma_semaphore, #tpu.memory_space<semaphore_mem>>) src(%arg36 : memref<800x8xf32, #tpu.memory_space<vmem>>) dst(%dma_wait3A_431 : memref<800x8xf32, #tpu.memory_space<hbm>>)
      tpu.yield
    }) : () -> ()
    return
  }
}

</mosaic_0001>

<sc_bundles>
// kernel: kernel.4.cloned.1.call-start
scs
__scs_entry_jumppad:
0x0: {  	(pc) =	sbr.rel $0x88, $3  }
0x1: {  	(tag) =	ssettag $0x0;
	lr =	simm.s32 $0x1  }
0x2: {  	[smem:$0x3F96] =	sst lr;
	_ =	strace $0xD0000000  }
0x3: {  	_ = 	snop  }
0x4: {  	_ = 	snop  }
0x5: {  	_ = 	snop  }
0x6: {  	_ = 	snop  }
0x7: {  	_ = 	snop  }
__scs_overlays_trampoline_lowered:
0x8: {  	[smem:$0x3FA5] =	sst s0  }
0x9: {  	[smem:$0x3FA6] =	sst s1  }
0xa: {  	[smem:$0x3FA7] =	sst s2  }
0xb: {  	[smem:$0x3FA8] =	sst s3  }
0xc: {  	[smem:$0x3FA9] =	sst s4  }
0xd: {  	[smem:$0x3FAA] =	sst s5  }
0xe: {  	[smem:$0x3FAB] =	sst s6  }
0xf: {  	[smem:$0x3FAC] =	sst s7  }
0x10: {  	[smem:$0x3FAD] =	sst s8  }
0x11: {  	[smem:$0x3FAE] =	sst s9;
	s0 =	simm.s32 @!p0 $0x0  }
0x12: {  	s1 =	sld [smem:$0x3F94];
	s0 =	simm.s32 @p0 $0x1  }
0x13: {  	[smem:$0x3FAF] =	sst s0;
	s0 =	simm.s32 @!p1 $0x0  }
0x14: {  	s2 =	sld [smem:$0x3F93];
	s0 =	simm.s32 @p1 $0x1  }
0x15: {  	[smem:$0x3FB0] =	sst s0;
	s0 =	simm.s32 @!p2 $0x0  }
0x16: {  	s3 =	sld [smem:$0x3FDB];
	s0 =	simm.s32 @p2 $0x1  }
0x17: {  	s4 =	simm.s32 $0x1BF5;
	[smem:$0x3FB2] =	sst s0  }
0x18: {  	s0 =	sld [smem:$0x3F95];
	_ =	swait.ge [sflag:s4], $0x0  }
0x19: {  	s7 =	sld [smem:$0x3F96]  }
0x1a: {  	s8 =	sadd.s32 $0xFFFFE003, lr  }
0x1b: {  	s9 =	sadd.s32 $0xFFFFFEF7, lr;
	s5 =	simm.s32 $0xFFFFFFFF;
	p2 =	slt.u32 s8, $0xFFFFF086  }
0x1c: {  	p1 =	slt.u32 s9, $0xF7A;
	s5 =	simm.s32 @!p2 $0x0  }
0x1d: {  	s5 =	simm.s32 @p1 $0x1;
	p0 =	seq.s32 s7, s2  }
0x1e: {  	s7 =	smul.u32 @!p0 $0xF7A, s2;
	p2 =	seq.s32 @!p0 s5, $0x0  }
0x1f: {  	s9 =	smul.u32 $0xF7A, s1;
	s8 =	simm.s32 @!p0 $0x1BF5;
	p2 =	por !p2, p0  }
0x20: {  	[sflag:s8] =	ssyncset.s32 @!p0 $0xFFFFF086;
	s6 =	sadd.s32 @!p0 s3, s7;
	s7 =	simm.s32 @!p0 $0x108  }
0x21: {  	s3 =	sadd.s32 s3, s9;
	s6 =	sadd.s32 @!p0 $0x88, s6;
	s7 =	simm.s32 @p2 $0x1082  }
0x22: {  	[simem:s7], [sflag:s8] =	dma.local @!p0 [hbm:s6], $0xF7A  }
0x23: {  	s9 =	sor.u32 $0xD0000000, s2;
	s6 =	simm.s32 $0x108;
	_ =	swait.ge @!p0 [sflag:s8], $0x0  }
0x24: {  	s3 =	sadd.s32 $0x88, s3;
	s6 =	simm.s32 @!p1 $0x1082;
	[sflag:s4] =	ssyncset.s32 $0xFFFFF086  }
0x25: {  	[simem:s6], [sflag:s4] =	dma.local [hbm:s3], $0xF7A  }
0x26: {  	[smem:$0x3F96] =	sst s1;
	(tag) =	ssettag s2;
	_ =	strace s9  }
0x27: {  	s1 =	sld [smem:$0x3FA6]  }
0x28: {  	s2 =	sld [smem:$0x3FA7]  }
0x29: {  	s4 =	sld [smem:$0x3FA9]  }
0x2a: {  	p0 =	seq.s32 s5, $0x0;
	s5 =	sld [smem:$0x3FAA]  }
0x2b: {  	s6 =	sld [smem:$0x3FAB]  }
0x2c: {  	s7 =	sld [smem:$0x3FAC]  }
0x2d: {  	s3 =	simm.s32 $0x108;
	s8 =	sld [smem:$0x3FAD]  }
0x2e: {  	s3 =	simm.s32 @!p0 $0x1082;
	s9 =	sld [smem:$0x3FAE]  }
0x2f: {  	lr =	sadd.s32 s0, s3;
	s0 =	sld [smem:$0x3FA5]  }
0x30: {  	s3 =	sld [smem:$0x3FA8]  }
0x31: {  	[smem:$0x3FB1] =	sst s10  }
0x32: {  	s10 =	sld [smem:$0x3FAF];
	_ =	sdelay $0x3  }
0x33: {  	p0 =	seq.s32 s10, $0x1;
	s10 =	sld [smem:$0x3FB1];
	_ =	sdelay $0x3  }
0x34: {  	[smem:$0x3FB1] =	sst s10  }
0x35: {  	s10 =	sld [smem:$0x3FB0];
	_ =	sdelay $0x3  }
0x36: {  	p1 =	seq.s32 s10, $0x1;
	s10 =	sld [smem:$0x3FB1];
	_ =	sdelay $0x3  }
0x37: {  	[smem:$0x3FB1] =	sst s10  }
0x38: {  	s10 =	sld [smem:$0x3FB2]  }
0x39: {  	_ = 	snop;
	(pc) =	sbr.ind lr, $3  }
0x3a: {  	_ = 	snop  }
0x3b: {  	_ = 	snop  }
0x3c: {  	p2 =	seq.s32 s10, $0x1;
	s10 =	sld [smem:$0x3FB1]  }
0x3d: {  	_ =	shalt  }
0x3e: {  	_ =	shalt  }
0x3f: {  	_ =	shalt  }
0x40: {  	_ =	shalt  }
0x41: {  	_ =	shalt  }
0x42: {  	_ =	shalt  }
0x43: {  	_ =	shalt  }
0x44: {  	_ =	shalt  }
0x45: {  	_ =	shalt  }
0x46: {  	_ =	shalt  }
0x47: {  	_ =	shalt  }
0x48: {  	_ =	shalt  }
0x49: {  	_ =	shalt  }
0x4a: {  	_ =	shalt  }
0x4b: {  	_ =	shalt  }
0x4c: {  	_ =	shalt  }
0x4d: {  	_ =	shalt  }
0x4e: {  	_ =	shalt  }
0x4f: {  	_ =	shalt  }
0x50: {  	_ =	shalt  }
0x51: {  	_ =	shalt  }
0x52: {  	_ =	shalt  }
0x53: {  	_ =	shalt  }
0x54: {  	_ =	shalt  }
0x55: {  	_ =	shalt  }
0x56: {  	_ =	shalt  }
0x57: {  	_ =	shalt  }
0x58: {  	_ =	shalt  }
0x59: {  	_ =	shalt  }
0x5a: {  	_ =	shalt  }
0x5b: {  	_ =	shalt  }
0x5c: {  	_ =	shalt  }
0x5d: {  	_ =	shalt  }
0x5e: {  	_ =	shalt  }
0x5f: {  	_ =	shalt  }
0x60: {  	_ =	shalt  }
0x61: {  	_ =	shalt  }
0x62: {  	_ =	shalt  }
0x63: {  	_ =	shalt  }
0x64: {  	_ =	shalt  }
0x65: {  	_ =	shalt  }
0x66: {  	_ =	shalt  }
0x67: {  	_ =	shalt  }
0x68: {  	_ =	shalt  }
0x69: {  	_ =	shalt  }
0x6a: {  	_ =	shalt  }
0x6b: {  	_ =	shalt  }
0x6c: {  	_ =	shalt  }
0x6d: {  	_ =	shalt  }
0x6e: {  	_ =	shalt  }
0x6f: {  	_ =	shalt  }
0x70: {  	_ =	shalt  }
0x71: {  	_ =	shalt  }
0x72: {  	_ =	shalt  }
0x73: {  	_ =	shalt  }
0x74: {  	_ =	shalt  }
0x75: {  	_ =	shalt  }
0x76: {  	_ =	shalt  }
0x77: {  	_ =	shalt  }
0x78: {  	_ =	shalt  }
0x79: {  	_ =	shalt  }
0x7a: {  	_ =	shalt  }
0x7b: {  	_ =	shalt  }
0x7c: {  	_ =	shalt  }
0x7d: {  	_ =	shalt  }
0x7e: {  	_ =	shalt  }
0x7f: {  	_ =	shalt  }
0x80: {  	_ =	shalt  }
0x81: {  	_ =	shalt  }
0x82: {  	_ =	shalt  }
0x83: {  	_ =	shalt  }
0x84: {  	_ =	shalt  }
0x85: {  	_ =	shalt  }
0x86: {  	_ =	shalt  }
0x87: {  	_ =	shalt  }
.Lfunc_end0:
.L_simem_size_0:
called_computation_lowered:
.L_overlay_start_0:
0x88: {  	s2 =	sld [smem:$0x3FD9]  }
0x89: {  	s3 =	sld [smem:$0x3FFE];
	_ =	sdelay $0x1  }
0x8a: {  	s1 =	srdreg.scid  }
0x8b: {  	s0 =	sand.u32 $0x1, s1  }
0x8c: {  	s25 =	sshll.u32 s0, $0xA;
	s2 =	sadd.s32 s3, s2  }
0x8d: {  	s2 =	sadd.s32 s2, s25  }
0x8e: {  	[smem:$0x3FBD] =	sst s2  }
0x8f: {  	_ = 	snop  }
0x90: {  	s12 =	sld [smem:$0x3FD0]  }
0x91: {  	s2 =	sld [smem:$0x3FC6]  }
0x92: {  	s3 =	sld [smem:$0x3FC5]  }
0x93: {  	s13 =	simm.s32 $0xA;
	s14 =	simm.s32 $0x10;
	s4 =	sld [smem:$0x3FC4]  }
0x94: {  	[smem:s14], [sflag:s13] =	dma.local [hbm:s12], $0x1  }
0x95: {  	_ =	swait.eq [sflag:s13], $0x1  }
0x96: {  	s9 =	sld [smem:$0x11]  }
0x97: {  	s5 =	sld [smem:$0x12]  }
0x98: {  	s6 =	sld [smem:$0x13]  }
0x99: {  	s7 =	sld [smem:$0x14]  }
0x9a: {  	s8 =	sld [smem:$0x15];
	[sflag:s13] =	ssyncset.done $0x0  }
0x9b: {  	s10 =	sld [smem:$0x16];
	[sflag:s13] =	ssyncadd.s32 $0xFFFFFFFF  }
0x9c: {  	s12 =	sadd.s32 $0x1, s12;
	s11 =	sld [smem:$0x17]  }
0x9d: {  	[smem:s14], [sflag:s13] =	dma.local [hbm:s12], $0x1  }
0x9e: {  	_ =	swait.eq [sflag:s13], $0x1  }
0x9f: {  	[sflag:s13] =	ssyncset.done $0x0  }
0xa0: {  	s12 =	sld [smem:$0x10];
	[sflag:s13] =	ssyncadd.s32 $0xFFFFFFFF  }
0xa1: {  	s13 =	sld [smem:$0x11];
	(tm) =	ssettm $0x1  }
0xa2: {  	s26 =	sld [smem:$0x3FFB];
	_ =	sdelay $0x3  }
0xa3: {  	_ =	strace s26  }
0xa4: {  	s14 =	sld [smem:$0x3FFC];
	_ =	sdelay $0x3  }
0xa5: {  	_ =	strace s14  }
0xa6: {  	s14 =	sld [smem:$0x3FFD];
	_ =	sdelay $0x3  }
0xa7: {  	_ =	strace s14  }
0xa8: {  	_ =	strace $0x8FFFFFFF  }
0xa9: {  	s28 =	sld [smem:$0x3FDB];
	_ =	sdelay $0x1  }
0xaa: {  	s15 =	simm.s32 $_scs_section_size  }
0xab: {  	s16 =	simm.s32 $_size__tile_task_arg_handler_lowered;
	s17 =	simm.s32 $_tile_task_arg_handler_lowered  }
0xac: {  	s31 =	simm.s32 $0x1BFF;
	s30 =	sshll.u32 s17, $0x1;
	s15 =	sadd.s32 s15, s28  }
0xad: {  	s18 =	simm.s32 $0x60;
	s29 =	sshll.u32 s16, $0x1;
	s16 =	sadd.s32 s30, s15  }
0xae: {  	[timem:s18], [sflag:s31] =	dma.local [hbm:s16], s29  }
0xaf: {  	_ =	swait.ge [sflag:s31], s29  }
0xb0: {  	s14 =	ssub.s32 $0x0, s29;
	s18 =	simm.s32 $_tile_overlayer_lowered;
	[sflag:s31] =	ssyncset.done $0x0  }
0xb1: {  	s19 =	simm.s32 $_size__tile_overlayer_lowered;
	s16 =	sshll.u32 s18, $0x1;
	[sflag:s31] =	ssyncadd.s32 s14  }
0xb2: {  	s21 =	simm.s32 $0x0;
	s20 =	sshll.u32 s19, $0x1;
	s16 =	sadd.s32 s16, s15  }
0xb3: {  	[timem:s21], [sflag:s31] =	dma.local [hbm:s16], s20  }
0xb4: {  	_ =	swait.ge [sflag:s31], s20  }
0xb5: {  	s22 =	ssub.s32 $0x0, s20;
	[sflag:s31] =	ssyncset.done $0x0  }
0xb6: {  	[sflag:s31] =	ssyncadd.s32 s22;
	_ =	sdelay $0x1  }
0xb7: {  	s23 =	simm.s32 $0x1B8B  }
0xb8: {  	_ =	swait.ge [sflag:s23], $0x1  }
0xb9: {  	[sflag:s23] =	ssyncset.done $0x0  }
0xba: {  	s25 =	simm.s32 $0x1B8E;
	s24 =	sld [smem:$0x3FFE];
	[sflag:s23] =	ssyncadd.s32 $0xFFFFFFFF  }
0xbb: {  	s26 =	simm.s32 $execute0_lowered;
	[smem:$0x3FD2] =	sst s25  }
0xbc: {  	s17 =	sshll.u32 s26, $0x1;
	_ =	strace $0x80000046;
	[dreg:$0x1] =	wrdreg $0xFFFFFFFF  }
0xbd: {  	s28 =	simm.s32 $_size_execute0_lowered;
	s15 =	sadd.s32 s15, s17;
	[dreg:$0x0] =	wrdreg $0x0  }
0xbe: {  	s17 =	sshll.u32 s28, $0x1;
	[dreg:$0x2] =	wrdreg s15  }
0xbf: {  	[dreg:$0x3] =	wrdreg s17  }
0xc0: {  	[dreg:$0x4] =	wrdreg $0xC0  }
0xc1: {  	_ =	task [dreg:s21], $0x5FFFF  }
0xc2: {  	[dreg:$0x1] =	wrdreg $0xFFFFFFFF  }
0xc3: {  	[dreg:$0x0] =	wrdreg $0x30  }
0xc4: {  	[dreg:$0x2] =	wrdreg $0x0  }
0xc5: {  	[dreg:$0x3] =	wrdreg $0x9  }
0xc6: {  	_ =	task [dreg:s21], $0x4FFFF  }
0xc7: {  	[dreg:$0x1] =	wrdreg $0xFFFFFFFF  }
0xc8: {  	[dreg:$0x0] =	wrdreg $0x60  }
0xc9: {  	[dreg:$0x2] =	wrdreg s24  }
0xca: {  	[dreg:$0x3] =	wrdreg s2  }
0xcb: {  	[dreg:$0x4] =	wrdreg s3  }
0xcc: {  	[dreg:$0x5] =	wrdreg s4  }
0xcd: {  	[dreg:$0x6] =	wrdreg s9  }
0xce: {  	[dreg:$0x7] =	wrdreg s10  }
0xcf: {  	[dreg:$0x8] =	wrdreg s11  }
0xd0: {  	[dreg:$0x9] =	wrdreg s12  }
0xd1: {  	[dreg:$0xa] =	wrdreg s13  }
0xd2: {  	[dreg:$0xb] =	wrdreg s5  }
0xd3: {  	[dreg:$0xc] =	wrdreg s6  }
0xd4: {  	[dreg:$0xd] =	wrdreg s7  }
0xd5: {  	[dreg:$0xe] =	wrdreg s8  }
0xd6: {  	[dreg:$0xf] =	wrdreg $0xDE100  }
0xd7: {  	_ =	task.clear_ibuf [dreg:s21], $0x10FFFF;
	_ =	strace $0x90000046  }
0xd8: {  	s29 =	simm.s32 $0x9;
	_ =	strace $0x80000048  }
0xd9: {  	_ =	swait.ge [sflag:s29], $0x1  }
0xda: {  	[sflag:s29] =	ssyncadd.s32 $0xFFFFFFFF  }
0xdb: {  	_ =	strace $0x90000048  }
0xdc: {  	_ =	sfence  }
0xdd: {  	s30 =	sld [smem:$0x0];
	_ =	sdelay $0x2  }
0xde: {  	s31 =	sshll.u32 s1, $0xD;
	s1 =	sshrl.u32 s1, $0x2  }
0xdf: {  	s3 =	sand.u32 $0x4000, s31;
	s1 =	sadd.s32 s1, s30  }
0xe0: {  	s0 =	sor.u32 s3, s0;
	s1 =	sshll.u32 s1, $0x11  }
0xe1: {  	s0 =	sor.u32 s1, s0  }
0xe2: {  	s0 =	sadd.s32 $0x8F2B, s0  }
0xe3: {  	[sflag:s0] =	ssyncadd.remote.s32 $0x1  }
0xe4: {  	_ =	sfence.sel $0xFFFF  }
0xe5: {  	[dreg:$0x0] =	wrdreg $0xFFFFFFFF;
	(pc) =	sbr.abs _section_cstart, $3  }
0xe6: {  	[dreg:$0x1] =	wrdreg $0xFFFFFFFF  }
0xe7: {  	_ =	task.clear_ibuf [dreg:s21], $0x2FFFF;
	_ =	strace $0x9FFFFFFF  }
0xe8: {  	(tm) =	ssettm $0x7FFFFFFF  }
0xe9: {  	_ =	shalt  }
tec
_tile_task_arg_handler_lowered:
.L_overlay_start_1:
0x0: {  	(tag) =	ssettag $0x1  }
0x1: {  	s0 =	rddreg [dreg:$0x0]  }
0x2: {  	s1 =	rddreg [dreg:$0x1]  }
0x3: {  	s2 =	rddreg [dreg:$0x2]  }
0x4: {  	s3 =	rddreg [dreg:$0x3]  }
0x5: {  	s4 =	rddreg [dreg:$0x4]  }
0x6: {  	s5 =	rddreg [dreg:$0x5]  }
0x7: {  	s6 =	rddreg [dreg:$0x6]  }
0x8: {  	s7 =	rddreg [dreg:$0x7]  }
0x9: {  	s8 =	rddreg [dreg:$0x8]  }
0xa: {  	s9 =	rddreg [dreg:$0x9]  }
0xb: {  	s10 =	rddreg [dreg:$0xa]  }
0xc: {  	s11 =	rddreg [dreg:$0xb]  }
0xd: {  	s12 =	rddreg [dreg:$0xc]  }
0xe: {  	s13 =	rddreg [dreg:$0xd]  }
0xf: {  	[smem:s0] =	sst s1  }
0x10: {  	[smem:s0+$0x1] =	sst s2  }
0x11: {  	[smem:s0+$0x2] =	sst s3  }
0x12: {  	[smem:s0+$0x3] =	sst s4  }
0x13: {  	[smem:s0+$0x4] =	sst s5  }
0x14: {  	[smem:s0+$0x5] =	sst s6  }
0x15: {  	[smem:s0+$0x6] =	sst s7  }
0x16: {  	[smem:s0+$0x7] =	sst s8  }
0x17: {  	[smem:s0+$0x8] =	sst s9  }
0x18: {  	[smem:s0+$0x9] =	sst s10  }
0x19: {  	[smem:s0+$0xA] =	sst s11  }
0x1a: {  	[smem:s0+$0xB] =	sst s12  }
0x1b: {  	[smem:s0+$0xC] =	sst s13;
	_ =	shalt  }
.Lfunc_end2:
execute0_lowered:
.L_overlay_start_2:
0x1c: {  	(tag) =	ssettag $0x2  }
0x1d: {  	s0 =	rddreg [dreg:$0x0]  }
0x1e: {  	s8 =	rddreg [dreg:$0x1]  }
0x1f: {  	s9 =	rddreg [dreg:$0x2]  }
0x20: {  	s10 =	rddreg [dreg:$0x3]  }
0x21: {  	s1 =	rddreg [dreg:$0x5]  }
0x22: {  	s11 =	rddreg [dreg:$0xd]  }
0x23: {  	s12 =	simm.s32 $0x0;
	s2 =	srdreg.scid;
	s6 =	stileid.u32  }
0x24: {  	[smem:$0x7FF] =	sst s12;
	s2 =	sand.u32 $0x1, s2;
	s4 =	smul.u32 $0xC800, s6  }
0x25: {  	s22 =	sshll.u32 s6, $0x1;
	s23 =	smul.u32 $0x340, s6;
	s3 =	sld [smem:$0x0]  }
0x26: {  	s21 =	smul.u32 $0xC8000, s2;
	s5 =	ssub.s32 $0x2, s2;
	s2 =	sor.u32 s2, s22  }
0x27: {  	s13 =	sadd.s32 $0x67200, s0;
	s14 =	sadd.s32 $0x1800, s0;
	s7 =	smul.u32 $0x32C8, s2  }
0x28: {  	s26 =	sadd.s32 s1, s23;
	s28 =	smul.u32 $0x3E8, s2;
	[dreg:$0xe] =	wrdreg s3  }
0x29: {  	s25 =	smul.u32 $0x19640, s2;
	_ =	strace $0x80000047;
	[dreg:$0x12] =	wrdreg s26  }
0x2a: {  	s16 =	smul.u32 $0x186A0, s2;
	s2 =	sadd.s32 s13, s7;
	[dreg:$0x14] =	wrdreg s28  }
0x2b: {  	s3 =	sadd.s32 s4, s21;
	s4 =	sadd.s32 s14, s7;
	[dreg:$0x15] =	wrdreg s2  }
0x2c: {  	[dreg:$0x16] =	wrdreg s4  }
0x2d: {  	s15 =	sadd.s32 $0x253600, s0;
	[dreg:$0xf] =	wrdreg s13  }
0x2e: {  	s6 =	sshrl.u32 s16, $0x3;
	s3 =	sshrl.u32 s3, $0x3;
	[dreg:$0x10] =	wrdreg s14  }
0x2f: {  	s17 =	sadd.s32 s10, s6;
	s18 =	sadd.s32 $0x32, s6;
	[dreg:$0x13] =	wrdreg s16  }
0x30: {  	s3 =	sadd.s32 s3, s0;
	s0 =	sadd.s32 $0xCCC00, s0;
	[dreg:$0x1b] =	wrdreg s17  }
0x31: {  	s1 =	sadd.s32 s8, s18;
	[dreg:$0x11] =	wrdreg s0  }
0x32: {  	s19 =	sadd.s32 s9, s18;
	[dreg:$0x1c] =	wrdreg s1  }
0x33: {  	s30 =	simm.s32 $0x64;
	[dreg:$0x1d] =	wrdreg s19;
	s20 =	sadd.s32 $0xCCE00, s3  }
0x34: {  	s31 =	simm.s32 $0x5;
	s21 =	sadd.s32 $0xCD120, s3;
	[dreg:$0x1f] =	wrdreg s20  }
0x35: {  	s24 =	sshrl.u32 s5, $0x1;
	s22 =	sadd.s32 $0xCD440, s3;
	[smem:$0x7F6] =	sst s21  }
0x36: {  	s5 =	ssub.s32 s5, s24;
	s23 =	sadd.s32 $0xCD760, s3;
	[smem:$0x7F7] =	sst s22  }
0x37: {  	s29 =	sshrl.u32 s25, $0x3;
	s24 =	sadd.s32 $0xCDA80, s3;
	[smem:$0x7F8] =	sst s23  }
0x38: {  	s2 =	simm.s32 $0xAB10;
	s25 =	sadd.s32 $0xCDDA0, s3;
	[smem:$0x7F9] =	sst s24  }
0x39: {  	s4 =	simm.s32 $0x0;
	s26 =	sadd.s32 $0xCE0C0, s3;
	[smem:$0x7FA] =	sst s25  }
0x3a: {  	s0 =	sadd.s32 $0x34, s29;
	s28 =	sadd.s32 $0xCE3E0, s3;
	[smem:$0x7FB] =	sst s26  }
0x3b: {  	s29 =	smax.u32 s5, $0x1;
	s3 =	simm.s32 $0x6;
	[smem:$0x7FC] =	sst s28  }
0x3c: {  	s1 =	simm.s32 $0xC410;
	s7 =	sadd.s32 s13, s0;
	[smem:$0x7FD] =	sst s29  }
0x3d: {  	s19 =	simm.s32 $0x2F40;
	s0 =	sadd.s32 s14, s0;
	[dreg:$0x17] =	wrdreg s7  }
0x3e: {  	s13 =	sadd.s32 s8, s6;
	s14 =	sadd.s32 s9, s6;
	[dreg:$0x18] =	wrdreg s0  }
0x3f: {  	s9 =	simm.s32 $0x78B0;
	s24 =	simm.s32 $0x2;
	[dreg:$0x19] =	wrdreg s13  }
0x40: {  	v0 =	vlaneseq.u32;
	s25 =	simm.s32 $0x3;
	[dreg:$0x1a] =	wrdreg s14;
	s0 =	sadd.s32 s10, s18  }
0x41: {  	v1 =	vimm.f32 $0.0e+00;
	v0 =	vmul.u32 $0x8, v0;
	s14 =	simm.s32 $0x91B0;
	s18 =	simm.s32 $0x9C0;
	[dreg:$0x1e] =	wrdreg s0  }
.LBB3_1:
0x42: {  	s0 =	rddreg [dreg:$0x4]  }
0x43: {  	[tilespmem:s2], [sflag:$0x6] =	stream.linear.gather [hbm4b:s0+s12], $0x1900, $0x38;
	[tilespmem:$0x1A610] =	vst v63  }
0x44: {  	_ =	swait.ge [sflag:s3], $0x1900  }
0x45: {  	[sflag:s3] =	ssyncset.done $0x0  }
0x46: {  	s29 =	rddreg [dreg:$0x12];
	[sflag:s3] =	ssyncadd.s32 $0xFFFFE700  }
0x47: {  	[tilespmem:s1], [sflag:$0x6] =	stream.linear.gather [hbm4b:s29+s12], $0x1A00, $0x38;
	[tilespmem:$0x1A610] =	vst v63  }
0x48: {  	_ =	swait.ge [sflag:s3], $0x1A00  }
0x49: {  	[sflag:s3] =	ssyncset.done $0x0  }
0x4a: {  	s0 =	simm.s32 $0x0;
	[sflag:s3] =	ssyncadd.s32 $0xFFFFE600  }
.LBB3_2:
0x4b: {  	p0 =	sne.s32 s0, $0x6660  }
.Ltmp0:
0x4c: {  	_ = 	snop;
	(pc) =	sbr.rel @p0 .LBB3_2-.Ltmp0, $4  }
0x4d: {  	_ = 	snop  }
0x4e: {  	s1 =	sshra.s32 s0, $0x2  }
0x4f: {  	s0 =	sadd.s32 $0x1A0, s0;
	s1 =	sadd.s32 $0xC410, s1  }
0x50: {  	[spmem:s11] =	stream.indirect.scatter [tilespmem:s2], [sflag:$0x5], $0x8, s1, s30, $0xb8;
	[tilespmem:$0x1A610] =	vst v63  }
0x51: {  	_ =	swait.ge [sflag:s31], $0x320  }
0x52: {  	s0 =	simm.s32 $0x3F;
	[sflag:s31] =	ssyncset.done $0x0  }
.LBB3_4:
0x53: {  	p0 =	sne.s32 s0, $0x1;
	s0 =	sadd.s32 $0xFFFFFFFF, s0;
	[sflag:s31] =	ssyncadd.s32 $0xFFFFFCE0  }
.Ltmp1:
0x54: {  	(pc) =	sbr.rel @p0 .LBB3_4-.Ltmp1, $3  }
0x55: {  	_ =	sdelay $0x1  }
0x56: {  	_ =	swait.ge [sflag:s31], $0x320  }
0x57: {  	[sflag:s31] =	ssyncset.done $0x0  }
0x58: {  	s0 =	simm.s32 $0x0  }
0x59: {  	v2 =	vmov s0  }
0x5a: {  	v2 =	vshll.u32 v2, $0x3  }
0x5b: {  	[smem:$0x7F5] =	sst s4;
	v2 =	vor.u32 v0, v2  }
0x5c: {  	[sflag:s31] =	ssyncadd.s32 $0xFFFFFCE0;
	s1 =	rddreg [dreg:$0x11];
	s2 =	simm.s32 $0xAAB0;
	v4 =	vor.u32 $0x3, v2  }
0x5d: {  	[tilespmem:s2], [sflag:$0x6] =	stream.linear.gather [hbm4b:s1+s0], $0x60, $0x38;
	[tilespmem:$0x1A610] =	vst v63  }
0x5e: {  	_ =	swait.ge [sflag:s3], $0x60;
	v5 =	vor.u32 $0x4, v2  }
0x5f: {  	[sflag:s3] =	ssyncset.done $0x0  }
0x60: {  	[sflag:s3] =	ssyncadd.s32 $0xFFFFFFA0;
	v3 =	vor.u32 $0x5, v2  }
0x61: {  	[tilespmem:v4+s9+$0x0] =	vst.idx.msk $0xffff, v1  }
0x62: {  	s0 =	simm.s32 $0x10;
	[tilespmem:v4+s14+$0x0] =	vst.idx.msk $0xffff, v1;
	v4 =	vor.u32 $0x6, v2  }
.LBB3_6:
0x63: {  	v6 =	vmov s0;
	p0 =	sne.s32 s0, $0x310;
	s0 =	sadd.s32 $0x10, s0;
	[tilespmem:v5+s9+$0x0] =	vst.idx.msk $0xffff, v1  }
0x64: {  	v7 =	vor.u32 $0x7, v2;
	v6 =	vshll.u32 v6, $0x3;
	[tilespmem:v5+s14+$0x0] =	vst.idx.msk $0xffff, v1  }
0x65: {  	v2 =	vor.u32 v0, v6;
	[tilespmem:v3+s9+$0x0] =	vst.idx.msk $0xffff, v1  }
0x66: {  	v6 =	vor.u32 $0x3, v2;
	[tilespmem:v3+s14+$0x0] =	vst.idx.msk $0xffff, v1  }
0x67: {  	[tilespmem:v4+s9+$0x0] =	vst.idx.msk $0xffff, v1  }
.Ltmp2:
0x68: {  	v5 =	vor.u32 $0x4, v2;
	[tilespmem:v4+s14+$0x0] =	vst.idx.msk $0xffff, v1;
	(pc) =	sbr.rel @p0 .LBB3_6-.Ltmp2, $4  }
0x69: {  	[tilespmem:v7+s9+$0x0] =	vst.idx.msk $0xffff, v1  }
0x6a: {  	v3 =	vor.u32 $0x5, v2;
	[tilespmem:v7+s14+$0x0] =	vst.idx.msk $0xffff, v1  }
0x6b: {  	[tilespmem:v6+s9+$0x0] =	vst.idx.msk $0xffff, v1  }
0x6c: {  	v4 =	vor.u32 $0x6, v2;
	[tilespmem:v6+s14+$0x0] =	vst.idx.msk $0xffff, v1  }
0x6d: {  	_ =	sdelay $0x3  }
0x6e: {  	[tilespmem:v5+s9+$0x0] =	vst.idx.msk $0xffff, v1  }
0x6f: {  	v2 =	vor.u32 $0x7, v2;
	[tilespmem:v5+s14+$0x0] =	vst.idx.msk $0xffff, v1  }
0x70: {  	[tilespmem:v3+s9+$0x0] =	vst.idx.msk $0xffff, v1  }
0x71: {  	[tilespmem:v3+s14+$0x0] =	vst.idx.msk $0xffff, v1  }
0x72: {  	[tilespmem:v4+s9+$0x0] =	vst.idx.msk $0xffff, v1  }
0x73: {  	[tilespmem:v4+s14+$0x0] =	vst.idx.msk $0xffff, v1  }
0x74: {  	[tilespmem:v2+s9+$0x0] =	vst.idx.msk $0xffff, v1  }
0x75: {  	[tilespmem:v2+s14+$0x0] =	vst.idx.msk $0xffff, v1  }
0x76: {  	[bflag:$0x0] =	sbarrier.arrive $0xFFFF  }
0x77: {  	v2 =	vld [tilespmem:$0xAAB0]  }
0x78: {  	v3 =	vld [tilespmem:$0xAAC0]  }
0x79: {  	v4 =	vld [tilespmem:$0xAAD0]  }
0x7a: {  	v5 =	vld [tilespmem:$0xAAE0]  }
0x7b: {  	s22 =	simm.s32 $0x0;
	v6 =	vld [tilespmem:$0xAAF0];
	s0 =	rddreg [dreg:$0x15]  }
0x7c: {  	v7 =	vld [tilespmem:$0xAB00];
	[tilespmem:s22], [sflag:$0x1] =	stream.linear.gather [hbm4b:s0+s22], $0x1A0, $0x38  }
0x7d: {  	s4 =	simm.s32 $0x4E0;
	s11 =	rddreg [dreg:$0x16]  }
0x7e: {  	[tilespmem:s4], [sflag:$0x1] =	stream.linear.gather [hbm4b:s11+s22], $0x1A0, $0x38;
	[tilespmem:$0x1A610] =	vst v63  }
0x7f: {  	s1 =	rddreg [dreg:$0x19];
	s0 =	simm.s32 $0x54C0  }
0x80: {  	[tilespmem:s0], [sflag:$0x1] =	stream.linear.gather [hbm4b:s1+s22], $0x190, $0x38;
	[tilespmem:$0x1A610] =	vst v63  }
0x81: {  	s2 =	rddreg [dreg:$0x1a];
	s1 =	simm.s32 $0x5970  }
0x82: {  	[tilespmem:s1], [sflag:$0x1] =	stream.linear.gather [hbm4b:s2+s22], $0x190, $0x38;
	[tilespmem:$0x1A610] =	vst v63  }
0x83: {  	s5 =	simm.s32 $0x1;
	s3 =	rddreg [dreg:$0x1b];
	s2 =	simm.s32 $0x5E20  }
0x84: {  	[tilespmem:s2], [sflag:$0x1] =	stream.linear.gather [hbm4b:s3+s22], $0x190, $0x38;
	[tilespmem:$0x1A610] =	vst v63  }
0x85: {  	_ =	swait.ge [sflag:s5], $0x1A0  }
0x86: {  	[sflag:s5] =	ssyncset.done $0x0  }
0x87: {  	[sflag:s5] =	ssyncadd.s32 $0xFFFFFE60  }
0x88: {  	_ =	swait.ge [sflag:s5], $0x1A0  }
0x89: {  	[sflag:s5] =	ssyncset.done $0x0  }
0x8a: {  	[sflag:s5] =	ssyncadd.s32 $0xFFFFFE60  }
0x8b: {  	_ =	swait.ge [sflag:s5], $0x190  }
0x8c: {  	[sflag:s5] =	ssyncset.done $0x0  }
0x8d: {  	[sflag:s5] =	ssyncadd.s32 $0xFFFFFE70  }
0x8e: {  	_ =	swait.ge [sflag:s5], $0x190  }
0x8f: {  	[sflag:s5] =	ssyncset.done $0x0  }
0x90: {  	[sflag:s5] =	ssyncadd.s32 $0xFFFFFE70  }
0x91: {  	_ =	swait.ge [sflag:s5], $0x190  }
0x92: {  	[sflag:s5] =	ssyncset.done $0x0  }
0x93: {  	[sflag:s5] =	ssyncadd.s32 $0xFFFFFE70  }
0x94: {  	[tilespmem:s18], [sflag:$0x2] =	stream.indirect.gather [hbm4b:s15+s30], $0x8, s22, s30, $0xb8;
	[tilespmem:$0x1A610] =	vst v63  }
0x95: {  	_ = 	snop  }
0x96: {  	[tilespmem:s19], [sflag:$0x3] =	stream.indirect.gather [hbm4b:s15+s30], $0x8, s4, s30, $0xb8;
	[tilespmem:$0x1A610] =	vst v63  }
0x97: {  	s13 =	simm.s32 $0x68;
	s17 =	simm.s32 $0xCE0  }
0x98: {  	[tilespmem:s17], [sflag:$0x2] =	stream.indirect.gather [hbm4b:s15+s30], $0x8, s13, s30, $0xb8;
	[tilespmem:$0x1A610] =	vst v63  }
0x99: {  	s20 =	simm.s32 $0x548;
	s21 =	simm.s32 $0x3260  }
0x9a: {  	[tilespmem:s21], [sflag:$0x3] =	stream.indirect.gather [hbm4b:s15+s30], $0x8, s20, s30, $0xb8;
	[tilespmem:$0x1A610] =	vst v63  }
0x9b: {  	s23 =	simm.s32 $0xD0;
	s26 =	simm.s32 $0x1000  }
0x9c: {  	[tilespmem:s26], [sflag:$0x2] =	stream.indirect.gather [hbm4b:s15+s30], $0x8, s23, s30, $0xb8;
	[tilespmem:$0x1A610] =	vst v63  }
0x9d: {  	s28 =	simm.s32 $0x5B0;
	s29 =	simm.s32 $0x3580  }
0x9e: {  	[tilespmem:s29], [sflag:$0x3] =	stream.indirect.gather [hbm4b:s15+s30], $0x8, s28, s30, $0xb8;
	[tilespmem:$0x1A610] =	vst v63  }
0x9f: {  	s6 =	simm.s32 $0x138;
	s7 =	simm.s32 $0x1320  }
0xa0: {  	[tilespmem:s7], [sflag:$0x2] =	stream.indirect.gather [hbm4b:s15+s30], $0x8, s6, s30, $0xb8;
	[tilespmem:$0x1A610] =	vst v63  }
0xa1: {  	s8 =	simm.s32 $0x618;
	s10 =	simm.s32 $0x38A0  }
0xa2: {  	[tilespmem:s10], [sflag:$0x3] =	stream.indirect.gather [hbm4b:s15+s30], $0x8, s8, s30, $0xb8;
	[tilespmem:$0x1A610] =	vst v63  }
0xa3: {  	s11 =	rddreg [dreg:$0x17];
	s13 =	simm.s32 $0x1A0  }
0xa4: {  	[tilespmem:s13], [sflag:$0x1] =	stream.linear.gather [hbm4b:s11+s22], $0x1A0, $0x38;
	[tilespmem:$0x1A610] =	vst v63  }
0xa5: {  	s17 =	rddreg [dreg:$0x18];
	s6 =	simm.s32 $0x680  }
0xa6: {  	[tilespmem:s6], [sflag:$0x1] =	stream.linear.gather [hbm4b:s17+s22], $0x1A0, $0x38;
	[tilespmem:$0x1A610] =	vst v63  }
0xa7: {  	s20 =	rddreg [dreg:$0x1c];
	s7 =	simm.s32 $0x5650  }
0xa8: {  	[tilespmem:s7], [sflag:$0x1] =	stream.linear.gather [hbm4b:s20+s22], $0x190, $0x38;
	[tilespmem:$0x1A610] =	vst v63  }
0xa9: {  	s21 =	rddreg [dreg:$0x1d];
	s23 =	simm.s32 $0x5B00  }
0xaa: {  	[tilespmem:s23], [sflag:$0x1] =	stream.linear.gather [hbm4b:s21+s22], $0x190, $0x38;
	[tilespmem:$0x1A610] =	vst v63  }
0xab: {  	s26 =	rddreg [dreg:$0x1e];
	s28 =	simm.s32 $0x5FB0  }
0xac: {  	[tilespmem:s28], [sflag:$0x1] =	stream.linear.gather [hbm4b:s26+s22], $0x190, $0x38;
	[tilespmem:$0x1A610] =	vst v63  }
0xad: {  	_ =	swait.ge [sflag:s5], $0x1A0  }
0xae: {  	[sflag:s5] =	ssyncset.done $0x0  }
0xaf: {  	[sflag:s5] =	ssyncadd.s32 $0xFFFFFE60  }
0xb0: {  	_ =	swait.ge [sflag:s5], $0x1A0  }
0xb1: {  	[sflag:s5] =	ssyncset.done $0x0  }
0xb2: {  	[sflag:s5] =	ssyncadd.s32 $0xFFFFFE60  }
0xb3: {  	_ =	swait.ge [sflag:s5], $0x190  }
0xb4: {  	[sflag:s5] =	ssyncset.done $0x0  }
0xb5: {  	[sflag:s5] =	ssyncadd.s32 $0xFFFFFE70  }
0xb6: {  	_ =	swait.ge [sflag:s5], $0x190  }
0xb7: {  	[sflag:s5] =	ssyncset.done $0x0  }
0xb8: {  	[sflag:s5] =	ssyncadd.s32 $0xFFFFFE70  }
0xb9: {  	_ =	swait.ge [sflag:s5], $0x190  }
0xba: {  	[sflag:s5] =	ssyncset.done $0x0  }
0xbb: {  	s29 =	simm.s32 $0x1640;
	[sflag:s5] =	ssyncadd.s32 $0xFFFFFE70  }
0xbc: {  	[tilespmem:s29], [sflag:$0x2] =	stream.indirect.gather [hbm4b:s15+s30], $0x8, s13, s30, $0xb8;
	[tilespmem:$0x1A610] =	vst v63  }
0xbd: {  	s5 =	simm.s32 $0x3BC0  }
0xbe: {  	[tilespmem:s5], [sflag:$0x3] =	stream.indirect.gather [hbm4b:s15+s30], $0x8, s6, s30, $0xb8;
	[tilespmem:$0x1A610] =	vst v63  }
0xbf: {  	s8 =	simm.s32 $0x1960;
	s7 =	simm.s32 $0x208  }
0xc0: {  	[tilespmem:s8], [sflag:$0x2] =	stream.indirect.gather [hbm4b:s15+s30], $0x8, s7, s30, $0xb8;
	[tilespmem:$0x1A610] =	vst v63  }
0xc1: {  	s10 =	simm.s32 $0x6E8;
	s11 =	simm.s32 $0x3EE0  }
0xc2: {  	[tilespmem:s11], [sflag:$0x3] =	stream.indirect.gather [hbm4b:s15+s30], $0x8, s10, s30, $0xb8;
	[tilespmem:$0x1A610] =	vst v63  }
0xc3: {  	s17 =	simm.s32 $0x1C80;
	s13 =	simm.s32 $0x270  }
0xc4: {  	[tilespmem:s17], [sflag:$0x2] =	stream.indirect.gather [hbm4b:s15+s30], $0x8, s13, s30, $0xb8;
	[tilespmem:$0x1A610] =	vst v63  }
0xc5: {  	s20 =	simm.s32 $0x750;
	s21 =	simm.s32 $0x4200  }
0xc6: {  	[tilespmem:s21], [sflag:$0x3] =	stream.indirect.gather [hbm4b:s15+s30], $0x8, s20, s30, $0xb8;
	[tilespmem:$0x1A610] =	vst v63  }
0xc7: {  	s23 =	simm.s32 $0x2D8;
	s26 =	simm.s32 $0x1FA0  }
0xc8: {  	[tilespmem:s26], [sflag:$0x2] =	stream.indirect.gather [hbm4b:s15+s30], $0x8, s23, s30, $0xb8;
	[tilespmem:$0x1A610] =	vst v63  }
0xc9: {  	s28 =	simm.s32 $0x7B8;
	s29 =	simm.s32 $0x4520;
	s23 =	simm.s32 $0x0  }
0xca: {  	[tilespmem:s29], [sflag:$0x3] =	stream.indirect.gather [hbm4b:s15+s30], $0x8, s28, s30, $0xb8;
	[tilespmem:$0x1A610] =	vst v63  }
.LBB3_8:
0xcb: {  	p1 =	seq.s32 s23, $0x0  }
0xcc: {  	s3 =	simm.s32 @!p1 $0x4  }
0xcd: {  	_ =	swait.ge @!p1 [sflag:s3], $0x190  }
0xce: {  	[sflag:s3] =	ssyncset.done @!p1 $0x0  }
0xcf: {  	[sflag:s3] =	ssyncadd.s32 @!p1 $0xFFFFFE70  }
0xd0: {  	_ =	swait.ge @!p1 [sflag:s3], $0x190  }
0xd1: {  	[sflag:s3] =	ssyncset.done @!p1 $0x0  }
0xd2: {  	[sflag:s3] =	ssyncadd.s32 @!p1 $0xFFFFFE70  }
0xd3: {  	_ =	swait.ge @!p1 [sflag:s3], $0x190  }
0xd4: {  	[sflag:s3] =	ssyncset.done @!p1 $0x0  }
0xd5: {  	[sflag:s3] =	ssyncadd.s32 @!p1 $0xFFFFFE70  }
0xd6: {  	_ =	swait.ge @!p1 [sflag:s3], $0x190  }
0xd7: {  	[sflag:s3] =	ssyncset.done @!p1 $0x0  }
0xd8: {  	[sflag:s3] =	ssyncadd.s32 @!p1 $0xFFFFFE70  }
0xd9: {  	_ =	swait.ge @!p1 [sflag:s3], $0x190  }
0xda: {  	[sflag:s3] =	ssyncset.done @!p1 $0x0  }
0xdb: {  	[sflag:s3] =	ssyncadd.s32 @!p1 $0xFFFFFE70  }
0xdc: {  	_ =	swait.ge @!p1 [sflag:s3], $0x190  }
0xdd: {  	[sflag:s3] =	ssyncset.done @!p1 $0x0  }
0xde: {  	[sflag:s3] =	ssyncadd.s32 @!p1 $0xFFFFFE70  }
0xdf: {  	_ =	swait.ge @!p1 [sflag:s3], $0x190  }
0xe0: {  	[sflag:s3] =	ssyncset.done @!p1 $0x0  }
0xe1: {  	[sflag:s3] =	ssyncadd.s32 @!p1 $0xFFFFFE70;
	s3 =	simm.s32 @!p1 $0x5  }
0xe2: {  	_ =	swait.ge @!p1 [sflag:s3], $0x320  }
0xe3: {  	[sflag:s3] =	ssyncset.done @!p1 $0x0  }
0xe4: {  	[sflag:s3] =	ssyncadd.s32 @!p1 $0xFFFFFCE0  }
0xe5: {  	_ =	swait.ge @!p1 [sflag:s3], $0x320  }
0xe6: {  	[sflag:s3] =	ssyncset.done @!p1 $0x0  }
0xe7: {  	[sflag:s3] =	ssyncadd.s32 @!p1 $0xFFFFFCE0  }
0xe8: {  	_ =	swait.ge @!p1 [sflag:s3], $0x320  }
0xe9: {  	[sflag:s3] =	ssyncset.done @!p1 $0x0  }
0xea: {  	[sflag:s3] =	ssyncadd.s32 @!p1 $0xFFFFFCE0  }
0xeb: {  	_ =	swait.ge @!p1 [sflag:s3], $0x320  }
0xec: {  	[sflag:s3] =	ssyncset.done @!p1 $0x0  }
0xed: {  	[sflag:s3] =	ssyncadd.s32 @!p1 $0xFFFFFCE0  }
0xee: {  	_ =	swait.ge @!p1 [sflag:s3], $0x320  }
0xef: {  	[sflag:s3] =	ssyncset.done @!p1 $0x0  }
0xf0: {  	[sflag:s3] =	ssyncadd.s32 @!p1 $0xFFFFFCE0  }
0xf1: {  	_ =	swait.ge @!p1 [sflag:s3], $0x320  }
0xf2: {  	[sflag:s3] =	ssyncset.done @!p1 $0x0  }
0xf3: {  	p0 =	sgt.u32 @!p1 s23, $0xF7;
	[sflag:s3] =	ssyncadd.s32 @!p1 $0xFFFFFCE0  }
0xf4: {  	p2 =	por p1, !p0;
	_ =	swait.ge @!p1 [sflag:s3], $0x320  }
.Ltmp3:
0xf5: {  	[sflag:s3] =	ssyncset.done @!p1 $0x0;
	(pc) =	sbr.rel @!p2 .LBB3_10-.Ltmp3, $4  }
0xf6: {  	[sflag:s3] =	ssyncadd.s32 @!p1 $0xFFFFFCE0  }
0xf7: {  	_ =	swait.ge @!p1 [sflag:s3], $0x320  }
0xf8: {  	[sflag:s3] =	ssyncset.done @!p1 $0x0  }
0xf9: {  	s26 =	sadd.s32 @!p1 $0x2, s23;
	p0 =	por @!p1 $0x0, $0x0;
	[sflag:s3] =	ssyncadd.s32 @!p1 $0xFFFFFCE0  }
0xfa: {  	s26 =	simm.s32 @p1 $0x2  }
0xfb: {  	s3 =	smul.u32 $0xAB, s26;
	_ =	sdelay $0x1  }
0xfc: {  	s3 =	sshrl.u32 s3, $0x9  }
0xfd: {  	s3 =	sand.u32 $0x7F, s3  }
0xfe: {  	s3 =	smul.u32 $0x3, s3  }
0xff: {  	s5 =	rddreg [dreg:$0x14];
	s4 =	sshll.u32 s26, $0x2  }
0x100: {  	s11 =	smul.u32 $0x190, s26;
	s4 =	sadd.s32 s5, s4;
	s3 =	ssub.s32 s26, s3  }
0x101: {  	s4 =	smul.u32 $0xD, s4;
	s3 =	sand.u32 $0xFF, s3  }
0x102: {  	s6 =	rddreg [dreg:$0xf];
	s10 =	smul.u32 $0x1A0, s3  }
0x103: {  	s7 =	rddreg [dreg:$0x10];
	s13 =	sadd.s32 s16, s11;
	s6 =	sadd.s32 s6, s4  }
0x104: {  	[tilespmem:s10], [sflag:$0x1] =	stream.linear.gather [hbm4b:s6+s12], $0x1A0, $0x38;
	[tilespmem:$0x1A610] =	vst v63  }
0x105: {  	s4 =	sadd.s32 s7, s4;
	s3 =	smul.u32 $0x190, s3;
	s5 =	sadd.s32 $0x4E0, s10  }
0x106: {  	[tilespmem:s5], [sflag:$0x1] =	stream.linear.gather [hbm4b:s4+s12], $0x1A0, $0x38;
	[tilespmem:$0x1A610] =	vst v63  }
0x107: {  	s20 =	rddreg [dreg:$0x1];
	s4 =	sshrl.u32 s13, $0x3  }
0x108: {  	s28 =	rddreg [dreg:$0x2];
	s17 =	sadd.s32 $0x54C0, s3;
	s6 =	sadd.s32 s20, s4  }
0x109: {  	[tilespmem:s17], [sflag:$0x1] =	stream.linear.gather [hbm4b:s6+s12], $0x190, $0x38;
	[tilespmem:$0x1A610] =	vst v63  }
0x10a: {  	s29 =	rddreg [dreg:$0x3];
	s21 =	sadd.s32 $0x5970, s3;
	s6 =	sadd.s32 s28, s4  }
0x10b: {  	[tilespmem:s21], [sflag:$0x1] =	stream.linear.gather [hbm4b:s6+s12], $0x190, $0x38;
	[tilespmem:$0x1A610] =	vst v63  }
0x10c: {  	p0 =	por $0x1, $0x1;
	s3 =	sadd.s32 $0x5E20, s3;
	s4 =	sadd.s32 s29, s4  }
0x10d: {  	[tilespmem:s3], [sflag:$0x1] =	stream.linear.gather [hbm4b:s4+s12], $0x190, $0x38;
	[tilespmem:$0x1A610] =	vst v63  }
.LBB3_10:
0x10e: {  	_ =	swait.ge [sflag:s24], $0x320  }
0x10f: {  	[sflag:s24] =	ssyncset.done $0x0  }
0x110: {  	[sflag:s24] =	ssyncadd.s32 $0xFFFFFCE0  }
0x111: {  	_ =	swait.ge [sflag:s25], $0x320  }
0x112: {  	[sflag:s25] =	ssyncset.done $0x0  }
0x113: {  	[sflag:s25] =	ssyncadd.s32 $0xFFFFFCE0  }
0x114: {  	_ =	swait.ge [sflag:s24], $0x320  }
0x115: {  	[sflag:s24] =	ssyncset.done $0x0  }
0x116: {  	[sflag:s24] =	ssyncadd.s32 $0xFFFFFCE0  }
0x117: {  	_ =	swait.ge [sflag:s25], $0x320  }
0x118: {  	s3 =	smulhi.u32 $0xAAAAAAAB, s23;
	[sflag:s25] =	ssyncset.done $0x0  }
0x119: {  	[sflag:s25] =	ssyncadd.s32 $0xFFFFFCE0  }
0x11a: {  	s5 =	smul.u32 $0xAB, s23;
	s3 =	sshrl.u32 s3, $0x1;
	_ =	swait.ge [sflag:s24], $0x320  }
0x11b: {  	s21 =	sand.u32 $0x1, s23;
	s4 =	smul.u32 $0x4B0, s3;
	[sflag:s24] =	ssyncset.done $0x0  }
0x11c: {  	s11 =	smul.u32 $0x190, s23;
	s5 =	sshrl.u32 s5, $0x9;
	[sflag:s24] =	ssyncadd.s32 $0xFFFFFCE0  }
0x11d: {  	s5 =	sand.u32 $0x7F, s5;
	s4 =	ssub.s32 s22, s4;
	_ =	swait.ge [sflag:s25], $0x320  }
0x11e: {  	s20 =	simm.s32 $0x0;
	s5 =	smul.u32 $0x3, s5;
	v8 =	vmov s4;
	[sflag:s25] =	ssyncset.done $0x0  }
0x11f: {  	s29 =	simm.s32 $0x40;
	p1 =	seq.s32 s21, $0x1;
	v8 =	vshll.u32 v8, $0x3;
	[sflag:s25] =	ssyncadd.s32 $0xFFFFFCE0  }
0x120: {  	s21 =	simm.s32 $0x190;
	s5 =	ssub.s32 s23, s5;
	v19 =	vor.u32 v0, v8;
	_ =	swait.ge [sflag:s24], $0x320  }
0x121: {  	s21 =	simm.s32 @!p1 $0x0;
	s5 =	sand.u32 $0xFF, s5;
	v21 =	vor.u32 $0x3, v19;
	[sflag:s24] =	ssyncset.done $0x0  }
0x122: {  	s3 =	smul.u32 $0xFFFFED40, s3;
	v20 =	vor.u32 $0x4, v19;
	[smem:$0x7F4] =	sst s5;
	[sflag:s24] =	ssyncadd.s32 $0xFFFFFCE0  }
0x123: {  	s17 =	sadd.s32 s16, s11;
	s7 =	sadd.s32 $0x62D0, s21;
	_ =	swait.ge [sflag:s25], $0x320  }
0x124: {  	s6 =	sadd.s32 $0x65F0, s21;
	s3 =	sshra.s32 s3, $0x2;
	[sflag:s25] =	ssyncset.done $0x0  }
0x125: {  	s16 =	sadd.s32 $0x7270, s21;
	v18 =	vmov s21;
	v14 =	vmov s7;
	v13 =	vmov s6;
	s10 =	sadd.s32 s3, s1;
	[sflag:s25] =	ssyncadd.s32 $0xFFFFFCE0  }
0x126: {  	v9 =	vmov s16;
	v18 =	vshll.u32 v18, $0x3;
	s8 =	sadd.s32 s3, s0;
	s3 =	sadd.s32 s3, s2;
	v17 =	vmov s10;
	s10 =	sadd.s32 $0x6C30, s21;
	v23 =	vld.idx.msk [tilespmem:v21+s18+$0x0], $0xffff  }
0x127: {  	s11 =	sadd.s32 $0x7590, s21;
	v16 =	vmov s8;
	v15 =	vmov s3;
	s8 =	sadd.s32 $0x6F50, s21;
	v12 =	vmov s10;
	s5 =	sadd.s32 $0x6910, s21;
	v24 =	vld.idx.msk [tilespmem:v20+s18+$0x0], $0xffff  }
0x128: {  	s13 =	simm.s32 $0x80;
	s28 =	sadd.s32 $0x10, s4;
	s4 =	smov.u32 s21;
	v10 =	vmov s8;
	v8 =	vmov s11;
	v11 =	vmov s5;
	v25 =	vld.idx.msk [tilespmem:v21+s19+$0x0], $0xffff  }
.LBB3_11:
0x129: {  	p1 =	sne.s32 s13, $0x600  }
0x12a: {  	v21 =	vmov s28;
	v26 =	vld.idx.msk [tilespmem:v20+s19+$0x0], $0xffff;
	s4 =	sadd.s32 $0x10, s4;
	s12 =	smov.u32 s13;
	s13 =	sadd.s32 $0x40, s13  }
0x12b: {  	s3 =	sshra.s32 s20, $0x2;
	s20 =	smov.u32 s29;
	v20 =	vshll.u32 v21, $0x3;
	v21 =	vmov s4;
	s29 =	smov.u32 s12  }
0x12c: {  	v22 =	vshll.u32 v21, $0x3;
	v27 =	vor.u32 v0, v20;
	v28 =	vld.idx.msk [tilespmem:v15+s3+$0x0 ss:$0x1], $0xffff  }
0x12d: {  	v21 =	vor.u32 $0x3, v27;
	v20 =	vor.u32 $0x4, v27;
	v29 =	vld.idx.msk [tilespmem:v16+s3+$0x0 ss:$0x1], $0xffff  }
0x12e: {  	v30 =	vld.idx.msk [tilespmem:v17+s3+$0x0 ss:$0x1], $0xffff  }
0x12f: {  	v23 =	vsub.f32 v25, v23  }
0x130: {  	v25 =	vor.u32 $0x1, v19;
	v24 =	vsub.f32 v26, v24;
	_ =	sdelay $0x1  }
0x131: {  	v26 =	vmul.f32 v23, v23;
	v31 =	vmul.f32 v24, v24  }
0x132: {  	v28 =	vmul.f32 v28, v29  }
0x133: {  	v26 =	vadd.f32 v31, v26;
	v29 =	vmul.f32 v30, v29  }
0x134: {  	v30 =	vor.u32 $0x2, v19;
	v31 =	vld.idx.msk [tilespmem:v25+s19+$0x0], $0xffff  }
0x135: {  	v32 =	vshra.s32 v26, $0x1;
	v33 =	vmul.f32 $5.000000000e-01, v26;
	v25 =	vld.idx.msk [tilespmem:v25+s18+$0x0], $0xffff  }
0x136: {  	v32 =	vsub.s32 $0x5F3759DF, v32;
	v34 =	vld.idx.msk [tilespmem:v19+s18+$0x0], $0xffff  }
0x137: {  	v36 =	vmul.f32 v32, v33;
	v35 =	vld.idx.msk [tilespmem:v19+s19+$0x0], $0xffff;
	v19 =	vmov v27;
	_ =	sdelay $0x1  }
0x138: {  	v36 =	vmul.f32 v32, v36;
	v27 =	vld.idx.msk [tilespmem:v30+s19+$0x0], $0xffff  }
0x139: {  	v30 =	vld.idx.msk [tilespmem:v30+s18+$0x0], $0xffff  }
0x13a: {  	v36 =	vsub.f32 $1.500000000e+00, v36;
	_ =	sdelay $0x1  }
0x13b: {  	v32 =	vmul.f32 v32, v36;
	_ =	sdelay $0x1  }
0x13c: {  	v27 =	vsub.f32 $0.0e+00, v27;
	v36 =	vmul.f32 v32, v33  }
0x13d: {  	v30 =	vsub.f32 $0.0e+00, v30  }
0x13e: {  	v36 =	vmul.f32 v36, v32  }
0x13f: {  	v37 =	vadd.f32 v27, v30;
	v38 =	vmul.f32 $4.000000000e+00, v30;
	v30 =	vadd.f32 v30, v30  }
0x140: {  	v36 =	vsub.f32 $1.500000000e+00, v36;
	_ =	sdelay $0x1  }
0x141: {  	v32 =	vmul.f32 v36, v32;
	_ =	sdelay $0x1  }
0x142: {  	v33 =	vmul.f32 v32, v33;
	_ =	sdelay $0x1  }
0x143: {  	v33 =	vmul.f32 v33, v32;
	_ =	sdelay $0x1  }
0x144: {  	v29 =	vmul.f32 v29, v2;
	v33 =	vsub.f32 $1.500000000e+00, v33  }
0x145: {  	v39 =	vmul.f32 v28, v5;
	v36 =	vmul.f32 v28, v2  }
0x146: {  	v32 =	vmul.f32 v33, v32;
	v33 =	vmul.f32 v28, v4  }
0x147: {  	v40 =	vmul.f32 $4.000000000e+00, v27;
	v28 =	vmul.f32 v28, v3  }
0x148: {  	v23 =	vmul.f32 v32, v23;
	v24 =	vmul.f32 v32, v24  }
0x149: {  	v41 =	vmul.f32 v32, v32;
	v28 =	vmul.f32 v32, v28  }
0x14a: {  	v42 =	vmul.f32 v23, v34;
	v43 =	vmul.f32 v24, v25  }
0x14b: {  	v44 =	vmul.f32 v23, v35;
	v35 =	vmul.f32 v24, v35  }
0x14c: {  	v25 =	vmul.f32 v23, v25;
	v34 =	vmul.f32 v24, v34;
	v42 =	vadd.f32 v43, v42  }
0x14d: {  	v30 =	vadd.f32 v40, v30;
	v45 =	vmul.f32 v24, v31;
	v43 =	vmul.f32 v41, v32  }
0x14e: {  	v33 =	vmul.f32 v41, v33;
	v31 =	vmul.f32 v23, v31;
	v25 =	vsub.f32 v25, v34  }
0x14f: {  	v34 =	vmul.f32 v43, v36;
	v36 =	vmul.f32 v41, v39;
	v39 =	vadd.f32 v45, v44  }
0x150: {  	v26 =	vmul.f32 v32, v26;
	v31 =	vsub.f32 v31, v35;
	v33 =	vmul.f32 $6.000000000e+00, v33  }
0x151: {  	v27 =	vadd.f32 v27, v27;
	v35 =	vsub.f32 v42, v39;
	v34 =	vmul.f32 $1.200000000e+01, v34  }
0x152: {  	v29 =	vmul.f32 v32, v29;
	v30 =	vmul.f32 v28, v30;
	v25 =	vsub.f32 v25, v31  }
0x153: {  	v27 =	vadd.f32 v27, v38;
	v31 =	vmul.f32 v33, v37;
	v32 =	vmul.f32 $6.000000000e+00, v36;
	[tilespmem:v14+s3+$0x0 ss:$0x1] =	vst.idx.msk $0xffff, v26  }
0x154: {  	v26 =	vmul.f32 v35, v29;
	v29 =	vmul.f32 v25, v34;
	[tilespmem:v13+s3+$0x0 ss:$0x1] =	vst.idx.msk $0xffff, v23  }
0x155: {  	v27 =	vmul.f32 v28, v27;
	v25 =	vmul.f32 v25, v32;
	[tilespmem:v11+s3+$0x0 ss:$0x1] =	vst.idx.msk $0xffff, v24  }
0x156: {  	v28 =	vadd.f32 v29, v31;
	v29 =	vmul.f32 v26, v23;
	v31 =	vsub.f32 $0.0e+00, v26  }
0x157: {  	v27 =	vadd.f32 v25, v27;
	v26 =	vmul.f32 v26, v24  }
0x158: {  	v25 =	vadd.f32 v25, v30;
	v30 =	vmul.f32 v31, v6;
	v31 =	vsub.f32 $0.0e+00, v28  }
0x159: {  	v33 =	vor.u32 v0, v18;
	v18 =	vmovc v22;
	v24 =	vmul.f32 v28, v24;
	v32 =	vmul.f32 v27, v7  }
0x15a: {  	v22 =	vmul.f32 v28, v23;
	v23 =	vmul.f32 v25, v7;
	v28 =	vor.u32 $0x1, v33;
	[tilespmem:v12+s3+$0x0 ss:$0x1] =	vst.idx.msk $0xffff, v30  }
0x15b: {  	v30 =	vmul.f32 v31, v6;
	v31 =	vor.u32 $0x2, v33;
	[tilespmem:v10+s3+$0x0 ss:$0x1] =	vst.idx.msk $0xffff, v32  }
0x15c: {  	v24 =	vsub.f32 v29, v24;
	[tilespmem:v9+s3+$0x0 ss:$0x1] =	vst.idx.msk $0xffff, v23  }
0x15d: {  	v22 =	vadd.f32 v22, v26;
	[tilespmem:v8+s3+$0x0 ss:$0x1] =	vst.idx.msk $0xffff, v30  }
0x15e: {  	[tilespmem:v33+s9+$0x0] =	vst.idx.msk $0xffff, v24  }
0x15f: {  	v23 =	vsub.f32 $0.0e+00, v24;
	[tilespmem:v28+s9+$0x0] =	vst.idx.msk $0xffff, v22  }
0x160: {  	v22 =	vsub.f32 $0.0e+00, v22;
	[tilespmem:v31+s9+$0x0] =	vst.idx.msk $0xffff, v27  }
0x161: {  	[tilespmem:v33+s14+$0x0] =	vst.idx.msk $0xffff, v23  }
.Ltmp4:
0x162: {  	[tilespmem:v28+s14+$0x0] =	vst.idx.msk $0xffff, v22;
	(pc) =	sbr.rel @p1 .LBB3_11-.Ltmp4, $4  }
0x163: {  	[tilespmem:v31+s14+$0x0] =	vst.idx.msk $0xffff, v25  }
0x164: {  	v23 =	vld.idx.msk [tilespmem:v21+s18+$0x0], $0xffff  }
0x165: {  	v24 =	vld.idx.msk [tilespmem:v20+s18+$0x0], $0xffff  }
0x166: {  	s28 =	sadd.s32 $0x10, s28;
	v25 =	vld.idx.msk [tilespmem:v21+s19+$0x0], $0xffff  }
0x167: {  	_ =	sdelay $0x3  }
0x168: {  	v20 =	vld.idx.msk [tilespmem:v20+s19+$0x0], $0xffff;
	_ =	sdelay $0x4  }
0x169: {  	v21 =	vsub.f32 v25, v23;
	v20 =	vsub.f32 v20, v24;
	_ =	sdelay $0x1  }
0x16a: {  	v22 =	vmul.f32 v21, v21;
	v47 =	vmul.f32 v20, v20;
	_ =	sdelay $0x1  }
0x16b: {  	v22 =	vadd.f32 v47, v22;
	_ =	sdelay $0x1  }
0x16c: {  	v23 =	vshra.s32 v22, $0x1;
	v48 =	vmul.f32 $5.000000000e-01, v22  }
0x16d: {  	v23 =	vsub.s32 $0x5F3759DF, v23  }
0x16e: {  	v49 =	vmul.f32 v23, v48;
	_ =	sdelay $0x1  }
0x16f: {  	v25 =	vmul.f32 v23, v49;
	_ =	sdelay $0x1  }
0x170: {  	v25 =	vsub.f32 $1.500000000e+00, v25;
	_ =	sdelay $0x1  }
0x171: {  	v23 =	vmul.f32 v23, v25;
	_ =	sdelay $0x1  }
0x172: {  	v26 =	vmul.f32 v23, v48;
	_ =	sdelay $0x1  }
0x173: {  	v50 =	vor.u32 $0x2, v19;
	s3 =	sshra.s32 s20, $0x2;
	v26 =	vmul.f32 v26, v23  }
0x174: {  	v27 =	vld.idx.msk [tilespmem:v16+s3+$0x0 ss:$0x1], $0xffff  }
0x175: {  	v28 =	vld.idx.msk [tilespmem:v17+s3+$0x0 ss:$0x1], $0xffff;
	v26 =	vsub.f32 $1.500000000e+00, v26  }
0x176: {  	v30 =	vld.idx.msk [tilespmem:v15+s3+$0x0 ss:$0x1], $0xffff  }
0x177: {  	v23 =	vmul.f32 v26, v23  }
0x178: {  	v29 =	vld.idx.msk [tilespmem:v50+s18+$0x0], $0xffff  }
0x179: {  	v25 =	vld.idx.msk [tilespmem:v50+s19+$0x0], $0xffff;
	v24 =	vmul.f32 v23, v48  }
0x17a: {  	v51 =	vor.u32 $0x1, v19;
	v28 =	vmul.f32 v28, v27  }
0x17b: {  	v27 =	vmul.f32 v30, v27;
	v24 =	vmul.f32 v24, v23  }
0x17c: {  	v28 =	vmul.f32 v28, v2  }
0x17d: {  	v32 =	vld.idx.msk [tilespmem:v19+s18+$0x0], $0xffff;
	v33 =	vmul.f32 v27, v2;
	v34 =	vmul.f32 v27, v5;
	v24 =	vsub.f32 $1.500000000e+00, v24  }
0x17e: {  	v53 =	vld.idx.msk [tilespmem:v19+s19+$0x0], $0xffff;
	v54 =	vmul.f32 v27, v4;
	v29 =	vsub.f32 $0.0e+00, v29;
	v25 =	vsub.f32 $0.0e+00, v25  }
0x17f: {  	v52 =	vld.idx.msk [tilespmem:v51+s18+$0x0], $0xffff;
	v27 =	vmul.f32 v27, v3;
	v23 =	vmul.f32 v24, v23  }
0x180: {  	v31 =	vmul.f32 $4.000000000e+00, v29;
	v35 =	vmul.f32 $4.000000000e+00, v25  }
0x181: {  	v21 =	vmul.f32 v23, v21;
	v20 =	vmul.f32 v23, v20  }
0x182: {  	v26 =	vld.idx.msk [tilespmem:v51+s19+$0x0], $0xffff;
	v36 =	vmul.f32 v23, v23;
	v27 =	vmul.f32 v23, v27  }
0x183: {  	v22 =	vmul.f32 v23, v22;
	v37 =	vmul.f32 v21, v32  }
0x184: {  	v38 =	vmul.f32 v20, v52;
	v39 =	vmul.f32 v21, v53  }
0x185: {  	v40 =	vadd.f32 v25, v29;
	v19 =	vmul.f32 v20, v53;
	v30 =	vmul.f32 v21, v52  }
0x186: {  	v25 =	vadd.f32 v25, v25;
	v32 =	vmul.f32 v20, v32;
	v41 =	vmul.f32 v36, v23  }
0x187: {  	v29 =	vadd.f32 v29, v29;
	v42 =	vmul.f32 v20, v26;
	v24 =	vmul.f32 v36, v54  }
0x188: {  	v25 =	vadd.f32 v25, v31;
	v26 =	vmul.f32 v21, v26;
	v34 =	vmul.f32 v36, v34  }
0x189: {  	v23 =	vmul.f32 v23, v28;
	v37 =	vadd.f32 v38, v37;
	v56 =	vadd.f32 v42, v39  }
0x18a: {  	v30 =	vsub.f32 v30, v32;
	v55 =	vmul.f32 v41, v33;
	v19 =	vsub.f32 v26, v19  }
0x18b: {  	v60 =	vmul.f32 v27, v25;
	v24 =	vmul.f32 $6.000000000e+00, v24;
	v57 =	vsub.f32 v37, v56  }
0x18c: {  	v58 =	vmul.f32 $6.000000000e+00, v34;
	v32 =	vmul.f32 $1.200000000e+01, v55;
	v19 =	vsub.f32 v30, v19  }
0x18d: {  	v29 =	vadd.f32 v35, v29;
	v24 =	vmul.f32 v24, v40;
	v23 =	vmul.f32 v57, v23  }
0x18e: {  	v59 =	vmul.f32 v19, v32;
	v19 =	vmul.f32 v19, v58  }
0x18f: {  	v18 =	vor.u32 v0, v18;
	[tilespmem:v14+s3+$0x0 ss:$0x1] =	vst.idx.msk $0xffff, v22;
	v61 =	vmul.f32 v27, v29;
	v62 =	vsub.f32 $0.0e+00, v23  }
0x190: {  	[tilespmem:v13+s3+$0x0 ss:$0x1] =	vst.idx.msk $0xffff, v21;
	v24 =	vadd.f32 v59, v24;
	v22 =	vadd.f32 v19, v60  }
0x191: {  	v63 =	vmul.f32 v23, v21;
	v19 =	vadd.f32 v19, v61;
	v32 =	vmul.f32 v62, v6  }
0x192: {  	[tilespmem:v11+s3+$0x0 ss:$0x1] =	vst.idx.msk $0xffff, v20;
	v23 =	vmul.f32 v23, v20;
	v33 =	vsub.f32 $0.0e+00, v24;
	v34 =	vmul.f32 v22, v7  }
0x193: {  	v36 =	vor.u32 $0x1, v18;
	v20 =	vmul.f32 v24, v20;
	v35 =	vmul.f32 v19, v7;
	[tilespmem:v12+s3+$0x0 ss:$0x1] =	vst.idx.msk $0xffff, v32  }
0x194: {  	v38 =	vor.u32 $0x2, v18;
	v21 =	vmul.f32 v24, v21;
	v37 =	vmul.f32 v33, v6;
	[tilespmem:v10+s3+$0x0 ss:$0x1] =	vst.idx.msk $0xffff, v34  }
0x195: {  	v39 =	vmov s28;
	v20 =	vsub.f32 v63, v20;
	[tilespmem:v9+s3+$0x0 ss:$0x1] =	vst.idx.msk $0xffff, v35  }
0x196: {  	v40 =	vshll.u32 v39, $0x3;
	v21 =	vadd.f32 v21, v23;
	[tilespmem:v8+s3+$0x0 ss:$0x1] =	vst.idx.msk $0xffff, v37  }
0x197: {  	v41 =	vor.u32 v0, v40;
	[tilespmem:v18+s9+$0x0] =	vst.idx.msk $0xffff, v20  }
0x198: {  	v24 =	vor.u32 $0x3, v41;
	v20 =	vsub.f32 $0.0e+00, v20;
	[tilespmem:v36+s9+$0x0] =	vst.idx.msk $0xffff, v21  }
0x199: {  	v42 =	vor.u32 $0x4, v41;
	v21 =	vsub.f32 $0.0e+00, v21;
	[tilespmem:v38+s9+$0x0] =	vst.idx.msk $0xffff, v22  }
0x19a: {  	[tilespmem:v18+s14+$0x0] =	vst.idx.msk $0xffff, v20  }
0x19b: {  	[tilespmem:v36+s14+$0x0] =	vst.idx.msk $0xffff, v21  }
0x19c: {  	[tilespmem:v38+s14+$0x0] =	vst.idx.msk $0xffff, v19  }
0x19d: {  	v18 =	vld.idx.msk [tilespmem:v24+s18+$0x0], $0xffff  }
0x19e: {  	v19 =	vld.idx.msk [tilespmem:v42+s18+$0x0], $0xffff  }
0x19f: {  	v20 =	vld.idx.msk [tilespmem:v24+s19+$0x0], $0xffff  }
0x1a0: {  	v21 =	vld.idx.msk [tilespmem:v42+s19+$0x0], $0xffff;
	_ =	sdelay $0x4  }
0x1a1: {  	v18 =	vsub.f32 v20, v18;
	v19 =	vsub.f32 v21, v19;
	_ =	sdelay $0x1  }
0x1a2: {  	v20 =	vmul.f32 v18, v18;
	v21 =	vmul.f32 v19, v19;
	_ =	sdelay $0x1  }
0x1a3: {  	v20 =	vadd.f32 v21, v20;
	_ =	sdelay $0x1  }
0x1a4: {  	v21 =	vshra.s32 v20, $0x1;
	v43 =	vmul.f32 $5.000000000e-01, v20  }
0x1a5: {  	v21 =	vsub.s32 $0x5F3759DF, v21  }
0x1a6: {  	v44 =	vmul.f32 v21, v43;
	_ =	sdelay $0x1  }
0x1a7: {  	v24 =	vmul.f32 v21, v44;
	_ =	sdelay $0x1  }
0x1a8: {  	v24 =	vsub.f32 $1.500000000e+00, v24;
	_ =	sdelay $0x1  }
0x1a9: {  	v21 =	vmul.f32 v21, v24;
	_ =	sdelay $0x1  }
0x1aa: {  	v45 =	vor.u32 $0x2, v41;
	v46 =	vmul.f32 v21, v43;
	_ =	sdelay $0x1  }
0x1ab: {  	s13 =	sshra.s32 s29, $0x2;
	v25 =	vmul.f32 v46, v21  }
0x1ac: {  	v47 =	vld.idx.msk [tilespmem:v16+s13+$0x0 ss:$0x1], $0xffff  }
0x1ad: {  	v48 =	vld.idx.msk [tilespmem:v17+s13+$0x0 ss:$0x1], $0xffff;
	v25 =	vsub.f32 $1.500000000e+00, v25  }
0x1ae: {  	v49 =	vld.idx.msk [tilespmem:v45+s18+$0x0], $0xffff  }
0x1af: {  	v50 =	vld.idx.msk [tilespmem:v15+s13+$0x0 ss:$0x1], $0xffff;
	v21 =	vmul.f32 v25, v21;
	_ =	sdelay $0x1  }
0x1b0: {  	v51 =	vor.u32 $0x1, v41;
	v24 =	vld.idx.msk [tilespmem:v45+s19+$0x0], $0xffff;
	v22 =	vmul.f32 v21, v43;
	_ =	sdelay $0x1  }
0x1b1: {  	v17 =	vmul.f32 v48, v47;
	v26 =	vsub.f32 $0.0e+00, v49;
	v22 =	vmul.f32 v22, v21  }
0x1b2: {  	v15 =	vmul.f32 v50, v47  }
0x1b3: {  	v53 =	vmul.f32 $4.000000000e+00, v26;
	v17 =	vmul.f32 v17, v2;
	v22 =	vsub.f32 $1.500000000e+00, v22  }
0x1b4: {  	v52 =	vld.idx.msk [tilespmem:v51+s18+$0x0], $0xffff;
	v55 =	vmul.f32 v15, v2;
	v56 =	vmul.f32 v15, v5;
	v24 =	vsub.f32 $0.0e+00, v24  }
0x1b5: {  	v54 =	vld.idx.msk [tilespmem:v41+s18+$0x0], $0xffff;
	v57 =	vmul.f32 v15, v4;
	v21 =	vmul.f32 v22, v21  }
0x1b6: {  	v23 =	vld.idx.msk [tilespmem:v41+s19+$0x0], $0xffff;
	v15 =	vmul.f32 v15, v3;
	v58 =	vmul.f32 $4.000000000e+00, v24  }
0x1b7: {  	v18 =	vmul.f32 v21, v18;
	v19 =	vmul.f32 v21, v19  }
0x1b8: {  	v25 =	vld.idx.msk [tilespmem:v51+s19+$0x0], $0xffff;
	v59 =	vmul.f32 v21, v21;
	v15 =	vmul.f32 v21, v15  }
0x1b9: {  	s4 =	sadd.s32 $0x10, s4;
	v20 =	vmul.f32 v21, v20;
	v17 =	vmul.f32 v21, v17  }
0x1ba: {  	v50 =	vmov s4;
	v60 =	vmul.f32 v18, v54;
	v61 =	vmul.f32 v19, v52  }
0x1bb: {  	v63 =	vadd.f32 v24, v26;
	v62 =	vmul.f32 v18, v23;
	v23 =	vmul.f32 v19, v23  }
0x1bc: {  	v24 =	vadd.f32 v24, v24;
	v16 =	vmul.f32 v18, v52;
	v28 =	vmul.f32 v19, v54  }
0x1bd: {  	v26 =	vadd.f32 v26, v26;
	v40 =	vmul.f32 v59, v21;
	v41 =	vmul.f32 v19, v25  }
0x1be: {  	v47 =	vadd.f32 v24, v53;
	v22 =	vmul.f32 v59, v57;
	v25 =	vmul.f32 v18, v25  }
0x1bf: {  	v30 =	vmul.f32 v59, v56;
	v33 =	vadd.f32 v61, v60;
	v43 =	vadd.f32 v41, v62  }
0x1c0: {  	v16 =	vsub.f32 v16, v28;
	v42 =	vmul.f32 v40, v55;
	v23 =	vsub.f32 v25, v23  }
0x1c1: {  	v52 =	vmul.f32 v15, v47;
	v22 =	vmul.f32 $6.000000000e+00, v22;
	v44 =	vsub.f32 v33, v43  }
0x1c2: {  	v46 =	vmul.f32 $6.000000000e+00, v30;
	v28 =	vmul.f32 $1.200000000e+01, v42;
	v16 =	vsub.f32 v16, v23  }
0x1c3: {  	v48 =	vadd.f32 v58, v26;
	v45 =	vmul.f32 v22, v63;
	v17 =	vmul.f32 v44, v17  }
0x1c4: {  	v53 =	vshll.u32 v50, $0x3;
	v49 =	vmul.f32 v16, v28;
	v51 =	vmul.f32 v16, v46  }
0x1c5: {  	[tilespmem:v14+s13+$0x0 ss:$0x1] =	vst.idx.msk $0xffff, v20;
	v15 =	vmul.f32 v15, v48;
	v20 =	vor.u32 v0, v53;
	v54 =	vsub.f32 $0.0e+00, v17  }
0x1c6: {  	[tilespmem:v13+s13+$0x0 ss:$0x1] =	vst.idx.msk $0xffff, v18;
	v21 =	vadd.f32 v49, v45;
	v16 =	vadd.f32 v51, v52  }
0x1c7: {  	v55 =	vmul.f32 v17, v18;
	v14 =	vadd.f32 v51, v15;
	v13 =	vmul.f32 v54, v6  }
0x1c8: {  	[tilespmem:v11+s13+$0x0 ss:$0x1] =	vst.idx.msk $0xffff, v19;
	v17 =	vmul.f32 v17, v19;
	v56 =	vsub.f32 $0.0e+00, v21;
	v57 =	vmul.f32 v16, v7  }
0x1c9: {  	v59 =	vor.u32 $0x1, v20;
	v19 =	vmul.f32 v21, v19;
	v58 =	vmul.f32 v14, v7;
	[tilespmem:v12+s13+$0x0 ss:$0x1] =	vst.idx.msk $0xffff, v13  }
0x1ca: {  	v61 =	vor.u32 $0x2, v20;
	v18 =	vmul.f32 v21, v18;
	v60 =	vmul.f32 v56, v6;
	[tilespmem:v10+s13+$0x0 ss:$0x1] =	vst.idx.msk $0xffff, v57  }
0x1cb: {  	v62 =	vsub.f32 v55, v19;
	[tilespmem:v9+s13+$0x0 ss:$0x1] =	vst.idx.msk $0xffff, v58  }
0x1cc: {  	v63 =	vadd.f32 v18, v17;
	[tilespmem:v8+s13+$0x0 ss:$0x1] =	vst.idx.msk $0xffff, v60  }
0x1cd: {  	[tilespmem:v20+s9+$0x0] =	vst.idx.msk $0xffff, v62  }
0x1ce: {  	v8 =	vsub.f32 $0.0e+00, v62;
	[tilespmem:v59+s9+$0x0] =	vst.idx.msk $0xffff, v63  }
0x1cf: {  	v9 =	vsub.f32 $0.0e+00, v63;
	[tilespmem:v61+s9+$0x0] =	vst.idx.msk $0xffff, v16  }
0x1d0: {  	[tilespmem:v20+s14+$0x0] =	vst.idx.msk $0xffff, v8  }
0x1d1: {  	s20 =	sshrl.u32 s17, $0x3;
	s28 =	rddreg [dreg:$0x6];
	[tilespmem:v59+s14+$0x0] =	vst.idx.msk $0xffff, v9  }
0x1d2: {  	s12 =	simm.s32 $0x0;
	s29 =	rddreg [dreg:$0x7];
	s4 =	sadd.s32 s28, s20;
	[tilespmem:v61+s14+$0x0] =	vst.idx.msk $0xffff, v14  }
0x1d3: {  	[hbm4b:s4+s12] =	stream.linear.scatter [tilespmem:s7], [sflag:$0x4], $0x190, $0x38;
	[tilespmem:$0x1A610] =	vst v63  }
0x1d4: {  	s4 =	sadd.s32 s29, s20  }
0x1d5: {  	[hbm4b:s4+s12] =	stream.linear.scatter [tilespmem:s6], [sflag:$0x4], $0x190, $0x38;
	[tilespmem:$0x1A610] =	vst v63  }
0x1d6: {  	s6 =	rddreg [dreg:$0x8]  }
0x1d7: {  	s7 =	rddreg [dreg:$0x9];
	s4 =	sadd.s32 s6, s20  }
0x1d8: {  	[hbm4b:s4+s12] =	stream.linear.scatter [tilespmem:s5], [sflag:$0x4], $0x190, $0x38;
	[tilespmem:$0x1A610] =	vst v63  }
0x1d9: {  	s17 =	rddreg [dreg:$0xc];
	s4 =	sadd.s32 s7, s20  }
0x1da: {  	[hbm4b:s4+s12] =	stream.linear.scatter [tilespmem:s10], [sflag:$0x4], $0x190, $0x38;
	[tilespmem:$0x1A610] =	vst v63  }
0x1db: {  	s10 =	rddreg [dreg:$0xa]  }
0x1dc: {  	s13 =	rddreg [dreg:$0xb];
	s4 =	sadd.s32 s10, s20  }
0x1dd: {  	[hbm4b:s4+s12] =	stream.linear.scatter [tilespmem:s8], [sflag:$0x4], $0x190, $0x38;
	[tilespmem:$0x1A610] =	vst v63  }
0x1de: {  	s3 =	sadd.s32 s17, s20;
	s4 =	sadd.s32 s13, s20;
	s20 =	sld [smem:$0x7F4]  }
0x1df: {  	[hbm4b:s4+s12] =	stream.linear.scatter [tilespmem:s16], [sflag:$0x4], $0x190, $0x38;
	[tilespmem:$0x1A610] =	vst v63  }
0x1e0: {  	_ = 	snop  }
0x1e1: {  	[hbm4b:s3+s12] =	stream.linear.scatter [tilespmem:s11], [sflag:$0x4], $0x190, $0x38;
	[tilespmem:$0x1A610] =	vst v63  }
0x1e2: {  	s4 =	smul.u32 $0x1A0, s20;
	s3 =	sshll.u32 s21, $0x3  }
0x1e3: {  	s11 =	rddreg [dreg:$0xd];
	s21 =	sadd.s32 $0x78B0, s3  }
0x1e4: {  	[spmem:s11] =	stream.indirect.scatter.add.f32 [tilespmem:s21], [sflag:$0x5], $0x8, s4, s30, $0xb8;
	[tilespmem:$0x1A610] =	vst v63  }
0x1e5: {  	s28 =	sadd.s32 $0x91B0, s3;
	s29 =	sadd.s32 $0x4E0, s4  }
0x1e6: {  	[spmem:s11] =	stream.indirect.scatter.add.f32 [tilespmem:s28], [sflag:$0x5], $0x8, s29, s30, $0xb8;
	[tilespmem:$0x1A610] =	vst v63  }
0x1e7: {  	s7 =	sadd.s32 $0x7BD0, s3;
	s8 =	sadd.s32 $0x68, s4  }
0x1e8: {  	[spmem:s11] =	stream.indirect.scatter.add.f32 [tilespmem:s7], [sflag:$0x5], $0x8, s8, s30, $0xb8;
	[tilespmem:$0x1A610] =	vst v63  }
0x1e9: {  	s10 =	sadd.s32 $0x94D0, s3;
	s13 =	sadd.s32 $0x548, s4  }
0x1ea: {  	[spmem:s11] =	stream.indirect.scatter.add.f32 [tilespmem:s10], [sflag:$0x5], $0x8, s13, s30, $0xb8;
	[tilespmem:$0x1A610] =	vst v63  }
0x1eb: {  	s16 =	sadd.s32 $0x7EF0, s3;
	s17 =	sadd.s32 $0xD0, s4  }
0x1ec: {  	[spmem:s11] =	stream.indirect.scatter.add.f32 [tilespmem:s16], [sflag:$0x5], $0x8, s17, s30, $0xb8;
	[tilespmem:$0x1A610] =	vst v63  }
0x1ed: {  	s20 =	sadd.s32 $0x97F0, s3;
	s21 =	sadd.s32 $0x5B0, s4  }
0x1ee: {  	[spmem:s11] =	stream.indirect.scatter.add.f32 [tilespmem:s20], [sflag:$0x5], $0x8, s21, s30, $0xb8;
	[tilespmem:$0x1A610] =	vst v63  }
0x1ef: {  	s28 =	sadd.s32 $0x8210, s3;
	s29 =	sadd.s32 $0x138, s4  }
0x1f0: {  	[spmem:s11] =	stream.indirect.scatter.add.f32 [tilespmem:s28], [sflag:$0x5], $0x8, s29, s30, $0xb8;
	[tilespmem:$0x1A610] =	vst v63  }
0x1f1: {  	s3 =	sadd.s32 $0x9B10, s3;
	s4 =	sadd.s32 $0x618, s4  }
0x1f2: {  	[spmem:s11] =	stream.indirect.scatter.add.f32 [tilespmem:s3], [sflag:$0x5], $0x8, s4, s30, $0xb8;
	[tilespmem:$0x1A610] =	vst v63  }
0x1f3: {  	s3 =	simm.s32 @p0 $0x1  }
0x1f4: {  	_ =	swait.ge @p0 [sflag:s3], $0x1A0  }
0x1f5: {  	[sflag:s3] =	ssyncset.done @p0 $0x0  }
0x1f6: {  	[sflag:s3] =	ssyncadd.s32 @p0 $0xFFFFFE60  }
0x1f7: {  	_ =	swait.ge @p0 [sflag:s3], $0x1A0  }
0x1f8: {  	[sflag:s3] =	ssyncset.done @p0 $0x0  }
0x1f9: {  	[sflag:s3] =	ssyncadd.s32 @p0 $0xFFFFFE60  }
0x1fa: {  	s4 =	smulhi.u32 @p0 $0xAAAAAAAB, s26;
	_ =	swait.ge @p0 [sflag:s3], $0x190  }
0x1fb: {  	[sflag:s3] =	ssyncset.done @p0 $0x0  }
0x1fc: {  	s4 =	sshrl.u32 @p0 s4, $0x1;
	[sflag:s3] =	ssyncadd.s32 @p0 $0xFFFFFE70  }
0x1fd: {  	s4 =	smul.u32 @p0 $0x3, s4;
	_ =	swait.ge @p0 [sflag:s3], $0x190  }
0x1fe: {  	[sflag:s3] =	ssyncset.done @p0 $0x0  }
0x1ff: {  	s4 =	ssub.s32 @p0 s26, s4;
	[sflag:s3] =	ssyncadd.s32 @p0 $0xFFFFFE70  }
0x200: {  	s5 =	smul.u32 @p0 $0xC80, s4;
	_ =	swait.ge @p0 [sflag:s3], $0x190  }
0x201: {  	s4 =	smul.u32 @p0 $0x1A0, s4;
	[sflag:s3] =	ssyncset.done @p0 $0x0  }
0x202: {  	s6 =	simm.s32 @p0 $0x64;
	[sflag:s3] =	ssyncadd.s32 @p0 $0xFFFFFE70;
	s3 =	sadd.s32 @p0 $0x9C0, s5  }
0x203: {  	[tilespmem:s3], [sflag:$0x2] =	stream.indirect.gather @p0 [hbm4b:s15+s6], $0x8, s4, s6, $0xb8;
	[tilespmem:$0x1A610] =	vst v63  }
0x204: {  	s7 =	sadd.s32 @p0 $0x4E0, s4;
	s3 =	sadd.s32 @p0 $0x2F40, s5  }
0x205: {  	[tilespmem:s3], [sflag:$0x3] =	stream.indirect.gather @p0 [hbm4b:s15+s6], $0x8, s7, s6, $0xb8;
	[tilespmem:$0x1A610] =	vst v63  }
0x206: {  	s3 =	sadd.s32 @p0 $0xCE0, s5;
	s7 =	sadd.s32 @p0 $0x68, s4  }
0x207: {  	[tilespmem:s3], [sflag:$0x2] =	stream.indirect.gather @p0 [hbm4b:s15+s6], $0x8, s7, s6, $0xb8;
	[tilespmem:$0x1A610] =	vst v63  }
0x208: {  	s3 =	sadd.s32 @p0 $0x3260, s5;
	s7 =	sadd.s32 @p0 $0x548, s4  }
0x209: {  	[tilespmem:s3], [sflag:$0x3] =	stream.indirect.gather @p0 [hbm4b:s15+s6], $0x8, s7, s6, $0xb8;
	[tilespmem:$0x1A610] =	vst v63  }
0x20a: {  	s3 =	sadd.s32 @p0 $0x1000, s5;
	s7 =	sadd.s32 @p0 $0xD0, s4  }
0x20b: {  	[tilespmem:s3], [sflag:$0x2] =	stream.indirect.gather @p0 [hbm4b:s15+s6], $0x8, s7, s6, $0xb8;
	[tilespmem:$0x1A610] =	vst v63  }
0x20c: {  	s3 =	sadd.s32 @p0 $0x3580, s5;
	s7 =	sadd.s32 @p0 $0x5B0, s4  }
0x20d: {  	[tilespmem:s3], [sflag:$0x3] =	stream.indirect.gather @p0 [hbm4b:s15+s6], $0x8, s7, s6, $0xb8;
	[tilespmem:$0x1A610] =	vst v63  }
0x20e: {  	s3 =	sadd.s32 @p0 $0x1320, s5;
	s7 =	sadd.s32 @p0 $0x138, s4  }
0x20f: {  	[tilespmem:s3], [sflag:$0x2] =	stream.indirect.gather @p0 [hbm4b:s15+s6], $0x8, s7, s6, $0xb8;
	[tilespmem:$0x1A610] =	vst v63  }
0x210: {  	s23 =	sadd.s32 $0x1, s23;
	s4 =	sadd.s32 @p0 $0x618, s4;
	s3 =	sadd.s32 @p0 $0x38A0, s5  }
0x211: {  	[tilespmem:s3], [sflag:$0x3] =	stream.indirect.gather @p0 [hbm4b:s15+s6], $0x8, s4, s6, $0xb8;
	[tilespmem:$0x1A610] =	vst v63  }
0x212: {  	p0 =	sne.s32 s23, $0xFA  }
.Ltmp5:
0x213: {  	_ = 	snop;
	(pc) =	sbr.rel @p0 .LBB3_8-.Ltmp5, $3  }
0x214: {  	_ =	sdelay $0x1  }
0x215: {  	s0 =	sadd.s32 $0x190, s0;
	s1 =	sadd.s32 $0x190, s1  }
0x216: {  	s2 =	sadd.s32 $0x190, s2;
	s22 =	sadd.s32 $0x190, s22;
	s16 =	rddreg [dreg:$0x13]  }
0x217: {  	s0 =	simm.s32 $0x4  }
0x218: {  	_ =	swait.ge [sflag:s0], $0x190  }
0x219: {  	[sflag:s0] =	ssyncset.done $0x0  }
0x21a: {  	[sflag:s0] =	ssyncadd.s32 $0xFFFFFE70  }
0x21b: {  	_ =	swait.ge [sflag:s0], $0x190  }
0x21c: {  	[sflag:s0] =	ssyncset.done $0x0  }
0x21d: {  	[sflag:s0] =	ssyncadd.s32 $0xFFFFFE70  }
0x21e: {  	_ =	swait.ge [sflag:s0], $0x190  }
0x21f: {  	[sflag:s0] =	ssyncset.done $0x0  }
0x220: {  	[sflag:s0] =	ssyncadd.s32 $0xFFFFFE70  }
0x221: {  	_ =	swait.ge [sflag:s0], $0x190  }
0x222: {  	[sflag:s0] =	ssyncset.done $0x0  }
0x223: {  	[sflag:s0] =	ssyncadd.s32 $0xFFFFFE70  }
0x224: {  	_ =	swait.ge [sflag:s0], $0x190  }
0x225: {  	[sflag:s0] =	ssyncset.done $0x0  }
0x226: {  	[sflag:s0] =	ssyncadd.s32 $0xFFFFFE70  }
0x227: {  	_ =	swait.ge [sflag:s0], $0x190  }
0x228: {  	[sflag:s0] =	ssyncset.done $0x0  }
0x229: {  	[sflag:s0] =	ssyncadd.s32 $0xFFFFFE70  }
0x22a: {  	_ =	swait.ge [sflag:s0], $0x190  }
0x22b: {  	[sflag:s0] =	ssyncset.done $0x0  }
0x22c: {  	[sflag:s0] =	ssyncadd.s32 $0xFFFFFE70  }
0x22d: {  	_ =	swait.ge [sflag:s31], $0x320  }
0x22e: {  	[sflag:s31] =	ssyncset.done $0x0  }
0x22f: {  	[sflag:s31] =	ssyncadd.s32 $0xFFFFFCE0  }
0x230: {  	_ =	swait.ge [sflag:s31], $0x320  }
0x231: {  	[sflag:s31] =	ssyncset.done $0x0  }
0x232: {  	[sflag:s31] =	ssyncadd.s32 $0xFFFFFCE0  }
0x233: {  	_ =	swait.ge [sflag:s31], $0x320  }
0x234: {  	[sflag:s31] =	ssyncset.done $0x0  }
0x235: {  	[sflag:s31] =	ssyncadd.s32 $0xFFFFFCE0  }
0x236: {  	_ =	swait.ge [sflag:s31], $0x320  }
0x237: {  	[sflag:s31] =	ssyncset.done $0x0  }
0x238: {  	[sflag:s31] =	ssyncadd.s32 $0xFFFFFCE0  }
0x239: {  	_ =	swait.ge [sflag:s31], $0x320  }
0x23a: {  	[sflag:s31] =	ssyncset.done $0x0  }
0x23b: {  	[sflag:s31] =	ssyncadd.s32 $0xFFFFFCE0  }
0x23c: {  	_ =	swait.ge [sflag:s31], $0x320  }
0x23d: {  	[sflag:s31] =	ssyncset.done $0x0  }
0x23e: {  	[sflag:s31] =	ssyncadd.s32 $0xFFFFFCE0  }
0x23f: {  	_ =	swait.ge [sflag:s31], $0x320  }
0x240: {  	[sflag:s31] =	ssyncset.done $0x0  }
0x241: {  	[sflag:s31] =	ssyncadd.s32 $0xFFFFFCE0  }
0x242: {  	_ =	swait.ge [sflag:s31], $0x320  }
0x243: {  	[sflag:s31] =	ssyncset.done $0x0  }
0x244: {  	[sflag:s31] =	ssyncadd.s32 $0xFFFFFCE0  }
0x245: {  	s2 =	simm.s32 $0xAB10;
	s1 =	simm.s32 $0xC410;
	[bflag:$0x0] =	sbarrier.arrive $0xFFFF  }
0x246: {  	[tilespmem:s2], [sflag:$0x5] =	stream.indirect.gather [spmem:s11], $0x8, s1, s30, $0xb8;
	[tilespmem:$0x1A610] =	vst v63  }
0x247: {  	s20 =	simm.s32 $0xC478;
	s4 =	simm.s32 $0xAE30  }
0x248: {  	[tilespmem:s4], [sflag:$0x5] =	stream.indirect.gather [spmem:s11], $0x8, s20, s30, $0xb8;
	[tilespmem:$0x1A610] =	vst v63  }
0x249: {  	s21 =	simm.s32 $0xC4E0;
	s5 =	simm.s32 $0xB150  }
0x24a: {  	[tilespmem:s5], [sflag:$0x5] =	stream.indirect.gather [spmem:s11], $0x8, s21, s30, $0xb8;
	[tilespmem:$0x1A610] =	vst v63  }
0x24b: {  	s22 =	simm.s32 $0xC548;
	s6 =	simm.s32 $0xB470  }
0x24c: {  	[tilespmem:s6], [sflag:$0x5] =	stream.indirect.gather [spmem:s11], $0x8, s22, s30, $0xb8;
	[tilespmem:$0x1A610] =	vst v63  }
0x24d: {  	s23 =	simm.s32 $0xC5B0;
	s7 =	simm.s32 $0xB790  }
0x24e: {  	[tilespmem:s7], [sflag:$0x5] =	stream.indirect.gather [spmem:s11], $0x8, s23, s30, $0xb8;
	[tilespmem:$0x1A610] =	vst v63  }
0x24f: {  	s26 =	simm.s32 $0xC618;
	s8 =	simm.s32 $0xBAB0  }
0x250: {  	[tilespmem:s8], [sflag:$0x5] =	stream.indirect.gather [spmem:s11], $0x8, s26, s30, $0xb8;
	[tilespmem:$0x1A610] =	vst v63  }
0x251: {  	s28 =	simm.s32 $0xC680;
	s10 =	simm.s32 $0xBDD0  }
0x252: {  	[tilespmem:s10], [sflag:$0x5] =	stream.indirect.gather [spmem:s11], $0x8, s28, s30, $0xb8;
	[tilespmem:$0x1A610] =	vst v63  }
0x253: {  	s29 =	simm.s32 $0xC6E8;
	s13 =	simm.s32 $0xC0F0  }
0x254: {  	[tilespmem:s13], [sflag:$0x5] =	stream.indirect.gather [spmem:s11], $0x8, s29, s30, $0xb8;
	[tilespmem:$0x1A610] =	vst v63  }
0x255: {  	_ =	swait.ge [sflag:s31], $0x320  }
0x256: {  	[sflag:s31] =	ssyncset.done $0x0  }
0x257: {  	[sflag:s31] =	ssyncadd.s32 $0xFFFFFCE0  }
0x258: {  	_ =	swait.ge [sflag:s31], $0x320  }
0x259: {  	[sflag:s31] =	ssyncset.done $0x0  }
0x25a: {  	[sflag:s31] =	ssyncadd.s32 $0xFFFFFCE0  }
0x25b: {  	_ =	swait.ge [sflag:s31], $0x320  }
0x25c: {  	[sflag:s31] =	ssyncset.done $0x0  }
0x25d: {  	[sflag:s31] =	ssyncadd.s32 $0xFFFFFCE0  }
0x25e: {  	_ =	swait.ge [sflag:s31], $0x320  }
0x25f: {  	[sflag:s31] =	ssyncset.done $0x0  }
0x260: {  	[sflag:s31] =	ssyncadd.s32 $0xFFFFFCE0  }
0x261: {  	_ =	swait.ge [sflag:s31], $0x320  }
0x262: {  	[sflag:s31] =	ssyncset.done $0x0  }
0x263: {  	[sflag:s31] =	ssyncadd.s32 $0xFFFFFCE0  }
0x264: {  	_ =	swait.ge [sflag:s31], $0x320  }
0x265: {  	[sflag:s31] =	ssyncset.done $0x0  }
0x266: {  	[sflag:s31] =	ssyncadd.s32 $0xFFFFFCE0  }
0x267: {  	_ =	swait.ge [sflag:s31], $0x320  }
0x268: {  	[sflag:s31] =	ssyncset.done $0x0  }
0x269: {  	[sflag:s31] =	ssyncadd.s32 $0xFFFFFCE0  }
0x26a: {  	_ =	swait.ge [sflag:s31], $0x320  }
0x26b: {  	[sflag:s31] =	ssyncset.done $0x0  }
0x26c: {  	s3 =	rddreg [dreg:$0x1f];
	[sflag:s31] =	ssyncadd.s32 $0xFFFFFCE0  }
0x26d: {  	[hbm4b:s3+s12] =	stream.linear.scatter [tilespmem:s2], [sflag:$0x6], $0x1900, $0x38;
	[tilespmem:$0x1A610] =	vst v63  }
0x26e: {  	s3 =	simm.s32 $0x6  }
0x26f: {  	_ =	swait.ge [sflag:s3], $0x1900  }
0x270: {  	[sflag:s3] =	ssyncset.done $0x0  }
0x271: {  	s17 =	simm.s32 $0xC750;
	[sflag:s3] =	ssyncadd.s32 $0xFFFFE700  }
0x272: {  	[tilespmem:s2], [sflag:$0x5] =	stream.indirect.gather [spmem:s11], $0x8, s17, s30, $0xb8;
	[tilespmem:$0x1A610] =	vst v63  }
0x273: {  	s20 =	simm.s32 $0xC7B8  }
0x274: {  	[tilespmem:s4], [sflag:$0x5] =	stream.indirect.gather [spmem:s11], $0x8, s20, s30, $0xb8;
	[tilespmem:$0x1A610] =	vst v63  }
0x275: {  	s21 =	simm.s32 $0xC820  }
0x276: {  	[tilespmem:s5], [sflag:$0x5] =	stream.indirect.gather [spmem:s11], $0x8, s21, s30, $0xb8;
	[tilespmem:$0x1A610] =	vst v63  }
0x277: {  	s22 =	simm.s32 $0xC888  }
0x278: {  	[tilespmem:s6], [sflag:$0x5] =	stream.indirect.gather [spmem:s11], $0x8, s22, s30, $0xb8;
	[tilespmem:$0x1A610] =	vst v63  }
0x279: {  	s23 =	simm.s32 $0xC8F0  }
0x27a: {  	[tilespmem:s7], [sflag:$0x5] =	stream.indirect.gather [spmem:s11], $0x8, s23, s30, $0xb8;
	[tilespmem:$0x1A610] =	vst v63  }
0x27b: {  	s26 =	simm.s32 $0xC958  }
0x27c: {  	[tilespmem:s8], [sflag:$0x5] =	stream.indirect.gather [spmem:s11], $0x8, s26, s30, $0xb8;
	[tilespmem:$0x1A610] =	vst v63  }
0x27d: {  	s28 =	simm.s32 $0xC9C0  }
0x27e: {  	[tilespmem:s10], [sflag:$0x5] =	stream.indirect.gather [spmem:s11], $0x8, s28, s30, $0xb8;
	[tilespmem:$0x1A610] =	vst v63  }
0x27f: {  	s29 =	simm.s32 $0xCA28  }
0x280: {  	[tilespmem:s13], [sflag:$0x5] =	stream.indirect.gather [spmem:s11], $0x8, s29, s30, $0xb8;
	[tilespmem:$0x1A610] =	vst v63  }
0x281: {  	_ =	swait.ge [sflag:s31], $0x320  }
0x282: {  	[sflag:s31] =	ssyncset.done $0x0  }
0x283: {  	[sflag:s31] =	ssyncadd.s32 $0xFFFFFCE0  }
0x284: {  	_ =	swait.ge [sflag:s31], $0x320  }
0x285: {  	[sflag:s31] =	ssyncset.done $0x0  }
0x286: {  	[sflag:s31] =	ssyncadd.s32 $0xFFFFFCE0  }
0x287: {  	_ =	swait.ge [sflag:s31], $0x320  }
0x288: {  	[sflag:s31] =	ssyncset.done $0x0  }
0x289: {  	[sflag:s31] =	ssyncadd.s32 $0xFFFFFCE0  }
0x28a: {  	_ =	swait.ge [sflag:s31], $0x320  }
0x28b: {  	[sflag:s31] =	ssyncset.done $0x0  }
0x28c: {  	[sflag:s31] =	ssyncadd.s32 $0xFFFFFCE0  }
0x28d: {  	_ =	swait.ge [sflag:s31], $0x320  }
0x28e: {  	[sflag:s31] =	ssyncset.done $0x0  }
0x28f: {  	[sflag:s31] =	ssyncadd.s32 $0xFFFFFCE0  }
0x290: {  	_ =	swait.ge [sflag:s31], $0x320  }
0x291: {  	[sflag:s31] =	ssyncset.done $0x0  }
0x292: {  	[sflag:s31] =	ssyncadd.s32 $0xFFFFFCE0  }
0x293: {  	_ =	swait.ge [sflag:s31], $0x320  }
0x294: {  	[sflag:s31] =	ssyncset.done $0x0  }
0x295: {  	[sflag:s31] =	ssyncadd.s32 $0xFFFFFCE0  }
0x296: {  	_ =	swait.ge [sflag:s31], $0x320  }
0x297: {  	s17 =	sld [smem:$0x7F6]  }
0x298: {  	[sflag:s31] =	ssyncset.done $0x0  }
0x299: {  	[sflag:s31] =	ssyncadd.s32 $0xFFFFFCE0  }
0x29a: {  	[hbm4b:s17+s12] =	stream.linear.scatter [tilespmem:s2], [sflag:$0x6], $0x1900, $0x38;
	[tilespmem:$0x1A610] =	vst v63  }
0x29b: {  	_ =	swait.ge [sflag:s3], $0x1900  }
0x29c: {  	[sflag:s3] =	ssyncset.done $0x0  }
0x29d: {  	s20 =	simm.s32 $0xCA90;
	[sflag:s3] =	ssyncadd.s32 $0xFFFFE700  }
0x29e: {  	[tilespmem:s2], [sflag:$0x5] =	stream.indirect.gather [spmem:s11], $0x8, s20, s30, $0xb8;
	[tilespmem:$0x1A610] =	vst v63  }
0x29f: {  	s21 =	simm.s32 $0xCAF8  }
0x2a0: {  	[tilespmem:s4], [sflag:$0x5] =	stream.indirect.gather [spmem:s11], $0x8, s21, s30, $0xb8;
	[tilespmem:$0x1A610] =	vst v63  }
0x2a1: {  	s22 =	simm.s32 $0xCB60  }
0x2a2: {  	[tilespmem:s5], [sflag:$0x5] =	stream.indirect.gather [spmem:s11], $0x8, s22, s30, $0xb8;
	[tilespmem:$0x1A610] =	vst v63  }
0x2a3: {  	s23 =	simm.s32 $0xCBC8  }
0x2a4: {  	[tilespmem:s6], [sflag:$0x5] =	stream.indirect.gather [spmem:s11], $0x8, s23, s30, $0xb8;
	[tilespmem:$0x1A610] =	vst v63  }
0x2a5: {  	s26 =	simm.s32 $0xCC30  }
0x2a6: {  	[tilespmem:s7], [sflag:$0x5] =	stream.indirect.gather [spmem:s11], $0x8, s26, s30, $0xb8;
	[tilespmem:$0x1A610] =	vst v63  }
0x2a7: {  	s28 =	simm.s32 $0xCC98  }
0x2a8: {  	[tilespmem:s8], [sflag:$0x5] =	stream.indirect.gather [spmem:s11], $0x8, s28, s30, $0xb8;
	[tilespmem:$0x1A610] =	vst v63  }
0x2a9: {  	s29 =	simm.s32 $0xCD00  }
0x2aa: {  	[tilespmem:s10], [sflag:$0x5] =	stream.indirect.gather [spmem:s11], $0x8, s29, s30, $0xb8;
	[tilespmem:$0x1A610] =	vst v63  }
0x2ab: {  	s17 =	simm.s32 $0xCD68  }
0x2ac: {  	[tilespmem:s13], [sflag:$0x5] =	stream.indirect.gather [spmem:s11], $0x8, s17, s30, $0xb8;
	[tilespmem:$0x1A610] =	vst v63  }
0x2ad: {  	_ =	swait.ge [sflag:s31], $0x320  }
0x2ae: {  	[sflag:s31] =	ssyncset.done $0x0  }
0x2af: {  	[sflag:s31] =	ssyncadd.s32 $0xFFFFFCE0  }
0x2b0: {  	_ =	swait.ge [sflag:s31], $0x320  }
0x2b1: {  	[sflag:s31] =	ssyncset.done $0x0  }
0x2b2: {  	[sflag:s31] =	ssyncadd.s32 $0xFFFFFCE0  }
0x2b3: {  	_ =	swait.ge [sflag:s31], $0x320  }
0x2b4: {  	[sflag:s31] =	ssyncset.done $0x0  }
0x2b5: {  	[sflag:s31] =	ssyncadd.s32 $0xFFFFFCE0  }
0x2b6: {  	_ =	swait.ge [sflag:s31], $0x320  }
0x2b7: {  	[sflag:s31] =	ssyncset.done $0x0  }
0x2b8: {  	[sflag:s31] =	ssyncadd.s32 $0xFFFFFCE0  }
0x2b9: {  	_ =	swait.ge [sflag:s31], $0x320  }
0x2ba: {  	[sflag:s31] =	ssyncset.done $0x0  }
0x2bb: {  	[sflag:s31] =	ssyncadd.s32 $0xFFFFFCE0  }
0x2bc: {  	_ =	swait.ge [sflag:s31], $0x320  }
0x2bd: {  	[sflag:s31] =	ssyncset.done $0x0  }
0x2be: {  	[sflag:s31] =	ssyncadd.s32 $0xFFFFFCE0  }
0x2bf: {  	_ =	swait.ge [sflag:s31], $0x320  }
0x2c0: {  	[sflag:s31] =	ssyncset.done $0x0  }
0x2c1: {  	[sflag:s31] =	ssyncadd.s32 $0xFFFFFCE0  }
0x2c2: {  	_ =	swait.ge [sflag:s31], $0x320  }
0x2c3: {  	s20 =	sld [smem:$0x7F7]  }
0x2c4: {  	[sflag:s31] =	ssyncset.done $0x0  }
0x2c5: {  	[sflag:s31] =	ssyncadd.s32 $0xFFFFFCE0  }
0x2c6: {  	[hbm4b:s20+s12] =	stream.linear.scatter [tilespmem:s2], [sflag:$0x6], $0x1900, $0x38;
	[tilespmem:$0x1A610] =	vst v63  }
0x2c7: {  	_ =	swait.ge [sflag:s3], $0x1900  }
0x2c8: {  	[sflag:s3] =	ssyncset.done $0x0  }
0x2c9: {  	s21 =	simm.s32 $0xCDD0;
	[sflag:s3] =	ssyncadd.s32 $0xFFFFE700  }
0x2ca: {  	[tilespmem:s2], [sflag:$0x5] =	stream.indirect.gather [spmem:s11], $0x8, s21, s30, $0xb8;
	[tilespmem:$0x1A610] =	vst v63  }
0x2cb: {  	s22 =	simm.s32 $0xCE38  }
0x2cc: {  	[tilespmem:s4], [sflag:$0x5] =	stream.indirect.gather [spmem:s11], $0x8, s22, s30, $0xb8;
	[tilespmem:$0x1A610] =	vst v63  }
0x2cd: {  	s23 =	simm.s32 $0xCEA0  }
0x2ce: {  	[tilespmem:s5], [sflag:$0x5] =	stream.indirect.gather [spmem:s11], $0x8, s23, s30, $0xb8;
	[tilespmem:$0x1A610] =	vst v63  }
0x2cf: {  	s26 =	simm.s32 $0xCF08  }
0x2d0: {  	[tilespmem:s6], [sflag:$0x5] =	stream.indirect.gather [spmem:s11], $0x8, s26, s30, $0xb8;
	[tilespmem:$0x1A610] =	vst v63  }
0x2d1: {  	s28 =	simm.s32 $0xCF70  }
0x2d2: {  	[tilespmem:s7], [sflag:$0x5] =	stream.indirect.gather [spmem:s11], $0x8, s28, s30, $0xb8;
	[tilespmem:$0x1A610] =	vst v63  }
0x2d3: {  	s29 =	simm.s32 $0xCFD8  }
0x2d4: {  	[tilespmem:s8], [sflag:$0x5] =	stream.indirect.gather [spmem:s11], $0x8, s29, s30, $0xb8;
	[tilespmem:$0x1A610] =	vst v63  }
0x2d5: {  	s17 =	simm.s32 $0xD040  }
0x2d6: {  	[tilespmem:s10], [sflag:$0x5] =	stream.indirect.gather [spmem:s11], $0x8, s17, s30, $0xb8;
	[tilespmem:$0x1A610] =	vst v63  }
0x2d7: {  	s20 =	simm.s32 $0xD0A8  }
0x2d8: {  	[tilespmem:s13], [sflag:$0x5] =	stream.indirect.gather [spmem:s11], $0x8, s20, s30, $0xb8;
	[tilespmem:$0x1A610] =	vst v63  }
0x2d9: {  	_ =	swait.ge [sflag:s31], $0x320  }
0x2da: {  	[sflag:s31] =	ssyncset.done $0x0  }
0x2db: {  	[sflag:s31] =	ssyncadd.s32 $0xFFFFFCE0  }
0x2dc: {  	_ =	swait.ge [sflag:s31], $0x320  }
0x2dd: {  	[sflag:s31] =	ssyncset.done $0x0  }
0x2de: {  	[sflag:s31] =	ssyncadd.s32 $0xFFFFFCE0  }
0x2df: {  	_ =	swait.ge [sflag:s31], $0x320  }
0x2e0: {  	[sflag:s31] =	ssyncset.done $0x0  }
0x2e1: {  	[sflag:s31] =	ssyncadd.s32 $0xFFFFFCE0  }
0x2e2: {  	_ =	swait.ge [sflag:s31], $0x320  }
0x2e3: {  	[sflag:s31] =	ssyncset.done $0x0  }
0x2e4: {  	[sflag:s31] =	ssyncadd.s32 $0xFFFFFCE0  }
0x2e5: {  	_ =	swait.ge [sflag:s31], $0x320  }
0x2e6: {  	[sflag:s31] =	ssyncset.done $0x0  }
0x2e7: {  	[sflag:s31] =	ssyncadd.s32 $0xFFFFFCE0  }
0x2e8: {  	_ =	swait.ge [sflag:s31], $0x320  }
0x2e9: {  	[sflag:s31] =	ssyncset.done $0x0  }
0x2ea: {  	[sflag:s31] =	ssyncadd.s32 $0xFFFFFCE0  }
0x2eb: {  	_ =	swait.ge [sflag:s31], $0x320  }
0x2ec: {  	[sflag:s31] =	ssyncset.done $0x0  }
0x2ed: {  	[sflag:s31] =	ssyncadd.s32 $0xFFFFFCE0  }
0x2ee: {  	_ =	swait.ge [sflag:s31], $0x320  }
0x2ef: {  	s21 =	sld [smem:$0x7F8]  }
0x2f0: {  	[sflag:s31] =	ssyncset.done $0x0  }
0x2f1: {  	[sflag:s31] =	ssyncadd.s32 $0xFFFFFCE0  }
0x2f2: {  	[hbm4b:s21+s12] =	stream.linear.scatter [tilespmem:s2], [sflag:$0x6], $0x1900, $0x38;
	[tilespmem:$0x1A610] =	vst v63  }
0x2f3: {  	_ =	swait.ge [sflag:s3], $0x1900  }
0x2f4: {  	[sflag:s3] =	ssyncset.done $0x0  }
0x2f5: {  	s22 =	simm.s32 $0xD110;
	[sflag:s3] =	ssyncadd.s32 $0xFFFFE700  }
0x2f6: {  	[tilespmem:s2], [sflag:$0x5] =	stream.indirect.gather [spmem:s11], $0x8, s22, s30, $0xb8;
	[tilespmem:$0x1A610] =	vst v63  }
0x2f7: {  	s23 =	simm.s32 $0xD178  }
0x2f8: {  	[tilespmem:s4], [sflag:$0x5] =	stream.indirect.gather [spmem:s11], $0x8, s23, s30, $0xb8;
	[tilespmem:$0x1A610] =	vst v63  }
0x2f9: {  	s26 =	simm.s32 $0xD1E0  }
0x2fa: {  	[tilespmem:s5], [sflag:$0x5] =	stream.indirect.gather [spmem:s11], $0x8, s26, s30, $0xb8;
	[tilespmem:$0x1A610] =	vst v63  }
0x2fb: {  	s28 =	simm.s32 $0xD248  }
0x2fc: {  	[tilespmem:s6], [sflag:$0x5] =	stream.indirect.gather [spmem:s11], $0x8, s28, s30, $0xb8;
	[tilespmem:$0x1A610] =	vst v63  }
0x2fd: {  	s29 =	simm.s32 $0xD2B0  }
0x2fe: {  	[tilespmem:s7], [sflag:$0x5] =	stream.indirect.gather [spmem:s11], $0x8, s29, s30, $0xb8;
	[tilespmem:$0x1A610] =	vst v63  }
0x2ff: {  	s17 =	simm.s32 $0xD318  }
0x300: {  	[tilespmem:s8], [sflag:$0x5] =	stream.indirect.gather [spmem:s11], $0x8, s17, s30, $0xb8;
	[tilespmem:$0x1A610] =	vst v63  }
0x301: {  	s20 =	simm.s32 $0xD380  }
0x302: {  	[tilespmem:s10], [sflag:$0x5] =	stream.indirect.gather [spmem:s11], $0x8, s20, s30, $0xb8;
	[tilespmem:$0x1A610] =	vst v63  }
0x303: {  	s21 =	simm.s32 $0xD3E8  }
0x304: {  	[tilespmem:s13], [sflag:$0x5] =	stream.indirect.gather [spmem:s11], $0x8, s21, s30, $0xb8;
	[tilespmem:$0x1A610] =	vst v63  }
0x305: {  	_ =	swait.ge [sflag:s31], $0x320  }
0x306: {  	[sflag:s31] =	ssyncset.done $0x0  }
0x307: {  	[sflag:s31] =	ssyncadd.s32 $0xFFFFFCE0  }
0x308: {  	_ =	swait.ge [sflag:s31], $0x320  }
0x309: {  	[sflag:s31] =	ssyncset.done $0x0  }
0x30a: {  	[sflag:s31] =	ssyncadd.s32 $0xFFFFFCE0  }
0x30b: {  	_ =	swait.ge [sflag:s31], $0x320  }
0x30c: {  	[sflag:s31] =	ssyncset.done $0x0  }
0x30d: {  	[sflag:s31] =	ssyncadd.s32 $0xFFFFFCE0  }
0x30e: {  	_ =	swait.ge [sflag:s31], $0x320  }
0x30f: {  	[sflag:s31] =	ssyncset.done $0x0  }
0x310: {  	[sflag:s31] =	ssyncadd.s32 $0xFFFFFCE0  }
0x311: {  	_ =	swait.ge [sflag:s31], $0x320  }
0x312: {  	[sflag:s31] =	ssyncset.done $0x0  }
0x313: {  	[sflag:s31] =	ssyncadd.s32 $0xFFFFFCE0  }
0x314: {  	_ =	swait.ge [sflag:s31], $0x320  }
0x315: {  	[sflag:s31] =	ssyncset.done $0x0  }
0x316: {  	[sflag:s31] =	ssyncadd.s32 $0xFFFFFCE0  }
0x317: {  	_ =	swait.ge [sflag:s31], $0x320  }
0x318: {  	[sflag:s31] =	ssyncset.done $0x0  }
0x319: {  	[sflag:s31] =	ssyncadd.s32 $0xFFFFFCE0  }
0x31a: {  	_ =	swait.ge [sflag:s31], $0x320  }
0x31b: {  	s22 =	sld [smem:$0x7F9]  }
0x31c: {  	[sflag:s31] =	ssyncset.done $0x0  }
0x31d: {  	[sflag:s31] =	ssyncadd.s32 $0xFFFFFCE0  }
0x31e: {  	[hbm4b:s22+s12] =	stream.linear.scatter [tilespmem:s2], [sflag:$0x6], $0x1900, $0x38;
	[tilespmem:$0x1A610] =	vst v63  }
0x31f: {  	_ =	swait.ge [sflag:s3], $0x1900  }
0x320: {  	[sflag:s3] =	ssyncset.done $0x0  }
0x321: {  	s23 =	simm.s32 $0xD450;
	[sflag:s3] =	ssyncadd.s32 $0xFFFFE700  }
0x322: {  	[tilespmem:s2], [sflag:$0x5] =	stream.indirect.gather [spmem:s11], $0x8, s23, s30, $0xb8;
	[tilespmem:$0x1A610] =	vst v63  }
0x323: {  	s26 =	simm.s32 $0xD4B8  }
0x324: {  	[tilespmem:s4], [sflag:$0x5] =	stream.indirect.gather [spmem:s11], $0x8, s26, s30, $0xb8;
	[tilespmem:$0x1A610] =	vst v63  }
0x325: {  	s28 =	simm.s32 $0xD520  }
0x326: {  	[tilespmem:s5], [sflag:$0x5] =	stream.indirect.gather [spmem:s11], $0x8, s28, s30, $0xb8;
	[tilespmem:$0x1A610] =	vst v63  }
0x327: {  	s29 =	simm.s32 $0xD588  }
0x328: {  	[tilespmem:s6], [sflag:$0x5] =	stream.indirect.gather [spmem:s11], $0x8, s29, s30, $0xb8;
	[tilespmem:$0x1A610] =	vst v63  }
0x329: {  	s17 =	simm.s32 $0xD5F0  }
0x32a: {  	[tilespmem:s7], [sflag:$0x5] =	stream.indirect.gather [spmem:s11], $0x8, s17, s30, $0xb8;
	[tilespmem:$0x1A610] =	vst v63  }
0x32b: {  	s20 =	simm.s32 $0xD658  }
0x32c: {  	[tilespmem:s8], [sflag:$0x5] =	stream.indirect.gather [spmem:s11], $0x8, s20, s30, $0xb8;
	[tilespmem:$0x1A610] =	vst v63  }
0x32d: {  	s21 =	simm.s32 $0xD6C0  }
0x32e: {  	[tilespmem:s10], [sflag:$0x5] =	stream.indirect.gather [spmem:s11], $0x8, s21, s30, $0xb8;
	[tilespmem:$0x1A610] =	vst v63  }
0x32f: {  	s22 =	simm.s32 $0xD728  }
0x330: {  	[tilespmem:s13], [sflag:$0x5] =	stream.indirect.gather [spmem:s11], $0x8, s22, s30, $0xb8;
	[tilespmem:$0x1A610] =	vst v63  }
0x331: {  	_ =	swait.ge [sflag:s31], $0x320  }
0x332: {  	[sflag:s31] =	ssyncset.done $0x0  }
0x333: {  	[sflag:s31] =	ssyncadd.s32 $0xFFFFFCE0  }
0x334: {  	_ =	swait.ge [sflag:s31], $0x320  }
0x335: {  	[sflag:s31] =	ssyncset.done $0x0  }
0x336: {  	[sflag:s31] =	ssyncadd.s32 $0xFFFFFCE0  }
0x337: {  	_ =	swait.ge [sflag:s31], $0x320  }
0x338: {  	[sflag:s31] =	ssyncset.done $0x0  }
0x339: {  	[sflag:s31] =	ssyncadd.s32 $0xFFFFFCE0  }
0x33a: {  	_ =	swait.ge [sflag:s31], $0x320  }
0x33b: {  	[sflag:s31] =	ssyncset.done $0x0  }
0x33c: {  	[sflag:s31] =	ssyncadd.s32 $0xFFFFFCE0  }
0x33d: {  	_ =	swait.ge [sflag:s31], $0x320  }
0x33e: {  	[sflag:s31] =	ssyncset.done $0x0  }
0x33f: {  	[sflag:s31] =	ssyncadd.s32 $0xFFFFFCE0  }
0x340: {  	_ =	swait.ge [sflag:s31], $0x320  }
0x341: {  	[sflag:s31] =	ssyncset.done $0x0  }
0x342: {  	[sflag:s31] =	ssyncadd.s32 $0xFFFFFCE0  }
0x343: {  	_ =	swait.ge [sflag:s31], $0x320  }
0x344: {  	[sflag:s31] =	ssyncset.done $0x0  }
0x345: {  	[sflag:s31] =	ssyncadd.s32 $0xFFFFFCE0  }
0x346: {  	_ =	swait.ge [sflag:s31], $0x320  }
0x347: {  	s23 =	sld [smem:$0x7FA]  }
0x348: {  	[sflag:s31] =	ssyncset.done $0x0  }
0x349: {  	[sflag:s31] =	ssyncadd.s32 $0xFFFFFCE0  }
0x34a: {  	[hbm4b:s23+s12] =	stream.linear.scatter [tilespmem:s2], [sflag:$0x6], $0x1900, $0x38;
	[tilespmem:$0x1A610] =	vst v63  }
0x34b: {  	_ =	swait.ge [sflag:s3], $0x1900  }
0x34c: {  	[sflag:s3] =	ssyncset.done $0x0  }
0x34d: {  	s26 =	simm.s32 $0xD790;
	[sflag:s3] =	ssyncadd.s32 $0xFFFFE700  }
0x34e: {  	[tilespmem:s2], [sflag:$0x5] =	stream.indirect.gather [spmem:s11], $0x8, s26, s30, $0xb8;
	[tilespmem:$0x1A610] =	vst v63  }
0x34f: {  	s28 =	simm.s32 $0xD7F8  }
0x350: {  	[tilespmem:s4], [sflag:$0x5] =	stream.indirect.gather [spmem:s11], $0x8, s28, s30, $0xb8;
	[tilespmem:$0x1A610] =	vst v63  }
0x351: {  	s29 =	simm.s32 $0xD860  }
0x352: {  	[tilespmem:s5], [sflag:$0x5] =	stream.indirect.gather [spmem:s11], $0x8, s29, s30, $0xb8;
	[tilespmem:$0x1A610] =	vst v63  }
0x353: {  	s17 =	simm.s32 $0xD8C8  }
0x354: {  	[tilespmem:s6], [sflag:$0x5] =	stream.indirect.gather [spmem:s11], $0x8, s17, s30, $0xb8;
	[tilespmem:$0x1A610] =	vst v63  }
0x355: {  	s20 =	simm.s32 $0xD930  }
0x356: {  	[tilespmem:s7], [sflag:$0x5] =	stream.indirect.gather [spmem:s11], $0x8, s20, s30, $0xb8;
	[tilespmem:$0x1A610] =	vst v63  }
0x357: {  	s21 =	simm.s32 $0xD998  }
0x358: {  	[tilespmem:s8], [sflag:$0x5] =	stream.indirect.gather [spmem:s11], $0x8, s21, s30, $0xb8;
	[tilespmem:$0x1A610] =	vst v63  }
0x359: {  	s22 =	simm.s32 $0xDA00  }
0x35a: {  	[tilespmem:s10], [sflag:$0x5] =	stream.indirect.gather [spmem:s11], $0x8, s22, s30, $0xb8;
	[tilespmem:$0x1A610] =	vst v63  }
0x35b: {  	s23 =	simm.s32 $0xDA68  }
0x35c: {  	[tilespmem:s13], [sflag:$0x5] =	stream.indirect.gather [spmem:s11], $0x8, s23, s30, $0xb8;
	[tilespmem:$0x1A610] =	vst v63  }
0x35d: {  	_ =	swait.ge [sflag:s31], $0x320  }
0x35e: {  	[sflag:s31] =	ssyncset.done $0x0  }
0x35f: {  	[sflag:s31] =	ssyncadd.s32 $0xFFFFFCE0  }
0x360: {  	_ =	swait.ge [sflag:s31], $0x320  }
0x361: {  	[sflag:s31] =	ssyncset.done $0x0  }
0x362: {  	[sflag:s31] =	ssyncadd.s32 $0xFFFFFCE0  }
0x363: {  	_ =	swait.ge [sflag:s31], $0x320  }
0x364: {  	[sflag:s31] =	ssyncset.done $0x0  }
0x365: {  	[sflag:s31] =	ssyncadd.s32 $0xFFFFFCE0  }
0x366: {  	_ =	swait.ge [sflag:s31], $0x320  }
0x367: {  	[sflag:s31] =	ssyncset.done $0x0  }
0x368: {  	[sflag:s31] =	ssyncadd.s32 $0xFFFFFCE0  }
0x369: {  	_ =	swait.ge [sflag:s31], $0x320  }
0x36a: {  	[sflag:s31] =	ssyncset.done $0x0  }
0x36b: {  	[sflag:s31] =	ssyncadd.s32 $0xFFFFFCE0  }
0x36c: {  	_ =	swait.ge [sflag:s31], $0x320  }
0x36d: {  	[sflag:s31] =	ssyncset.done $0x0  }
0x36e: {  	[sflag:s31] =	ssyncadd.s32 $0xFFFFFCE0  }
0x36f: {  	_ =	swait.ge [sflag:s31], $0x320  }
0x370: {  	[sflag:s31] =	ssyncset.done $0x0  }
0x371: {  	[sflag:s31] =	ssyncadd.s32 $0xFFFFFCE0  }
0x372: {  	_ =	swait.ge [sflag:s31], $0x320  }
0x373: {  	s26 =	sld [smem:$0x7FB]  }
0x374: {  	[sflag:s31] =	ssyncset.done $0x0  }
0x375: {  	[sflag:s31] =	ssyncadd.s32 $0xFFFFFCE0  }
0x376: {  	[hbm4b:s26+s12] =	stream.linear.scatter [tilespmem:s2], [sflag:$0x6], $0x1900, $0x38;
	[tilespmem:$0x1A610] =	vst v63  }
0x377: {  	_ =	swait.ge [sflag:s3], $0x1900  }
0x378: {  	[sflag:s3] =	ssyncset.done $0x0  }
0x379: {  	s28 =	simm.s32 $0xDAD0;
	[sflag:s3] =	ssyncadd.s32 $0xFFFFE700  }
0x37a: {  	[tilespmem:s2], [sflag:$0x5] =	stream.indirect.gather [spmem:s11], $0x8, s28, s30, $0xb8;
	[tilespmem:$0x1A610] =	vst v63  }
0x37b: {  	s29 =	simm.s32 $0xDB38  }
0x37c: {  	[tilespmem:s4], [sflag:$0x5] =	stream.indirect.gather [spmem:s11], $0x8, s29, s30, $0xb8;
	[tilespmem:$0x1A610] =	vst v63  }
0x37d: {  	s4 =	simm.s32 $0xDBA0  }
0x37e: {  	[tilespmem:s5], [sflag:$0x5] =	stream.indirect.gather [spmem:s11], $0x8, s4, s30, $0xb8;
	[tilespmem:$0x1A610] =	vst v63  }
0x37f: {  	s17 =	simm.s32 $0xDC08  }
0x380: {  	[tilespmem:s6], [sflag:$0x5] =	stream.indirect.gather [spmem:s11], $0x8, s17, s30, $0xb8;
	[tilespmem:$0x1A610] =	vst v63  }
0x381: {  	s20 =	simm.s32 $0xDC70  }
0x382: {  	[tilespmem:s7], [sflag:$0x5] =	stream.indirect.gather [spmem:s11], $0x8, s20, s30, $0xb8;
	[tilespmem:$0x1A610] =	vst v63  }
0x383: {  	s21 =	simm.s32 $0xDCD8  }
0x384: {  	[tilespmem:s8], [sflag:$0x5] =	stream.indirect.gather [spmem:s11], $0x8, s21, s30, $0xb8;
	[tilespmem:$0x1A610] =	vst v63  }
0x385: {  	s22 =	simm.s32 $0xDD40  }
0x386: {  	[tilespmem:s10], [sflag:$0x5] =	stream.indirect.gather [spmem:s11], $0x8, s22, s30, $0xb8;
	[tilespmem:$0x1A610] =	vst v63  }
0x387: {  	s23 =	simm.s32 $0xDDA8  }
0x388: {  	[tilespmem:s13], [sflag:$0x5] =	stream.indirect.gather [spmem:s11], $0x8, s23, s30, $0xb8;
	[tilespmem:$0x1A610] =	vst v63  }
0x389: {  	_ =	swait.ge [sflag:s31], $0x320  }
0x38a: {  	[sflag:s31] =	ssyncset.done $0x0  }
0x38b: {  	[sflag:s31] =	ssyncadd.s32 $0xFFFFFCE0  }
0x38c: {  	_ =	swait.ge [sflag:s31], $0x320  }
0x38d: {  	[sflag:s31] =	ssyncset.done $0x0  }
0x38e: {  	[sflag:s31] =	ssyncadd.s32 $0xFFFFFCE0  }
0x38f: {  	_ =	swait.ge [sflag:s31], $0x320  }
0x390: {  	[sflag:s31] =	ssyncset.done $0x0  }
0x391: {  	[sflag:s31] =	ssyncadd.s32 $0xFFFFFCE0  }
0x392: {  	_ =	swait.ge [sflag:s31], $0x320  }
0x393: {  	[sflag:s31] =	ssyncset.done $0x0  }
0x394: {  	[sflag:s31] =	ssyncadd.s32 $0xFFFFFCE0  }
0x395: {  	_ =	swait.ge [sflag:s31], $0x320  }
0x396: {  	[sflag:s31] =	ssyncset.done $0x0  }
0x397: {  	[sflag:s31] =	ssyncadd.s32 $0xFFFFFCE0  }
0x398: {  	_ =	swait.ge [sflag:s31], $0x320  }
0x399: {  	[sflag:s31] =	ssyncset.done $0x0  }
0x39a: {  	[sflag:s31] =	ssyncadd.s32 $0xFFFFFCE0  }
0x39b: {  	_ =	swait.ge [sflag:s31], $0x320  }
0x39c: {  	[sflag:s31] =	ssyncset.done $0x0  }
0x39d: {  	[sflag:s31] =	ssyncadd.s32 $0xFFFFFCE0  }
0x39e: {  	_ =	swait.ge [sflag:s31], $0x320  }
0x39f: {  	s26 =	sld [smem:$0x7FC]  }
0x3a0: {  	[sflag:s31] =	ssyncset.done $0x0  }
0x3a1: {  	[sflag:s31] =	ssyncadd.s32 $0xFFFFFCE0  }
0x3a2: {  	[hbm4b:s26+s12] =	stream.linear.scatter [tilespmem:s2], [sflag:$0x6], $0x1900, $0x38;
	[tilespmem:$0x1A610] =	vst v63  }
0x3a3: {  	_ =	swait.ge [sflag:s3], $0x1900  }
0x3a4: {  	s28 =	sld [smem:$0x7F5]  }
0x3a5: {  	s29 =	sld [smem:$0x7FD];
	_ =	sdelay $0x1  }
0x3a6: {  	s4 =	sadd.s32 $0x1, s28  }
0x3a7: {  	p0 =	sne.s32 s4, s29  }
.Ltmp6:
0x3a8: {  	_ = 	snop;
	(pc) =	sbr.rel @p0 .LBB3_1-.Ltmp6, $3  }
0x3a9: {  	_ =	sdelay $0x1  }
0x3aa: {  	[sflag:s3] =	ssyncset.done $0x0  }
0x3ab: {  	[sflag:s3] =	ssyncadd.s32 $0xFFFFE700  }
0x3ac: {  	_ =	sfence.sel $0x180000  }
0x3ad: {  	[bflag:$0x0] =	sbarrier.arrive $0xFFFF  }
0x3ae: {  	_ =	strace $0x90000047  }
0x3af: {  	s0 =	stileid.u32;
	[bflag:$0x2] =	sbarrier.arrive $0xFFFF  }
0x3b0: {  	p0 =	sne.s32 s0, $0x0;
	s0 =	rddreg [dreg:$0xe]  }
0x3b1: {  	s0 =	sadd.s32 @!p0 $0x100000, s0  }
0x3b2: {  	[sflag:s0] =	ssyncadd.tile.s32 @!p0 $0x1;
	_ =	shalt  }
.Lfunc_end3:
_tile_overlayer_lowered:
.L_overlay_start_3:
0x3b3: {  	(tag) =	ssettag $0x3  }
0x3b4: {  	s0 =	rddreg [dreg:$0x0];
	s2 =	stileid.u32  }
0x3b5: {  	s1 =	rddreg [dreg:$0x1];
	p0 =	sne.s32 s2, $0x0  }
0x3b6: {  	s3 =	rddreg [dreg:$0x2];
	[bflag:$0x3] =	sbarrier.arrive $0xFFFF;
	s2 =	simm.s32 @!p0 $0x1C06  }
0x3b7: {  	[timem:s3], [sflag:s2] =	dma.local @!p0 [hbm:s0], s1  }
0x3b8: {  	s0 =	simm.s32 @!p0 $0x6  }
0x3b9: {  	_ =	swait.ge @!p0 [sflag:s0], s1  }
0x3ba: {  	s1 =	ssub.s32 @!p0 $0x0, s1;
	[sflag:s0] =	ssyncset.done @!p0 $0x0  }
0x3bb: {  	[sflag:s0] =	ssyncadd.s32 @!p0 s1  }
0x3bc: {  	[bflag:$0x3] =	sbarrier.arrive $0xFFFF  }
0x3bd: {  	_ =	shalt  }

// kernel: kernel.7.cloned.1.call-start
scs
__scs_entry_jumppad:
0x0: {  	(pc) =	sbr.rel $0x88, $3  }
0x1: {  	(tag) =	ssettag $0x0;
	lr =	simm.s32 $0x1  }
0x2: {  	[smem:$0x3F96] =	sst lr;
	_ =	strace $0xD0000000  }
0x3: {  	_ = 	snop  }
0x4: {  	_ = 	snop  }
0x5: {  	_ = 	snop  }
0x6: {  	_ = 	snop  }
0x7: {  	_ = 	snop  }
__scs_overlays_trampoline_lowered:
0x8: {  	[smem:$0x3FA5] =	sst s0  }
0x9: {  	[smem:$0x3FA6] =	sst s1  }
0xa: {  	[smem:$0x3FA7] =	sst s2  }
0xb: {  	[smem:$0x3FA8] =	sst s3  }
0xc: {  	[smem:$0x3FA9] =	sst s4  }
0xd: {  	[smem:$0x3FAA] =	sst s5  }
0xe: {  	[smem:$0x3FAB] =	sst s6  }
0xf: {  	[smem:$0x3FAC] =	sst s7  }
0x10: {  	[smem:$0x3FAD] =	sst s8  }
0x11: {  	[smem:$0x3FAE] =	sst s9;
	s0 =	simm.s32 @!p0 $0x0  }
0x12: {  	s1 =	sld [smem:$0x3F94];
	s0 =	simm.s32 @p0 $0x1  }
0x13: {  	[smem:$0x3FAF] =	sst s0;
	s0 =	simm.s32 @!p1 $0x0  }
0x14: {  	s2 =	sld [smem:$0x3F93];
	s0 =	simm.s32 @p1 $0x1  }
0x15: {  	[smem:$0x3FB0] =	sst s0;
	s0 =	simm.s32 @!p2 $0x0  }
0x16: {  	s3 =	sld [smem:$0x3FDB];
	s0 =	simm.s32 @p2 $0x1  }
0x17: {  	s4 =	simm.s32 $0x1BF5;
	[smem:$0x3FB2] =	sst s0  }
0x18: {  	s0 =	sld [smem:$0x3F95];
	_ =	swait.ge [sflag:s4], $0x0  }
0x19: {  	s7 =	sld [smem:$0x3F96]  }
0x1a: {  	s8 =	sadd.s32 $0xFFFFE003, lr  }
0x1b: {  	s9 =	sadd.s32 $0xFFFFFEF7, lr;
	s5 =	simm.s32 $0xFFFFFFFF;
	p2 =	slt.u32 s8, $0xFFFFF086  }
0x1c: {  	p1 =	slt.u32 s9, $0xF7A;
	s5 =	simm.s32 @!p2 $0x0  }
0x1d: {  	s5 =	simm.s32 @p1 $0x1;
	p0 =	seq.s32 s7, s2  }
0x1e: {  	s7 =	smul.u32 @!p0 $0xF7A, s2;
	p2 =	seq.s32 @!p0 s5, $0x0  }
0x1f: {  	s9 =	smul.u32 $0xF7A, s1;
	s8 =	simm.s32 @!p0 $0x1BF5;
	p2 =	por !p2, p0  }
0x20: {  	[sflag:s8] =	ssyncset.s32 @!p0 $0xFFFFF086;
	s6 =	sadd.s32 @!p0 s3, s7;
	s7 =	simm.s32 @!p0 $0x108  }
0x21: {  	s3 =	sadd.s32 s3, s9;
	s6 =	sadd.s32 @!p0 $0x88, s6;
	s7 =	simm.s32 @p2 $0x1082  }
0x22: {  	[simem:s7], [sflag:s8] =	dma.local @!p0 [hbm:s6], $0xF7A  }
0x23: {  	s9 =	sor.u32 $0xD0000000, s2;
	s6 =	simm.s32 $0x108;
	_ =	swait.ge @!p0 [sflag:s8], $0x0  }
0x24: {  	s3 =	sadd.s32 $0x88, s3;
	s6 =	simm.s32 @!p1 $0x1082;
	[sflag:s4] =	ssyncset.s32 $0xFFFFF086  }
0x25: {  	[simem:s6], [sflag:s4] =	dma.local [hbm:s3], $0xF7A  }
0x26: {  	[smem:$0x3F96] =	sst s1;
	(tag) =	ssettag s2;
	_ =	strace s9  }
0x27: {  	s1 =	sld [smem:$0x3FA6]  }
0x28: {  	s2 =	sld [smem:$0x3FA7]  }
0x29: {  	s4 =	sld [smem:$0x3FA9]  }
0x2a: {  	p0 =	seq.s32 s5, $0x0;
	s5 =	sld [smem:$0x3FAA]  }
0x2b: {  	s6 =	sld [smem:$0x3FAB]  }
0x2c: {  	s7 =	sld [smem:$0x3FAC]  }
0x2d: {  	s3 =	simm.s32 $0x108;
	s8 =	sld [smem:$0x3FAD]  }
0x2e: {  	s3 =	simm.s32 @!p0 $0x1082;
	s9 =	sld [smem:$0x3FAE]  }
0x2f: {  	lr =	sadd.s32 s0, s3;
	s0 =	sld [smem:$0x3FA5]  }
0x30: {  	s3 =	sld [smem:$0x3FA8]  }
0x31: {  	[smem:$0x3FB1] =	sst s10  }
0x32: {  	s10 =	sld [smem:$0x3FAF];
	_ =	sdelay $0x3  }
0x33: {  	p0 =	seq.s32 s10, $0x1;
	s10 =	sld [smem:$0x3FB1];
	_ =	sdelay $0x3  }
0x34: {  	[smem:$0x3FB1] =	sst s10  }
0x35: {  	s10 =	sld [smem:$0x3FB0];
	_ =	sdelay $0x3  }
0x36: {  	p1 =	seq.s32 s10, $0x1;
	s10 =	sld [smem:$0x3FB1];
	_ =	sdelay $0x3  }
0x37: {  	[smem:$0x3FB1] =	sst s10  }
0x38: {  	s10 =	sld [smem:$0x3FB2]  }
0x39: {  	_ = 	snop;
	(pc) =	sbr.ind lr, $3  }
0x3a: {  	_ = 	snop  }
0x3b: {  	_ = 	snop  }
0x3c: {  	p2 =	seq.s32 s10, $0x1;
	s10 =	sld [smem:$0x3FB1]  }
0x3d: {  	_ =	shalt  }
0x3e: {  	_ =	shalt  }
0x3f: {  	_ =	shalt  }
0x40: {  	_ =	shalt  }
0x41: {  	_ =	shalt  }
0x42: {  	_ =	shalt  }
0x43: {  	_ =	shalt  }
0x44: {  	_ =	shalt  }
0x45: {  	_ =	shalt  }
0x46: {  	_ =	shalt  }
0x47: {  	_ =	shalt  }
0x48: {  	_ =	shalt  }
0x49: {  	_ =	shalt  }
0x4a: {  	_ =	shalt  }
0x4b: {  	_ =	shalt  }
0x4c: {  	_ =	shalt  }
0x4d: {  	_ =	shalt  }
0x4e: {  	_ =	shalt  }
0x4f: {  	_ =	shalt  }
0x50: {  	_ =	shalt  }
0x51: {  	_ =	shalt  }
0x52: {  	_ =	shalt  }
0x53: {  	_ =	shalt  }
0x54: {  	_ =	shalt  }
0x55: {  	_ =	shalt  }
0x56: {  	_ =	shalt  }
0x57: {  	_ =	shalt  }
0x58: {  	_ =	shalt  }
0x59: {  	_ =	shalt  }
0x5a: {  	_ =	shalt  }
0x5b: {  	_ =	shalt  }
0x5c: {  	_ =	shalt  }
0x5d: {  	_ =	shalt  }
0x5e: {  	_ =	shalt  }
0x5f: {  	_ =	shalt  }
0x60: {  	_ =	shalt  }
0x61: {  	_ =	shalt  }
0x62: {  	_ =	shalt  }
0x63: {  	_ =	shalt  }
0x64: {  	_ =	shalt  }
0x65: {  	_ =	shalt  }
0x66: {  	_ =	shalt  }
0x67: {  	_ =	shalt  }
0x68: {  	_ =	shalt  }
0x69: {  	_ =	shalt  }
0x6a: {  	_ =	shalt  }
0x6b: {  	_ =	shalt  }
0x6c: {  	_ =	shalt  }
0x6d: {  	_ =	shalt  }
0x6e: {  	_ =	shalt  }
0x6f: {  	_ =	shalt  }
0x70: {  	_ =	shalt  }
0x71: {  	_ =	shalt  }
0x72: {  	_ =	shalt  }
0x73: {  	_ =	shalt  }
0x74: {  	_ =	shalt  }
0x75: {  	_ =	shalt  }
0x76: {  	_ =	shalt  }
0x77: {  	_ =	shalt  }
0x78: {  	_ =	shalt  }
0x79: {  	_ =	shalt  }
0x7a: {  	_ =	shalt  }
0x7b: {  	_ =	shalt  }
0x7c: {  	_ =	shalt  }
0x7d: {  	_ =	shalt  }
0x7e: {  	_ =	shalt  }
0x7f: {  	_ =	shalt  }
0x80: {  	_ =	shalt  }
0x81: {  	_ =	shalt  }
0x82: {  	_ =	shalt  }
0x83: {  	_ =	shalt  }
0x84: {  	_ =	shalt  }
0x85: {  	_ =	shalt  }
0x86: {  	_ =	shalt  }
0x87: {  	_ =	shalt  }
.Lfunc_end0:
.L_simem_size_0:
called_computation.1_lowered:
.L_overlay_start_0:
0x88: {  	s2 =	sld [smem:$0x3FD9]  }
0x89: {  	s3 =	sld [smem:$0x3FFE];
	_ =	sdelay $0x1  }
0x8a: {  	s1 =	srdreg.scid  }
0x8b: {  	s0 =	sand.u32 $0x1, s1  }
0x8c: {  	s14 =	sshll.u32 s0, $0xA;
	s2 =	sadd.s32 s3, s2  }
0x8d: {  	s2 =	sadd.s32 s2, s14  }
0x8e: {  	[smem:$0x3FBD] =	sst s2  }
0x8f: {  	_ = 	snop  }
0x90: {  	s2 =	sld [smem:$0x3FD0];
	_ =	sdelay $0x2  }
0x91: {  	s15 =	simm.s32 $0xA;
	s4 =	simm.s32 $0x10  }
0x92: {  	[smem:s4], [sflag:s15] =	dma.local [hbm:s2], $0x1  }
0x93: {  	_ =	swait.eq [sflag:s15], $0x1  }
0x94: {  	[sflag:s15] =	ssyncset.done $0x0  }
0x95: {  	[sflag:s15] =	ssyncadd.s32 $0xFFFFFFFF  }
0x96: {  	s16 =	sld [smem:$0x10];
	(tm) =	ssettm $0x1  }
0x97: {  	s17 =	sld [smem:$0x3FFB];
	_ =	sdelay $0x3  }
0x98: {  	_ =	strace s17  }
0x99: {  	s3 =	sld [smem:$0x3FFC];
	_ =	sdelay $0x3  }
0x9a: {  	_ =	strace s3  }
0x9b: {  	s3 =	sld [smem:$0x3FFD];
	_ =	sdelay $0x3  }
0x9c: {  	_ =	strace s3  }
0x9d: {  	_ =	strace $0x8FFFFFFF  }
0x9e: {  	s18 =	sld [smem:$0x3FDB];
	_ =	sdelay $0x1  }
0x9f: {  	s19 =	simm.s32 $_scs_section_size  }
0xa0: {  	s5 =	simm.s32 $_size__tile_overlayer_lowered;
	s6 =	simm.s32 $_tile_overlayer_lowered  }
0xa1: {  	s22 =	simm.s32 $0x1BFF;
	s21 =	sshll.u32 s6, $0x1;
	s3 =	sadd.s32 s19, s18  }
0xa2: {  	s7 =	simm.s32 $0x0;
	s20 =	sshll.u32 s5, $0x1;
	s5 =	sadd.s32 s21, s3  }
0xa3: {  	[timem:s7], [sflag:s22] =	dma.local [hbm:s5], s20  }
0xa4: {  	_ =	swait.ge [sflag:s22], s20  }
0xa5: {  	s4 =	ssub.s32 $0x0, s20;
	[sflag:s22] =	ssyncset.done $0x0  }
0xa6: {  	[sflag:s22] =	ssyncadd.s32 s4;
	_ =	sdelay $0x1  }
0xa7: {  	s23 =	simm.s32 $0x1B8B  }
0xa8: {  	_ =	swait.ge [sflag:s23], $0x1  }
0xa9: {  	[sflag:s23] =	ssyncset.done $0x0  }
0xaa: {  	s25 =	simm.s32 $0x1B8E;
	s24 =	sld [smem:$0x3FFE];
	[sflag:s23] =	ssyncadd.s32 $0xFFFFFFFF  }
0xab: {  	s26 =	simm.s32 $execute0_lowered;
	[smem:$0x3FD2] =	sst s25  }
0xac: {  	s5 =	sshll.u32 s26, $0x1;
	_ =	strace $0x80000049;
	[dreg:$0x1] =	wrdreg $0xFFFFFFFF  }
0xad: {  	s28 =	simm.s32 $_size_execute0_lowered;
	s3 =	sadd.s32 s3, s5;
	[dreg:$0x0] =	wrdreg $0x0  }
0xae: {  	s5 =	sshll.u32 s28, $0x1;
	[dreg:$0x2] =	wrdreg s3  }
0xaf: {  	[dreg:$0x3] =	wrdreg s5  }
0xb0: {  	[dreg:$0x4] =	wrdreg $0xC0  }
0xb1: {  	_ =	task [dreg:s7], $0x5FFFF  }
0xb2: {  	[dreg:$0x1] =	wrdreg $0xFFFFFFFF  }
0xb3: {  	[dreg:$0x0] =	wrdreg $0x60  }
0xb4: {  	[dreg:$0x2] =	wrdreg s24  }
0xb5: {  	[dreg:$0x3] =	wrdreg s16  }
0xb6: {  	[dreg:$0x4] =	wrdreg $0x9  }
0xb7: {  	_ =	task.clear_ibuf [dreg:s7], $0x5FFFF;
	_ =	strace $0x90000049  }
0xb8: {  	s29 =	simm.s32 $0x9;
	_ =	strace $0x8000004B  }
0xb9: {  	_ =	swait.ge [sflag:s29], $0x1  }
0xba: {  	[sflag:s29] =	ssyncadd.s32 $0xFFFFFFFF  }
0xbb: {  	_ =	strace $0x9000004B  }
0xbc: {  	_ =	sfence  }
0xbd: {  	s30 =	sld [smem:$0x0];
	_ =	sdelay $0x2  }
0xbe: {  	s31 =	sshll.u32 s1, $0xD;
	s1 =	sshrl.u32 s1, $0x2  }
0xbf: {  	s3 =	sand.u32 $0x4000, s31;
	s1 =	sadd.s32 s1, s30  }
0xc0: {  	s0 =	sor.u32 s3, s0;
	s1 =	sshll.u32 s1, $0x11  }
0xc1: {  	s0 =	sor.u32 s1, s0  }
0xc2: {  	s0 =	sadd.s32 $0x8F2B, s0  }
0xc3: {  	[sflag:s0] =	ssyncadd.remote.s32 $0x1  }
0xc4: {  	_ =	sfence.sel $0xFFFF  }
0xc5: {  	[dreg:$0x0] =	wrdreg $0xFFFFFFFF;
	(pc) =	sbr.abs _section_cstart, $3  }
0xc6: {  	[dreg:$0x1] =	wrdreg $0xFFFFFFFF  }
0xc7: {  	_ =	task.clear_ibuf [dreg:s7], $0x2FFFF;
	_ =	strace $0x9FFFFFFF  }
0xc8: {  	(tm) =	ssettm $0x7FFFFFFF  }
0xc9: {  	_ =	shalt  }
tec
execute0_lowered:
.L_overlay_start_1:
0x0: {  	(tag) =	ssettag $0x1  }
0x1: {  	s10 =	rddreg [dreg:$0x0]  }
0x2: {  	s1 =	rddreg [dreg:$0x1]  }
0x3: {  	s0 =	rddreg [dreg:$0x2];
	s2 =	simm.s32 $0x0;
	s6 =	srdreg.scid  }
0x4: {  	s3 =	stileid.u32;
	s13 =	simm.s32 $0x7D00;
	s14 =	simm.s32 $0x1  }
0x5: {  	s15 =	simm.s32 $0x1900;
	s16 =	simm.s32 $0x4B00;
	s17 =	simm.s32 $0x5780  }
0x6: {  	s18 =	simm.s32 $0x3200;
	s19 =	simm.s32 $0x6400;
	s20 =	simm.s32 $0x7080  }
0x7: {  	s21 =	simm.s32 $0x0;
	[smem:$0x7FF] =	sst s2;
	s4 =	sadd.s32 $0xCCE00, s10  }
0x8: {  	s5 =	sadd.s32 $0x10B600, s10;
	s8 =	sand.u32 $0x1, s6;
	s6 =	sadd.s32 $0xFEE00, s10  }
0x9: {  	s11 =	sshll.u32 s3, $0x1;
	s7 =	sadd.s32 $0x1600, s10;
	s9 =	ssub.s32 $0x2, s8  }
0xa: {  	_ =	strace $0x8000004A;
	s11 =	sor.u32 s8, s11;
	s12 =	sshrl.u32 s9, $0x1  }
0xb: {  	s8 =	sadd.s32 $0x26E00, s10;
	s12 =	ssub.s32 s9, s12;
	s9 =	smul.u32 $0x3200, s11  }
0xc: {  	s10 =	sadd.s32 $0x1A600, s10;
	s11 =	smul.u32 $0x6400, s11;
	s12 =	smax.u32 s12, $0x1  }
.LBB2_1:
0xd: {  	[tilespmem:s13], [sflag:$0x1] =	stream.linear.gather [hbm4b:s1+s2], $0x20, $0x38;
	[tilespmem:$0x7D20] =	vst v63  }
0xe: {  	_ =	swait.ge [sflag:s14], $0x20  }
0xf: {  	[sflag:s14] =	ssyncset.done $0x0  }
0x10: {  	[sflag:s14] =	ssyncadd.s32 $0xFFFFFFE0  }
0x11: {  	v1 =	vld [tilespmem:$0x7D10]  }
0x12: {  	v0 =	vld [tilespmem:$0x7D00]  }
0x13: {  	s22 =	simm.s32 $0x0  }
.LBB2_2:
0x14: {  	s23 =	smul.u32 $0x1900, s22;
	_ =	sdelay $0x1  }
0x15: {  	s23 =	sadd.s32 s11, s23  }
0x16: {  	s23 =	sshrl.u32 s23, $0x3  }
0x17: {  	s25 =	simm.s32 $0x0;
	s24 =	sadd.s32 s4, s23  }
0x18: {  	[tilespmem:s25], [sflag:$0x1] =	stream.linear.gather [hbm4b:s24+s25], $0x1900, $0x38;
	[tilespmem:$0x7D20] =	vst v63  }
0x19: {  	_ =	swait.ge [sflag:s14], $0x1900  }
0x1a: {  	[sflag:s14] =	ssyncset.done $0x0  }
0x1b: {  	s26 =	smul.u32 $0xC80, s22;
	s24 =	sadd.s32 $0x19000, s24;
	[sflag:s14] =	ssyncadd.s32 $0xFFFFE700  }
0x1c: {  	[tilespmem:s15], [sflag:$0x1] =	stream.linear.gather [hbm4b:s24+s25], $0x1900, $0x38;
	[tilespmem:$0x7D20] =	vst v63  }
0x1d: {  	s29 =	sadd.s32 s9, s26;
	_ =	swait.ge [sflag:s14], $0x1900  }
0x1e: {  	s24 =	sshrl.u32 s29, $0x3;
	[sflag:s14] =	ssyncset.done $0x0  }
0x1f: {  	s30 =	sadd.s32 s5, s24;
	[sflag:s14] =	ssyncadd.s32 $0xFFFFE700  }
0x20: {  	[tilespmem:s16], [sflag:$0x1] =	stream.linear.gather [hbm4b:s30+s25], $0xC80, $0x38;
	[tilespmem:$0x7D20] =	vst v63  }
0x21: {  	_ =	swait.ge [sflag:s14], $0xC80  }
0x22: {  	[sflag:s14] =	ssyncset.done $0x0  }
0x23: {  	s31 =	sadd.s32 s6, s24;
	[sflag:s14] =	ssyncadd.s32 $0xFFFFF380  }
0x24: {  	[tilespmem:s17], [sflag:$0x1] =	stream.linear.gather [hbm4b:s31+s25], $0xC80, $0x38;
	[tilespmem:$0x7D20] =	vst v63  }
0x25: {  	_ =	swait.ge [sflag:s14], $0xC80  }
0x26: {  	[sflag:s14] =	ssyncset.done $0x0  }
0x27: {  	s25 =	simm.s32 $0x0;
	[sflag:s14] =	ssyncadd.s32 $0xFFFFF380  }
0x28: {  	v2 =	vld [tilespmem:s25+$0x0]  }
0x29: {  	s28 =	simm.s32 $0x0;
	s26 =	simm.s32 $0x40;
	v3 =	vld [tilespmem:s25+$0x1900]  }
.LBB2_3:
0x2a: {  	_ = 	snop  }
0x2b: {  	p0 =	sne.s32 s26, $0x63C0  }
.Ltmp0:
0x2c: {  	_ = 	snop;
	(pc) =	sbr.rel @p0 .LBB2_3-.Ltmp0, $4  }
0x2d: {  	_ = 	snop  }
0x2e: {  	s29 =	sshra.s32 s26, $0x2;
	v4 =	vadd.f32 v3, v2  }
0x2f: {  	v2 =	vld [tilespmem:s29+$0x0]  }
0x30: {  	s26 =	sadd.s32 $0x40, s26;
	v3 =	vld [tilespmem:s29+$0x1900];
	[tilespmem:s28+$0x3200] =	vst v4;
	s28 =	smov.u32 s29  }
0x31: {  	_ =	sdelay $0x3  }
0x32: {  	v2 =	vadd.f32 v3, v2;
	_ =	sdelay $0x1  }
0x33: {  	[tilespmem:s28+$0x3200] =	vst v2  }
0x34: {  	v2 =	vld [tilespmem:s25+$0x5780]  }
0x35: {  	v3 =	vld [tilespmem:s25+$0x4B00]  }
0x36: {  	s26 =	simm.s32 $0x40  }
.LBB2_5:
0x37: {  	p0 =	sne.s32 s26, $0x31C0  }
.Ltmp1:
0x38: {  	_ = 	snop;
	(pc) =	sbr.rel @p0 .LBB2_5-.Ltmp1, $4  }
0x39: {  	s28 =	sshra.s32 s26, $0x2;
	v4 =	vmul.f32 v2, v1  }
0x3a: {  	v2 =	vld [tilespmem:s28+$0x5780];
	v5 =	vmul.f32 v3, v0  }
0x3b: {  	v3 =	vld [tilespmem:s28+$0x4B00];
	[tilespmem:s25+$0x7080] =	vst v4  }
0x3c: {  	s26 =	sadd.s32 $0x40, s26;
	[tilespmem:s25+$0x6400] =	vst v5;
	s25 =	smov.u32 s28  }
0x3d: {  	_ =	sdelay $0x1  }
0x3e: {  	v2 =	vmul.f32 v2, v1  }
0x3f: {  	v3 =	vmul.f32 v3, v0  }
0x40: {  	[tilespmem:s25+$0x7080] =	vst v2  }
0x41: {  	s23 =	sadd.s32 s7, s23;
	[tilespmem:s25+$0x6400] =	vst v3  }
0x42: {  	[hbm4b:s23+s2] =	stream.linear.scatter [tilespmem:s18], [sflag:$0x1], $0x1900, $0x38;
	[tilespmem:$0x7D20] =	vst v63  }
0x43: {  	_ =	swait.ge [sflag:s14], $0x1900  }
0x44: {  	[sflag:s14] =	ssyncset.done $0x0  }
0x45: {  	s30 =	sadd.s32 s8, s24;
	[sflag:s14] =	ssyncadd.s32 $0xFFFFE700  }
0x46: {  	[hbm4b:s30+s2] =	stream.linear.scatter [tilespmem:s19], [sflag:$0x1], $0xC80, $0x38;
	[tilespmem:$0x7D20] =	vst v63  }
0x47: {  	s22 =	sadd.s32 $0x1, s22;
	_ =	swait.ge [sflag:s14], $0xC80  }
0x48: {  	p0 =	sne.s32 s22, $0x4;
	[sflag:s14] =	ssyncset.done $0x0  }
.Ltmp2:
0x49: {  	s31 =	sadd.s32 s10, s24;
	[sflag:s14] =	ssyncadd.s32 $0xFFFFF380;
	(pc) =	sbr.rel @p0 .LBB2_2-.Ltmp2, $4  }
0x4a: {  	[hbm4b:s31+s2] =	stream.linear.scatter [tilespmem:s20], [sflag:$0x1], $0xC80, $0x38;
	[tilespmem:$0x7D20] =	vst v63  }
0x4b: {  	_ =	swait.ge [sflag:s14], $0xC80  }
0x4c: {  	[sflag:s14] =	ssyncset.done $0x0  }
0x4d: {  	[sflag:s14] =	ssyncadd.s32 $0xFFFFF380  }
0x4e: {  	s21 =	sadd.s32 $0x1, s21  }
0x4f: {  	p0 =	sne.s32 s21, s12  }
.Ltmp3:
0x50: {  	_ = 	snop;
	(pc) =	sbr.rel @p0 .LBB2_1-.Ltmp3, $1  }
0x51: {  	_ =	sdelay $0x3  }
0x52: {  	_ =	sfence.sel $0x180000  }
0x53: {  	[bflag:$0x0] =	sbarrier.arrive $0xFFFF  }
0x54: {  	p0 =	sne.s32 s3, $0x0;
	_ =	strace $0x9000004A  }
0x55: {  	s0 =	sadd.s32 @!p0 $0x100000, s0;
	[bflag:$0x2] =	sbarrier.arrive $0xFFFF  }
0x56: {  	[sflag:s0] =	ssyncadd.tile.s32 @!p0 $0x1;
	_ =	shalt  }
.Lfunc_end2:
_tile_overlayer_lowered:
.L_overlay_start_2:
0x57: {  	(tag) =	ssettag $0x2  }
0x58: {  	s0 =	rddreg [dreg:$0x0];
	s2 =	stileid.u32  }
0x59: {  	s1 =	rddreg [dreg:$0x1];
	p0 =	sne.s32 s2, $0x0  }
0x5a: {  	s3 =	rddreg [dreg:$0x2];
	[bflag:$0x3] =	sbarrier.arrive $0xFFFF;
	s2 =	simm.s32 @!p0 $0x1C01  }
0x5b: {  	[timem:s3], [sflag:s2] =	dma.local @!p0 [hbm:s0], s1  }
0x5c: {  	s0 =	simm.s32 @!p0 $0x1  }
0x5d: {  	_ =	swait.ge @!p0 [sflag:s0], s1  }
0x5e: {  	s1 =	ssub.s32 @!p0 $0x0, s1;
	[sflag:s0] =	ssyncset.done @!p0 $0x0  }
0x5f: {  	[sflag:s0] =	ssyncadd.s32 @!p0 s1  }
0x60: {  	[bflag:$0x3] =	sbarrier.arrive $0xFFFF  }
0x61: {  	_ =	shalt  }

</sc_bundles>
